<compile_context>
chip_gen: v7x
topology: tpu7x:2x2x1
jax: 0.10.2.dev20260603
libtpu: 0.0.44.dev20260713+nightly
codegen_flags: <defaults>
</compile_context>

<pallas_src>
import functools

import jax
import jax.numpy as jnp
from jax import lax
from jax.experimental import pallas as pl
from jax.experimental.pallas import tpu as pltpu
from jax.experimental.pallas import tpu_sc as plsc

_EPS = 1e-5


def _gelu(t):
    return 0.5 * t * (1.0 + lax.erf(t * 0.7071067811865476))


def _bnorm(t, g, b):
    mu = jnp.mean(t, axis=0, keepdims=True)
    var = jnp.mean((t - mu) * (t - mu), axis=0, keepdims=True)
    return (t - mu) / jnp.sqrt(var + _EPS) * g + b


def _node_prep_body(gd_ref, w1_ref, b1_ref, g1_ref, be1_ref, wmsg_ref, bmsg_ref,
                    p_ref, q_ref):
    x = jnp.dot(gd_ref[...], w1_ref[...], preferred_element_type=jnp.float32)
    x = _bnorm(x + b1_ref[...], g1_ref[...], be1_ref[...])
    x = _gelu(x)
    n, d = x.shape
    wa = wmsg_ref[:d, :]
    wb = wmsg_ref[d:, :]
    p_ref[...] = jnp.zeros_like(p_ref)
    q_ref[...] = jnp.zeros_like(q_ref)
    p_ref[:n] = jnp.dot(x, wa - wb, preferred_element_type=jnp.float32) + bmsg_ref[...]
    q_ref[:n] = jnp.dot(x, wb, preferred_element_type=jnp.float32)


def _gate_body(ea_ref, wg_ref, bg_ref, gate_ref):
    z = jnp.dot(ea_ref[...], wg_ref[...], preferred_element_type=jnp.float32)
    gate_ref[...] = jax.nn.sigmoid(z + bg_ref[...])


def _tail_body(acc_ref, gd_ref, gbn_ref, bbn_ref, wm_ref, bm_ref, gm_ref, bem_ref,
               wl_ref, bl_ref, gl_ref, bel_ref, w2_ref, b2_ref, g2_ref, be2_ref,
               out_ref):
    npts = gd_ref.shape[0]
    agg = acc_ref[0, :npts] + acc_ref[1, :npts]
    y = _gelu(_bnorm(agg, gbn_ref[...], bbn_ref[...]))
    h = jnp.dot(y, wm_ref[...], preferred_element_type=jnp.float32) + bm_ref[...]
    h = _bnorm(h, gm_ref[...], bem_ref[...])
    att = jax.nn.sigmoid(jnp.max(h, axis=1, keepdims=True))
    y2 = jnp.dot(y * att, wl_ref[...], preferred_element_type=jnp.float32) + bl_ref[...]
    y2 = _bnorm(y2, gl_ref[...], bel_ref[...])
    out = jnp.dot(y2, w2_ref[...], preferred_element_type=jnp.float32) + b2_ref[...]
    out_ref[...] = _bnorm(out, g2_ref[...], be2_ref[...]) + gd_ref[...]


def _sc_edge_aggregate(p_nodes, q_nodes, gate, src, dst, n):
    d = p_nodes.shape[1]
    e = src.shape[0]
    ncores, nsub = 2, 16
    nw = ncores * nsub
    chunk = 32
    edges_per_tile = e // nw
    nchunks = edges_per_tile // chunk
    assert nchunks * chunk * nw == e
    assert nchunks >= 5
    nodes_per_tile = ((n + nsub * 8 - 1) // (nsub * 8)) * 8
    n_pad = nodes_per_tile * nsub
    zeros_blk = jnp.zeros((nodes_per_tile, d), jnp.float32)

    mesh = plsc.VectorSubcoreMesh(core_axis_name="c", subcore_axis_name="s",
                                  num_cores=ncores, num_subcores=nsub)

    @functools.partial(
        pl.kernel,
        out_type=jax.ShapeDtypeStruct((ncores, n_pad, d), jnp.float32),
        mesh=mesh,
        scratch_types=(
            [pltpu.VMEM((chunk,), jnp.int32)] * 4 +
            [pltpu.VMEM((chunk, d), jnp.float32)] * 8 +
            [pltpu.VMEM((chunk,), jnp.int32)] * 2 +
            [pltpu.VMEM_SHARED((n_pad, d), jnp.float32)] +
            [pltpu.SemaphoreType.DMA] * 10
        ),
    )
    def sc_kernel(p_hbm, q_hbm, gate_hbm, src_hbm, dst_hbm, z_hbm, out_hbm,
                  *refs):
        src_b, dst_b = refs[0:2], refs[2:4]
        p_v, q_v, g_v, pr_v = refs[4:6], refs[6:8], refs[8:10], refs[10:12]
        dr_v = refs[12:14]
        acc = refs[14]
        sem_p, sem_q = refs[15:17], refs[17:19]
        sem_g, sem_i = refs[19:21], refs[21:23]
        sem_s = refs[23:25]
        c = lax.axis_index("c")
        s = lax.axis_index("s")
        w = c * nsub + s
        pltpu.sync_copy(z_hbm, acc.at[pl.ds(s * nodes_per_tile, nodes_per_tile)])
        plsc.subcore_barrier()
        ebase = w * edges_per_tile

        def issue_idx(i, b):
            e0 = ebase + i * chunk
            pltpu.async_copy(src_hbm.at[pl.ds(e0, chunk)], src_b[b], sem_i[b])
            pltpu.async_copy(dst_hbm.at[pl.ds(e0, chunk)], dst_b[b], sem_i[b])

        def wait_idx(b):
            pltpu.make_async_copy(src_hbm.at[pl.ds(0, chunk)], src_b[b],
                                  sem_i[b]).wait()
            pltpu.make_async_copy(dst_hbm.at[pl.ds(0, chunk)], dst_b[b],
                                  sem_i[b]).wait()

        def issue(i, b):
            pltpu.async_copy(p_hbm.at[dst_b[b]], p_v[b], sem_p[b])
            pltpu.async_copy(q_hbm.at[src_b[b]], q_v[b], sem_q[b])
            pltpu.async_copy(gate_hbm.at[pl.ds(ebase + i * chunk, chunk)],
                             g_v[b], sem_g[b])

        def wait_gathers(b):
            pltpu.make_async_copy(p_hbm.at[dst_b[b]], p_v[b], sem_p[b]).wait()
            pltpu.make_async_copy(q_hbm.at[src_b[b]], q_v[b], sem_q[b]).wait()
            pltpu.make_async_copy(gate_hbm.at[pl.ds(0, chunk)], g_v[b],
                                  sem_g[b]).wait()

        def compute(b):
            def row_body(r, carry):
                for k in range(d // 16):
                    sl = pl.ds(k * 16, 16)
                    pr_v[b][r, sl] = (p_v[b][r, sl] + q_v[b][r, sl]) * g_v[b][r, sl]
                return carry

            lax.fori_loop(0, chunk, row_body, 0, unroll=False)

        def scatter(b):
            pltpu.async_copy(pr_v[b], acc.at[dr_v[b]], sem_s[b], add=True)

        def wait_scatter(b):
            pltpu.make_async_copy(pr_v[b], acc.at[dr_v[b]], sem_s[b]).wait()

        def step(i, b, wait_sc, pre_gather, pre_idx):
            wait_gathers(b)
            if pre_gather:
                wait_idx(b ^ 1)
                issue(i + 1, b ^ 1)
            if wait_sc:
                wait_scatter(b)
            for k in range(chunk // 16):
                sl = pl.ds(k * 16, 16)
                dr_v[b][sl] = dst_b[b][sl]
            compute(b)
            scatter(b)
            if pre_idx:
                issue_idx(i + 2, b)

        pltpu.sync_copy(src_hbm.at[pl.ds(ebase, chunk)], src_b[0])
        pltpu.sync_copy(dst_hbm.at[pl.ds(ebase, chunk)], dst_b[0])
        issue(0, 0)
        issue_idx(1, 1)
        step(0, 0, False, True, True)
        step(1, 1, False, True, True)

        def pair(j, carry):
            i0 = 2 * j
            step(i0, 0, True, True, True)
            step(i0 + 1, 1, True, True, True)
            return carry

        n_pairs = (nchunks - 2) // 2
        lax.fori_loop(1, n_pairs, pair, 0, unroll=False)

        for i in range(2 * n_pairs, nchunks):
            step(i, i % 2, True, i + 1 < nchunks, i + 2 < nchunks)

        wait_scatter((nchunks - 2) % 2)
        wait_scatter((nchunks - 1) % 2)
        plsc.subcore_barrier()
        pltpu.sync_copy(acc.at[pl.ds(s * nodes_per_tile, nodes_per_tile)],
                        out_hbm.at[c, pl.ds(s * nodes_per_tile, nodes_per_tile)])

    return sc_kernel(p_nodes, q_nodes, gate, src, dst, zeros_blk)


def kernel(graph_data, edge_index, edge_attr, params):
    p = params
    n, d = graph_data.shape
    e = edge_index.shape[1]
    de = edge_attr.shape[1]

    def row(v):
        return v.reshape(1, -1)

    e_unit = 32 * 32
    e_pad = ((e + e_unit - 1) // e_unit) * e_unit
    pad = e_pad - e

    p_nodes, q_nodes = pl.pallas_call(
        _node_prep_body,
        out_shape=[jax.ShapeDtypeStruct((n + 16, d), jnp.float32),
                   jax.ShapeDtypeStruct((n + 16, d), jnp.float32)],
    )(graph_data, p['W1'], row(p['b1']), row(p['g1']), row(p['be1']),
      p['Wmsg'], row(p['bmsg']))

    ea_pad = jnp.concatenate(
        [edge_attr, jnp.zeros((pad, de), jnp.float32)]) if pad else edge_attr
    src_pad = jnp.concatenate(
        [edge_index[0], jnp.full((pad,), n, jnp.int32)]) if pad else edge_index[0]
    dst_pad = jnp.concatenate(
        [edge_index[1], jnp.full((pad,), n, jnp.int32)]) if pad else edge_index[1]

    eb = 1024
    grid = e_pad // eb
    gate = pl.pallas_call(
        _gate_body,
        grid=(grid,),
        in_specs=[pl.BlockSpec((eb, de), lambda i: (i, 0)),
                  pl.BlockSpec((de, d), lambda i: (0, 0)),
                  pl.BlockSpec((1, d), lambda i: (0, 0))],
        out_specs=pl.BlockSpec((eb, d), lambda i: (i, 0)),
        out_shape=jax.ShapeDtypeStruct((e_pad, d), jnp.float32),
    )(ea_pad, p['Wgate'], row(p['bgate']))

    acc = _sc_edge_aggregate(p_nodes, q_nodes, gate, src_pad, dst_pad, n)

    out = pl.pallas_call(
        _tail_body,
        out_shape=jax.ShapeDtypeStruct((n, d), jnp.float32),
    )(acc, graph_data, row(p['gbn']), row(p['bbn']), p['Wm'], row(p['bm']),
      row(p['gm']), row(p['bem']), p['Wl'], row(p['bl']), row(p['gl']),
      row(p['bel']), p['W2'], row(p['b2']), row(p['g2']), row(p['be2']))
    return out

# --- scband reference (transcript-rebuilt; emitter-appended) ---
"""Pipeline reference for scband-gcn-metablock-73246372266485 (READ-ONLY COPY).

The authoritative reference and input builder live on the scoring server;
editing this copy changes nothing except your own understanding.
"""

import jax, jax.numpy as jnp
import numpy as np

N = 10000
E = 320000
DIM = 128
DE = 16


def _bn(x, g, b, eps=1e-5):
    mu = jnp.mean(x, axis=0)
    var = jnp.var(x, axis=0)
    return (x - mu) / jnp.sqrt(var + eps) * g + b


def setup_inputs(seed: int = 0) -> dict:
    key = jax.random.key(seed)
    ks = jax.random.split(key, 16)
    graph_data = jax.random.normal(ks[0], (N, DIM), dtype=jnp.float32)
    edge_index = jax.random.randint(ks[1], (2, E), 0, N, dtype=jnp.int32)
    edge_attr = jax.random.normal(ks[2], (E, DE), dtype=jnp.float32)

    def lin(k, fi, fo):
        return jax.random.normal(k, (fi, fo), dtype=jnp.float32) * 0.02

    params = {
        # lin1: Linear(dim,dim) + BN
        'W1': lin(ks[3], DIM, DIM), 'b1': jnp.zeros((DIM,), jnp.float32),
        'g1': jnp.ones((DIM,), jnp.float32), 'be1': jnp.zeros((DIM,), jnp.float32),
        # AdGatedEdgeConv: message Linear(2*dim,dim), gate Linear(d_edge,dim)
        'Wmsg': lin(ks[4], 2 * DIM, DIM), 'bmsg': jnp.zeros((DIM,), jnp.float32),
        'Wgate': lin(ks[5], DE, DIM), 'bgate': jnp.zeros((DIM,), jnp.float32),
        # BatchNorm(dim) after gcn
        'gbn': jnp.ones((DIM,), jnp.float32), 'bbn': jnp.zeros((DIM,), jnp.float32),
        # NodeAtt.mlp: Linear(dim,dim)+BN
        'Wm': lin(ks[6], DIM, DIM), 'bm': jnp.zeros((DIM,), jnp.float32),
        'gm': jnp.ones((DIM,), jnp.float32), 'bem': jnp.zeros((DIM,), jnp.float32),
        # NodeAtt.lin: Linear(dim,dim)+BN
        'Wl': lin(ks[7], DIM, DIM), 'bl': jnp.zeros((DIM,), jnp.float32),
        'gl': jnp.ones((DIM,), jnp.float32), 'bel': jnp.zeros((DIM,), jnp.float32),
        # lin2: Linear(dim,dim)+BN
        'W2': lin(ks[8], DIM, DIM), 'b2': jnp.zeros((DIM,), jnp.float32),
        'g2': jnp.ones((DIM,), jnp.float32), 'be2': jnp.zeros((DIM,), jnp.float32),
    }
    return {'graph_data': graph_data, 'edge_index': edge_index, 'edge_attr': edge_attr, 'params': params}


def _forward(graph_data, edge_attr, p, edge_index):
    # lin1: Linear -> BN -> GELU
    x = _bn(graph_data @ p['W1'] + p['b1'], p['g1'], p['be1'])
    x = jax.nn.gelu(x, approximate=False)
    # AdGatedEdgeConv: edge-gated EdgeConv with sum aggregation over dst nodes
    src = edge_index[0]
    dst = edge_index[1]
    x_src = jnp.take(x, src, axis=0)
    x_dst = jnp.take(x, dst, axis=0)
    m = jnp.concatenate([x_dst, x_src - x_dst], axis=1) @ p['Wmsg'] + p['bmsg']
    gate = jax.nn.sigmoid(edge_attr @ p['Wgate'] + p['bgate'])
    agg = jax.ops.segment_sum(m * gate, dst, num_segments=N)
    # bn -> GELU
    y = jax.nn.gelu(_bn(agg, p['gbn'], p['bbn']), approximate=False)
    # NodeAtt
    h = _bn(y @ p['Wm'] + p['bm'], p['gm'], p['bem'])
    att = jax.nn.sigmoid(jnp.max(h, axis=1, keepdims=True))
    y = _bn((y * att) @ p['Wl'] + p['bl'], p['gl'], p['bel'])
    # lin2 + residual
    out = _bn(y @ p['W2'] + p['b2'], p['g2'], p['be2']) + graph_data
    return out


def reference(graph_data, edge_index, edge_attr, params):
    return _forward(graph_data, edge_attr, params, edge_index)

if __name__ == "__main__":
    import jax
    _d = setup_inputs()
    print(jax.jit(kernel)(*tuple(_d.values())))

</pallas_src>

<mosaic_0001>
#map = affine_map<(d0, d1) -> (0, 0)>
#map1 = affine_map<(d0, d1) -> (0)>
#map2 = affine_map<(d0, d1) -> (0, 0, 0)>
module attributes {stable_mosaic.version = 14 : i64} {
  func.func @sc_kernel(%arg0: i32, %arg1: i32, %arg2: memref<10016x128xf32, #tpu.memory_space<hbm>>, %arg3: memref<10016x128xf32, #tpu.memory_space<hbm>>, %arg4: memref<320512x128xf32, #tpu.memory_space<hbm>>, %arg5: memref<320512xi32, #tpu.memory_space<hbm>>, %arg6: memref<320512xi32, #tpu.memory_space<hbm>>, %arg7: memref<632x128xf32, #tpu.memory_space<hbm>>, %arg8: memref<2x10112x128xf32, #tpu.memory_space<hbm>>, %arg9: memref<32xi32, #tpu.memory_space<vmem>>, %arg10: memref<32xi32, #tpu.memory_space<vmem>>, %arg11: memref<32xi32, #tpu.memory_space<vmem>>, %arg12: memref<32xi32, #tpu.memory_space<vmem>>, %arg13: memref<32x128xf32, #tpu.memory_space<vmem>>, %arg14: memref<32x128xf32, #tpu.memory_space<vmem>>, %arg15: memref<32x128xf32, #tpu.memory_space<vmem>>, %arg16: memref<32x128xf32, #tpu.memory_space<vmem>>, %arg17: memref<32x128xf32, #tpu.memory_space<vmem>>, %arg18: memref<32x128xf32, #tpu.memory_space<vmem>>, %arg19: memref<32x128xf32, #tpu.memory_space<vmem>>, %arg20: memref<32x128xf32, #tpu.memory_space<vmem>>, %arg21: memref<32xi32, #tpu.memory_space<vmem>>, %arg22: memref<32xi32, #tpu.memory_space<vmem>>, %arg23: memref<10112x128xf32, #tpu.memory_space<vmem_shared>>, %arg24: memref<!tpu.dma_semaphore, #tpu.memory_space<semaphore_mem>>, %arg25: memref<!tpu.dma_semaphore, #tpu.memory_space<semaphore_mem>>, %arg26: memref<!tpu.dma_semaphore, #tpu.memory_space<semaphore_mem>>, %arg27: memref<!tpu.dma_semaphore, #tpu.memory_space<semaphore_mem>>, %arg28: memref<!tpu.dma_semaphore, #tpu.memory_space<semaphore_mem>>, %arg29: memref<!tpu.dma_semaphore, #tpu.memory_space<semaphore_mem>>, %arg30: memref<!tpu.dma_semaphore, #tpu.memory_space<semaphore_mem>>, %arg31: memref<!tpu.dma_semaphore, #tpu.memory_space<semaphore_mem>>, %arg32: memref<!tpu.dma_semaphore, #tpu.memory_space<semaphore_mem>>, %arg33: memref<!tpu.dma_semaphore, #tpu.memory_space<semaphore_mem>>) attributes {dimension_semantics = [#tpu.dimension_semantics<core_parallel>, #tpu.dimension_semantics<subcore_parallel>], iteration_bounds = array<i64: 2, 16>, scalar_prefetch = 0 : i64, scratch_operands = 25 : i64, tpu.core_type = #tpu.core_type<sc_vector_subcore>, window_params = [{transform_indices = #map}, {transform_indices = #map}, {transform_indices = #map}, {transform_indices = #map1}, {transform_indices = #map1}, {transform_indices = #map}, {transform_indices = #map2}]} {
    %mul3A = arith.constant 16 : i32
    %mul3A_0 = arith.muli %arg0, %mul3A : i32
    %add3A = arith.addi %mul3A_0, %arg1 : i32
    %mul3A_1 = arith.constant 632 : i32
    %mul3A_2 = arith.muli %arg1, %mul3A_1 : i32
    "tpu.region"() ({
      %run_scoped3A = tpu.sem_alloc : memref<!tpu.dma_semaphore, #tpu.memory_space<semaphore_mem>>
      %dma_start3A_317 = arith.constant 0 : i32
      %dma_start3A_318 = tpu.memref_slice %arg23[%mul3A_2, %dma_start3A_317] : memref<10112x128xf32, #tpu.memory_space<vmem_shared>> -> memref<632x128xf32, #tpu.memory_space<vmem_shared>>
      tpu.enqueue_dma source(%arg7 : memref<632x128xf32, #tpu.memory_space<hbm>>) target(%dma_start3A_318 : memref<632x128xf32, #tpu.memory_space<vmem_shared>>) target_semaphore(%run_scoped3A : memref<!tpu.dma_semaphore, #tpu.memory_space<semaphore_mem>>)
      %dma_wait3A_319 = arith.constant 0 : i32
      %dma_wait3A_320 = tpu.memref_slice %arg23[%mul3A_2, %dma_wait3A_319] : memref<10112x128xf32, #tpu.memory_space<vmem_shared>> -> memref<632x128xf32, #tpu.memory_space<vmem_shared>>
      tpu.wait_dma2 semaphore(%run_scoped3A : memref<!tpu.dma_semaphore, #tpu.memory_space<semaphore_mem>>) src(%arg7 : memref<632x128xf32, #tpu.memory_space<hbm>>) dst(%dma_wait3A_320 : memref<632x128xf32, #tpu.memory_space<vmem_shared>>)
      tpu.yield
    }) : () -> ()
    %barrier3A = arith.constant 0 : index
    tpu.barrier barrier_id(%barrier3A)
    %mul3A_3 = arith.constant 10016 : i32
    %mul3A_4 = arith.muli %add3A, %mul3A_3 : i32
    "tpu.region"() ({
      %run_scoped3A = tpu.sem_alloc : memref<!tpu.dma_semaphore, #tpu.memory_space<semaphore_mem>>
      %dma_start3A_317 = tpu.memref_slice %arg5[%mul3A_4] : memref<320512xi32, #tpu.memory_space<hbm>> -> memref<32xi32, #tpu.memory_space<hbm>>
      %dma_start3A_318 = tpu.memref_slice %arg5[%mul3A_4] : memref<320512xi32, #tpu.memory_space<hbm>> -> memref<32xi32, #tpu.memory_space<hbm>>
      tpu.enqueue_dma source(%dma_start3A_318 : memref<32xi32, #tpu.memory_space<hbm>>) target(%arg9 : memref<32xi32, #tpu.memory_space<vmem>>) target_semaphore(%run_scoped3A : memref<!tpu.dma_semaphore, #tpu.memory_space<semaphore_mem>>)
      %dma_wait3A_319 = tpu.memref_slice %arg5[%mul3A_4] : memref<320512xi32, #tpu.memory_space<hbm>> -> memref<32xi32, #tpu.memory_space<hbm>>
      %dma_wait3A_320 = tpu.memref_slice %arg5[%mul3A_4] : memref<320512xi32, #tpu.memory_space<hbm>> -> memref<32xi32, #tpu.memory_space<hbm>>
      tpu.wait_dma2 semaphore(%run_scoped3A : memref<!tpu.dma_semaphore, #tpu.memory_space<semaphore_mem>>) src(%dma_wait3A_320 : memref<32xi32, #tpu.memory_space<hbm>>) dst(%arg9 : memref<32xi32, #tpu.memory_space<vmem>>)
      tpu.yield
    }) : () -> ()
    "tpu.region"() ({
      %run_scoped3A = tpu.sem_alloc : memref<!tpu.dma_semaphore, #tpu.memory_space<semaphore_mem>>
      %dma_start3A_317 = tpu.memref_slice %arg6[%mul3A_4] : memref<320512xi32, #tpu.memory_space<hbm>> -> memref<32xi32, #tpu.memory_space<hbm>>
      %dma_start3A_318 = tpu.memref_slice %arg6[%mul3A_4] : memref<320512xi32, #tpu.memory_space<hbm>> -> memref<32xi32, #tpu.memory_space<hbm>>
      tpu.enqueue_dma source(%dma_start3A_318 : memref<32xi32, #tpu.memory_space<hbm>>) target(%arg11 : memref<32xi32, #tpu.memory_space<vmem>>) target_semaphore(%run_scoped3A : memref<!tpu.dma_semaphore, #tpu.memory_space<semaphore_mem>>)
      %dma_wait3A_319 = tpu.memref_slice %arg6[%mul3A_4] : memref<320512xi32, #tpu.memory_space<hbm>> -> memref<32xi32, #tpu.memory_space<hbm>>
      %dma_wait3A_320 = tpu.memref_slice %arg6[%mul3A_4] : memref<320512xi32, #tpu.memory_space<hbm>> -> memref<32xi32, #tpu.memory_space<hbm>>
      tpu.wait_dma2 semaphore(%run_scoped3A : memref<!tpu.dma_semaphore, #tpu.memory_space<semaphore_mem>>) src(%dma_wait3A_320 : memref<32xi32, #tpu.memory_space<hbm>>) dst(%arg11 : memref<32xi32, #tpu.memory_space<vmem>>)
      tpu.yield
    }) : () -> ()
    %dma_start3A = arith.constant 0 : i32
    %dma_start3A_5 = arith.constant 0 : i32
    %dma_start3A_6 = tpu.memref_slice %arg2[%dma_start3A, %dma_start3A_5] : memref<10016x128xf32, #tpu.memory_space<hbm>> -> memref<10016x128xf32, #tpu.memory_space<hbm>>
    tpu.enqueue_indirect_dma source(%dma_start3A_6 : memref<10016x128xf32, #tpu.memory_space<hbm>>) target(%arg13 : memref<32x128xf32, #tpu.memory_space<vmem>>) offsets(%arg11 : memref<32xi32, #tpu.memory_space<vmem>>) semaphore(%arg24 : memref<!tpu.dma_semaphore, #tpu.memory_space<semaphore_mem>>)
    %dma_start3A_7 = arith.constant 0 : i32
    %dma_start3A_8 = arith.constant 0 : i32
    %dma_start3A_9 = tpu.memref_slice %arg3[%dma_start3A_7, %dma_start3A_8] : memref<10016x128xf32, #tpu.memory_space<hbm>> -> memref<10016x128xf32, #tpu.memory_space<hbm>>
    tpu.enqueue_indirect_dma source(%dma_start3A_9 : memref<10016x128xf32, #tpu.memory_space<hbm>>) target(%arg15 : memref<32x128xf32, #tpu.memory_space<vmem>>) offsets(%arg9 : memref<32xi32, #tpu.memory_space<vmem>>) semaphore(%arg26 : memref<!tpu.dma_semaphore, #tpu.memory_space<semaphore_mem>>)
    %add3A_10 = arith.constant 0 : i32
    %add3A_11 = arith.addi %mul3A_4, %add3A_10 : i32
    %dma_start3A_12 = arith.constant 0 : i32
    %dma_start3A_13 = tpu.memref_slice %arg4[%add3A_11, %dma_start3A_12] : memref<320512x128xf32, #tpu.memory_space<hbm>> -> memref<32x128xf32, #tpu.memory_space<hbm>>
    %dma_start3A_14 = arith.constant 0 : i32
    %dma_start3A_15 = tpu.memref_slice %arg4[%add3A_11, %dma_start3A_14] : memref<320512x128xf32, #tpu.memory_space<hbm>> -> memref<32x128xf32, #tpu.memory_space<hbm>>
    tpu.enqueue_dma source(%dma_start3A_15 : memref<32x128xf32, #tpu.memory_space<hbm>>) target(%arg17 : memref<32x128xf32, #tpu.memory_space<vmem>>) target_semaphore(%arg28 : memref<!tpu.dma_semaphore, #tpu.memory_space<semaphore_mem>>)
    %add3A_16 = arith.constant 32 : i32
    %add3A_17 = arith.addi %mul3A_4, %add3A_16 : i32
    %dma_start3A_18 = tpu.memref_slice %arg5[%add3A_17] : memref<320512xi32, #tpu.memory_space<hbm>> -> memref<32xi32, #tpu.memory_space<hbm>>
    %dma_start3A_19 = tpu.memref_slice %arg5[%add3A_17] : memref<320512xi32, #tpu.memory_space<hbm>> -> memref<32xi32, #tpu.memory_space<hbm>>
    tpu.enqueue_dma source(%dma_start3A_19 : memref<32xi32, #tpu.memory_space<hbm>>) target(%arg10 : memref<32xi32, #tpu.memory_space<vmem>>) target_semaphore(%arg31 : memref<!tpu.dma_semaphore, #tpu.memory_space<semaphore_mem>>)
    %dma_start3A_20 = tpu.memref_slice %arg6[%add3A_17] : memref<320512xi32, #tpu.memory_space<hbm>> -> memref<32xi32, #tpu.memory_space<hbm>>
    %dma_start3A_21 = tpu.memref_slice %arg6[%add3A_17] : memref<320512xi32, #tpu.memory_space<hbm>> -> memref<32xi32, #tpu.memory_space<hbm>>
    tpu.enqueue_dma source(%dma_start3A_21 : memref<32xi32, #tpu.memory_space<hbm>>) target(%arg12 : memref<32xi32, #tpu.memory_space<vmem>>) target_semaphore(%arg31 : memref<!tpu.dma_semaphore, #tpu.memory_space<semaphore_mem>>)
    %dma_wait3A = arith.constant 0 : i32
    %dma_wait3A_22 = arith.constant 0 : i32
    %dma_wait3A_23 = tpu.memref_slice %arg2[%dma_wait3A, %dma_wait3A_22] : memref<10016x128xf32, #tpu.memory_space<hbm>> -> memref<10016x128xf32, #tpu.memory_space<hbm>>
    tpu.wait_indirect_dma semaphore(%arg24 : memref<!tpu.dma_semaphore, #tpu.memory_space<semaphore_mem>>) src(%dma_wait3A_23 : memref<10016x128xf32, #tpu.memory_space<hbm>>) dst(%arg13 : memref<32x128xf32, #tpu.memory_space<vmem>>)
    %dma_wait3A_24 = arith.constant 0 : i32
    %dma_wait3A_25 = arith.constant 0 : i32
    %dma_wait3A_26 = tpu.memref_slice %arg3[%dma_wait3A_24, %dma_wait3A_25] : memref<10016x128xf32, #tpu.memory_space<hbm>> -> memref<10016x128xf32, #tpu.memory_space<hbm>>
    tpu.wait_indirect_dma semaphore(%arg26 : memref<!tpu.dma_semaphore, #tpu.memory_space<semaphore_mem>>) src(%dma_wait3A_26 : memref<10016x128xf32, #tpu.memory_space<hbm>>) dst(%arg15 : memref<32x128xf32, #tpu.memory_space<vmem>>)
    %dma_wait3A_27 = arith.constant 0 : i32
    %dma_wait3A_28 = arith.constant 0 : i32
    %dma_wait3A_29 = tpu.memref_slice %arg4[%dma_wait3A_27, %dma_wait3A_28] : memref<320512x128xf32, #tpu.memory_space<hbm>> -> memref<32x128xf32, #tpu.memory_space<hbm>>
    %dma_wait3A_30 = arith.constant 0 : i32
    %dma_wait3A_31 = arith.constant 0 : i32
    %dma_wait3A_32 = tpu.memref_slice %arg4[%dma_wait3A_30, %dma_wait3A_31] : memref<320512x128xf32, #tpu.memory_space<hbm>> -> memref<32x128xf32, #tpu.memory_space<hbm>>
    tpu.wait_dma2 semaphore(%arg28 : memref<!tpu.dma_semaphore, #tpu.memory_space<semaphore_mem>>) src(%dma_wait3A_32 : memref<32x128xf32, #tpu.memory_space<hbm>>) dst(%arg17 : memref<32x128xf32, #tpu.memory_space<vmem>>)
    %dma_wait3A_33 = arith.constant 0 : i32
    %dma_wait3A_34 = tpu.memref_slice %arg5[%dma_wait3A_33] : memref<320512xi32, #tpu.memory_space<hbm>> -> memref<32xi32, #tpu.memory_space<hbm>>
    %dma_wait3A_35 = arith.constant 0 : i32
    %dma_wait3A_36 = tpu.memref_slice %arg5[%dma_wait3A_35] : memref<320512xi32, #tpu.memory_space<hbm>> -> memref<32xi32, #tpu.memory_space<hbm>>
    tpu.wait_dma2 semaphore(%arg31 : memref<!tpu.dma_semaphore, #tpu.memory_space<semaphore_mem>>) src(%dma_wait3A_36 : memref<32xi32, #tpu.memory_space<hbm>>) dst(%arg10 : memref<32xi32, #tpu.memory_space<vmem>>)
    %dma_wait3A_37 = arith.constant 0 : i32
    %dma_wait3A_38 = tpu.memref_slice %arg6[%dma_wait3A_37] : memref<320512xi32, #tpu.memory_space<hbm>> -> memref<32xi32, #tpu.memory_space<hbm>>
    %dma_wait3A_39 = arith.constant 0 : i32
    %dma_wait3A_40 = tpu.memref_slice %arg6[%dma_wait3A_39] : memref<320512xi32, #tpu.memory_space<hbm>> -> memref<32xi32, #tpu.memory_space<hbm>>
    tpu.wait_dma2 semaphore(%arg31 : memref<!tpu.dma_semaphore, #tpu.memory_space<semaphore_mem>>) src(%dma_wait3A_40 : memref<32xi32, #tpu.memory_space<hbm>>) dst(%arg12 : memref<32xi32, #tpu.memory_space<vmem>>)
    %dma_start3A_41 = arith.constant 0 : i32
    %dma_start3A_42 = arith.constant 0 : i32
    %dma_start3A_43 = tpu.memref_slice %arg2[%dma_start3A_41, %dma_start3A_42] : memref<10016x128xf32, #tpu.memory_space<hbm>> -> memref<10016x128xf32, #tpu.memory_space<hbm>>
    tpu.enqueue_indirect_dma source(%dma_start3A_43 : memref<10016x128xf32, #tpu.memory_space<hbm>>) target(%arg14 : memref<32x128xf32, #tpu.memory_space<vmem>>) offsets(%arg12 : memref<32xi32, #tpu.memory_space<vmem>>) semaphore(%arg25 : memref<!tpu.dma_semaphore, #tpu.memory_space<semaphore_mem>>)
    %dma_start3A_44 = arith.constant 0 : i32
    %dma_start3A_45 = arith.constant 0 : i32
    %dma_start3A_46 = tpu.memref_slice %arg3[%dma_start3A_44, %dma_start3A_45] : memref<10016x128xf32, #tpu.memory_space<hbm>> -> memref<10016x128xf32, #tpu.memory_space<hbm>>
    tpu.enqueue_indirect_dma source(%dma_start3A_46 : memref<10016x128xf32, #tpu.memory_space<hbm>>) target(%arg16 : memref<32x128xf32, #tpu.memory_space<vmem>>) offsets(%arg10 : memref<32xi32, #tpu.memory_space<vmem>>) semaphore(%arg27 : memref<!tpu.dma_semaphore, #tpu.memory_space<semaphore_mem>>)
    %add3A_47 = arith.constant 32 : i32
    %add3A_48 = arith.addi %mul3A_4, %add3A_47 : i32
    %dma_start3A_49 = arith.constant 0 : i32
    %dma_start3A_50 = tpu.memref_slice %arg4[%add3A_48, %dma_start3A_49] : memref<320512x128xf32, #tpu.memory_space<hbm>> -> memref<32x128xf32, #tpu.memory_space<hbm>>
    %dma_start3A_51 = arith.constant 0 : i32
    %dma_start3A_52 = tpu.memref_slice %arg4[%add3A_48, %dma_start3A_51] : memref<320512x128xf32, #tpu.memory_space<hbm>> -> memref<32x128xf32, #tpu.memory_space<hbm>>
    tpu.enqueue_dma source(%dma_start3A_52 : memref<32x128xf32, #tpu.memory_space<hbm>>) target(%arg18 : memref<32x128xf32, #tpu.memory_space<vmem>>) target_semaphore(%arg29 : memref<!tpu.dma_semaphore, #tpu.memory_space<semaphore_mem>>)
    %get3A = arith.constant 0 : index
    %get3A_53 = tpu.vector_load %arg11[%get3A] {strides = array<i32>} : memref<32xi32, #tpu.memory_space<vmem>>, vector<16xi32>,
    %get3A_54 = vector.shape_cast %get3A_53 : vector<16xi32> to vector<16xi32>
    %swap3A = arith.constant 0 : index
    %swap3A_55 = tpu.vector_load %arg21[%swap3A] {strides = array<i32>} : memref<32xi32, #tpu.memory_space<vmem>>, vector<16xi32>,
    %swap3A_56 = vector.shape_cast %swap3A_55 : vector<16xi32> to vector<16xi32>
    %swap3A_57 = vector.shape_cast %get3A_54 : vector<16xi32> to vector<16xi32>
    tpu.vector_store %arg21[%swap3A], %swap3A_57 {strides = array<i32>} : memref<32xi32, #tpu.memory_space<vmem>>, vector<16xi32>,
    %get3A_58 = arith.constant 16 : index
    %get3A_59 = tpu.vector_load %arg11[%get3A_58] {strides = array<i32>} : memref<32xi32, #tpu.memory_space<vmem>>, vector<16xi32>,
    %get3A_60 = vector.shape_cast %get3A_59 : vector<16xi32> to vector<16xi32>
    %swap3A_61 = arith.constant 16 : index
    %swap3A_62 = tpu.vector_load %arg21[%swap3A_61] {strides = array<i32>} : memref<32xi32, #tpu.memory_space<vmem>>, vector<16xi32>,
    %swap3A_63 = vector.shape_cast %swap3A_62 : vector<16xi32> to vector<16xi32>
    %swap3A_64 = vector.shape_cast %get3A_60 : vector<16xi32> to vector<16xi32>
    tpu.vector_store %arg21[%swap3A_61], %swap3A_64 {strides = array<i32>} : memref<32xi32, #tpu.memory_space<vmem>>, vector<16xi32>,
    %scan3A = arith.constant 0 : i32
    %scan3A_65 = arith.constant 0 : i32
    %scan3A_66 = arith.constant 32 : i32
    %scan3A_67 = arith.addi %scan3A_65, %scan3A_66 : i32
    %scan3A_68 = arith.constant 1 : i32
    scf.for %scan3A_317 = %scan3A_65 to %scan3A_67 step %scan3A_68  : i32 {
      %get3A_318 = arith.index_cast %scan3A_317 : i32 to index
      %get3A_319 = arith.constant 0 : index
      %get3A_320 = tpu.vector_load %arg13[%get3A_318, %get3A_319] {strides = array<i32>} : memref<32x128xf32, #tpu.memory_space<vmem>>, vector<1x16xf32>,
      %get3A_321 = vector.shape_cast %get3A_320 : vector<1x16xf32> to vector<16xf32>
      %get3A_322 = arith.index_cast %scan3A_317 : i32 to index
      %get3A_323 = arith.constant 0 : index
      %get3A_324 = tpu.vector_load %arg15[%get3A_322, %get3A_323] {strides = array<i32>} : memref<32x128xf32, #tpu.memory_space<vmem>>, vector<1x16xf32>,
      %get3A_325 = vector.shape_cast %get3A_324 : vector<1x16xf32> to vector<16xf32>
      %add3A_326 = arith.addf %get3A_321, %get3A_325 : vector<16xf32>
      %get3A_327 = arith.index_cast %scan3A_317 : i32 to index
      %get3A_328 = arith.constant 0 : index
      %get3A_329 = tpu.vector_load %arg17[%get3A_327, %get3A_328] {strides = array<i32>} : memref<32x128xf32, #tpu.memory_space<vmem>>, vector<1x16xf32>,
      %get3A_330 = vector.shape_cast %get3A_329 : vector<1x16xf32> to vector<16xf32>
      %mul3A_331 = arith.mulf %add3A_326, %get3A_330 : vector<16xf32>
      %swap3A_332 = arith.index_cast %scan3A_317 : i32 to index
      %swap3A_333 = arith.constant 0 : index
      %swap3A_334 = tpu.vector_load %arg19[%swap3A_332, %swap3A_333] {strides = array<i32>} : memref<32x128xf32, #tpu.memory_space<vmem>>, vector<1x16xf32>,
      %swap3A_335 = vector.shape_cast %swap3A_334 : vector<1x16xf32> to vector<16xf32>
      %swap3A_336 = vector.shape_cast %mul3A_331 : vector<16xf32> to vector<1x16xf32>
      tpu.vector_store %arg19[%swap3A_332, %swap3A_333], %swap3A_336 {strides = array<i32>} : memref<32x128xf32, #tpu.memory_space<vmem>>, vector<1x16xf32>,
      %get3A_337 = arith.index_cast %scan3A_317 : i32 to index
      %get3A_338 = arith.constant 16 : index
      %get3A_339 = tpu.vector_load %arg13[%get3A_337, %get3A_338] {strides = array<i32>} : memref<32x128xf32, #tpu.memory_space<vmem>>, vector<1x16xf32>,
      %get3A_340 = vector.shape_cast %get3A_339 : vector<1x16xf32> to vector<16xf32>
      %get3A_341 = arith.index_cast %scan3A_317 : i32 to index
      %get3A_342 = arith.constant 16 : index
      %get3A_343 = tpu.vector_load %arg15[%get3A_341, %get3A_342] {strides = array<i32>} : memref<32x128xf32, #tpu.memory_space<vmem>>, vector<1x16xf32>,
      %get3A_344 = vector.shape_cast %get3A_343 : vector<1x16xf32> to vector<16xf32>
      %add3A_345 = arith.addf %get3A_340, %get3A_344 : vector<16xf32>
      %get3A_346 = arith.index_cast %scan3A_317 : i32 to index
      %get3A_347 = arith.constant 16 : index
      %get3A_348 = tpu.vector_load %arg17[%get3A_346, %get3A_347] {strides = array<i32>} : memref<32x128xf32, #tpu.memory_space<vmem>>, vector<1x16xf32>,
      %get3A_349 = vector.shape_cast %get3A_348 : vector<1x16xf32> to vector<16xf32>
      %mul3A_350 = arith.mulf %add3A_345, %get3A_349 : vector<16xf32>
      %swap3A_351 = arith.index_cast %scan3A_317 : i32 to index
      %swap3A_352 = arith.constant 16 : index
      %swap3A_353 = tpu.vector_load %arg19[%swap3A_351, %swap3A_352] {strides = array<i32>} : memref<32x128xf32, #tpu.memory_space<vmem>>, vector<1x16xf32>,
      %swap3A_354 = vector.shape_cast %swap3A_353 : vector<1x16xf32> to vector<16xf32>
      %swap3A_355 = vector.shape_cast %mul3A_350 : vector<16xf32> to vector<1x16xf32>
      tpu.vector_store %arg19[%swap3A_351, %swap3A_352], %swap3A_355 {strides = array<i32>} : memref<32x128xf32, #tpu.memory_space<vmem>>, vector<1x16xf32>,
      %get3A_356 = arith.index_cast %scan3A_317 : i32 to index
      %get3A_357 = arith.constant 32 : index
      %get3A_358 = tpu.vector_load %arg13[%get3A_356, %get3A_357] {strides = array<i32>} : memref<32x128xf32, #tpu.memory_space<vmem>>, vector<1x16xf32>,
      %get3A_359 = vector.shape_cast %get3A_358 : vector<1x16xf32> to vector<16xf32>
      %get3A_360 = arith.index_cast %scan3A_317 : i32 to index
      %get3A_361 = arith.constant 32 : index
      %get3A_362 = tpu.vector_load %arg15[%get3A_360, %get3A_361] {strides = array<i32>} : memref<32x128xf32, #tpu.memory_space<vmem>>, vector<1x16xf32>,
      %get3A_363 = vector.shape_cast %get3A_362 : vector<1x16xf32> to vector<16xf32>
      %add3A_364 = arith.addf %get3A_359, %get3A_363 : vector<16xf32>
      %get3A_365 = arith.index_cast %scan3A_317 : i32 to index
      %get3A_366 = arith.constant 32 : index
      %get3A_367 = tpu.vector_load %arg17[%get3A_365, %get3A_366] {strides = array<i32>} : memref<32x128xf32, #tpu.memory_space<vmem>>, vector<1x16xf32>,
      %get3A_368 = vector.shape_cast %get3A_367 : vector<1x16xf32> to vector<16xf32>
      %mul3A_369 = arith.mulf %add3A_364, %get3A_368 : vector<16xf32>
      %swap3A_370 = arith.index_cast %scan3A_317 : i32 to index
      %swap3A_371 = arith.constant 32 : index
      %swap3A_372 = tpu.vector_load %arg19[%swap3A_370, %swap3A_371] {strides = array<i32>} : memref<32x128xf32, #tpu.memory_space<vmem>>, vector<1x16xf32>,
      %swap3A_373 = vector.shape_cast %swap3A_372 : vector<1x16xf32> to vector<16xf32>
      %swap3A_374 = vector.shape_cast %mul3A_369 : vector<16xf32> to vector<1x16xf32>
      tpu.vector_store %arg19[%swap3A_370, %swap3A_371], %swap3A_374 {strides = array<i32>} : memref<32x128xf32, #tpu.memory_space<vmem>>, vector<1x16xf32>,
      %get3A_375 = arith.index_cast %scan3A_317 : i32 to index
      %get3A_376 = arith.constant 48 : index
      %get3A_377 = tpu.vector_load %arg13[%get3A_375, %get3A_376] {strides = array<i32>} : memref<32x128xf32, #tpu.memory_space<vmem>>, vector<1x16xf32>,
      %get3A_378 = vector.shape_cast %get3A_377 : vector<1x16xf32> to vector<16xf32>
      %get3A_379 = arith.index_cast %scan3A_317 : i32 to index
      %get3A_380 = arith.constant 48 : index
      %get3A_381 = tpu.vector_load %arg15[%get3A_379, %get3A_380] {strides = array<i32>} : memref<32x128xf32, #tpu.memory_space<vmem>>, vector<1x16xf32>,
      %get3A_382 = vector.shape_cast %get3A_381 : vector<1x16xf32> to vector<16xf32>
      %add3A_383 = arith.addf %get3A_378, %get3A_382 : vector<16xf32>
      %get3A_384 = arith.index_cast %scan3A_317 : i32 to index
      %get3A_385 = arith.constant 48 : index
      %get3A_386 = tpu.vector_load %arg17[%get3A_384, %get3A_385] {strides = array<i32>} : memref<32x128xf32, #tpu.memory_space<vmem>>, vector<1x16xf32>,
      %get3A_387 = vector.shape_cast %get3A_386 : vector<1x16xf32> to vector<16xf32>
      %mul3A_388 = arith.mulf %add3A_383, %get3A_387 : vector<16xf32>
      %swap3A_389 = arith.index_cast %scan3A_317 : i32 to index
      %swap3A_390 = arith.constant 48 : index
      %swap3A_391 = tpu.vector_load %arg19[%swap3A_389, %swap3A_390] {strides = array<i32>} : memref<32x128xf32, #tpu.memory_space<vmem>>, vector<1x16xf32>,
      %swap3A_392 = vector.shape_cast %swap3A_391 : vector<1x16xf32> to vector<16xf32>
      %swap3A_393 = vector.shape_cast %mul3A_388 : vector<16xf32> to vector<1x16xf32>
      tpu.vector_store %arg19[%swap3A_389, %swap3A_390], %swap3A_393 {strides = array<i32>} : memref<32x128xf32, #tpu.memory_space<vmem>>, vector<1x16xf32>,
      %get3A_394 = arith.index_cast %scan3A_317 : i32 to index
      %get3A_395 = arith.constant 64 : index
      %get3A_396 = tpu.vector_load %arg13[%get3A_394, %get3A_395] {strides = array<i32>} : memref<32x128xf32, #tpu.memory_space<vmem>>, vector<1x16xf32>,
      %get3A_397 = vector.shape_cast %get3A_396 : vector<1x16xf32> to vector<16xf32>
      %get3A_398 = arith.index_cast %scan3A_317 : i32 to index
      %get3A_399 = arith.constant 64 : index
      %get3A_400 = tpu.vector_load %arg15[%get3A_398, %get3A_399] {strides = array<i32>} : memref<32x128xf32, #tpu.memory_space<vmem>>, vector<1x16xf32>,
      %get3A_401 = vector.shape_cast %get3A_400 : vector<1x16xf32> to vector<16xf32>
      %add3A_402 = arith.addf %get3A_397, %get3A_401 : vector<16xf32>
      %get3A_403 = arith.index_cast %scan3A_317 : i32 to index
      %get3A_404 = arith.constant 64 : index
      %get3A_405 = tpu.vector_load %arg17[%get3A_403, %get3A_404] {strides = array<i32>} : memref<32x128xf32, #tpu.memory_space<vmem>>, vector<1x16xf32>,
      %get3A_406 = vector.shape_cast %get3A_405 : vector<1x16xf32> to vector<16xf32>
      %mul3A_407 = arith.mulf %add3A_402, %get3A_406 : vector<16xf32>
      %swap3A_408 = arith.index_cast %scan3A_317 : i32 to index
      %swap3A_409 = arith.constant 64 : index
      %swap3A_410 = tpu.vector_load %arg19[%swap3A_408, %swap3A_409] {strides = array<i32>} : memref<32x128xf32, #tpu.memory_space<vmem>>, vector<1x16xf32>,
      %swap3A_411 = vector.shape_cast %swap3A_410 : vector<1x16xf32> to vector<16xf32>
      %swap3A_412 = vector.shape_cast %mul3A_407 : vector<16xf32> to vector<1x16xf32>
      tpu.vector_store %arg19[%swap3A_408, %swap3A_409], %swap3A_412 {strides = array<i32>} : memref<32x128xf32, #tpu.memory_space<vmem>>, vector<1x16xf32>,
      %get3A_413 = arith.index_cast %scan3A_317 : i32 to index
      %get3A_414 = arith.constant 80 : index
      %get3A_415 = tpu.vector_load %arg13[%get3A_413, %get3A_414] {strides = array<i32>} : memref<32x128xf32, #tpu.memory_space<vmem>>, vector<1x16xf32>,
      %get3A_416 = vector.shape_cast %get3A_415 : vector<1x16xf32> to vector<16xf32>
      %get3A_417 = arith.index_cast %scan3A_317 : i32 to index
      %get3A_418 = arith.constant 80 : index
      %get3A_419 = tpu.vector_load %arg15[%get3A_417, %get3A_418] {strides = array<i32>} : memref<32x128xf32, #tpu.memory_space<vmem>>, vector<1x16xf32>,
      %get3A_420 = vector.shape_cast %get3A_419 : vector<1x16xf32> to vector<16xf32>
      %add3A_421 = arith.addf %get3A_416, %get3A_420 : vector<16xf32>
      %get3A_422 = arith.index_cast %scan3A_317 : i32 to index
      %get3A_423 = arith.constant 80 : index
      %get3A_424 = tpu.vector_load %arg17[%get3A_422, %get3A_423] {strides = array<i32>} : memref<32x128xf32, #tpu.memory_space<vmem>>, vector<1x16xf32>,
      %get3A_425 = vector.shape_cast %get3A_424 : vector<1x16xf32> to vector<16xf32>
      %mul3A_426 = arith.mulf %add3A_421, %get3A_425 : vector<16xf32>
      %swap3A_427 = arith.index_cast %scan3A_317 : i32 to index
      %swap3A_428 = arith.constant 80 : index
      %swap3A_429 = tpu.vector_load %arg19[%swap3A_427, %swap3A_428] {strides = array<i32>} : memref<32x128xf32, #tpu.memory_space<vmem>>, vector<1x16xf32>,
      %swap3A_430 = vector.shape_cast %swap3A_429 : vector<1x16xf32> to vector<16xf32>
      %swap3A_431 = vector.shape_cast %mul3A_426 : vector<16xf32> to vector<1x16xf32>
      tpu.vector_store %arg19[%swap3A_427, %swap3A_428], %swap3A_431 {strides = array<i32>} : memref<32x128xf32, #tpu.memory_space<vmem>>, vector<1x16xf32>,
      %get3A_432 = arith.index_cast %scan3A_317 : i32 to index
      %get3A_433 = arith.constant 96 : index
      %get3A_434 = tpu.vector_load %arg13[%get3A_432, %get3A_433] {strides = array<i32>} : memref<32x128xf32, #tpu.memory_space<vmem>>, vector<1x16xf32>,
      %get3A_435 = vector.shape_cast %get3A_434 : vector<1x16xf32> to vector<16xf32>
      %get3A_436 = arith.index_cast %scan3A_317 : i32 to index
      %get3A_437 = arith.constant 96 : index
      %get3A_438 = tpu.vector_load %arg15[%get3A_436, %get3A_437] {strides = array<i32>} : memref<32x128xf32, #tpu.memory_space<vmem>>, vector<1x16xf32>,
      %get3A_439 = vector.shape_cast %get3A_438 : vector<1x16xf32> to vector<16xf32>
      %add3A_440 = arith.addf %get3A_435, %get3A_439 : vector<16xf32>
      %get3A_441 = arith.index_cast %scan3A_317 : i32 to index
      %get3A_442 = arith.constant 96 : index
      %get3A_443 = tpu.vector_load %arg17[%get3A_441, %get3A_442] {strides = array<i32>} : memref<32x128xf32, #tpu.memory_space<vmem>>, vector<1x16xf32>,
      %get3A_444 = vector.shape_cast %get3A_443 : vector<1x16xf32> to vector<16xf32>
      %mul3A_445 = arith.mulf %add3A_440, %get3A_444 : vector<16xf32>
      %swap3A_446 = arith.index_cast %scan3A_317 : i32 to index
      %swap3A_447 = arith.constant 96 : index
      %swap3A_448 = tpu.vector_load %arg19[%swap3A_446, %swap3A_447] {strides = array<i32>} : memref<32x128xf32, #tpu.memory_space<vmem>>, vector<1x16xf32>,
      %swap3A_449 = vector.shape_cast %swap3A_448 : vector<1x16xf32> to vector<16xf32>
      %swap3A_450 = vector.shape_cast %mul3A_445 : vector<16xf32> to vector<1x16xf32>
      tpu.vector_store %arg19[%swap3A_446, %swap3A_447], %swap3A_450 {strides = array<i32>} : memref<32x128xf32, #tpu.memory_space<vmem>>, vector<1x16xf32>,
      %get3A_451 = arith.index_cast %scan3A_317 : i32 to index
      %get3A_452 = arith.constant 112 : index
      %get3A_453 = tpu.vector_load %arg13[%get3A_451, %get3A_452] {strides = array<i32>} : memref<32x128xf32, #tpu.memory_space<vmem>>, vector<1x16xf32>,
      %get3A_454 = vector.shape_cast %get3A_453 : vector<1x16xf32> to vector<16xf32>
      %get3A_455 = arith.index_cast %scan3A_317 : i32 to index
      %get3A_456 = arith.constant 112 : index
      %get3A_457 = tpu.vector_load %arg15[%get3A_455, %get3A_456] {strides = array<i32>} : memref<32x128xf32, #tpu.memory_space<vmem>>, vector<1x16xf32>,
      %get3A_458 = vector.shape_cast %get3A_457 : vector<1x16xf32> to vector<16xf32>
      %add3A_459 = arith.addf %get3A_454, %get3A_458 : vector<16xf32>
      %get3A_460 = arith.index_cast %scan3A_317 : i32 to index
      %get3A_461 = arith.constant 112 : index
      %get3A_462 = tpu.vector_load %arg17[%get3A_460, %get3A_461] {strides = array<i32>} : memref<32x128xf32, #tpu.memory_space<vmem>>, vector<1x16xf32>,
      %get3A_463 = vector.shape_cast %get3A_462 : vector<1x16xf32> to vector<16xf32>
      %mul3A_464 = arith.mulf %add3A_459, %get3A_463 : vector<16xf32>
      %swap3A_465 = arith.index_cast %scan3A_317 : i32 to index
      %swap3A_466 = arith.constant 112 : index
      %swap3A_467 = tpu.vector_load %arg19[%swap3A_465, %swap3A_466] {strides = array<i32>} : memref<32x128xf32, #tpu.memory_space<vmem>>, vector<1x16xf32>,
      %swap3A_468 = vector.shape_cast %swap3A_467 : vector<1x16xf32> to vector<16xf32>
      %swap3A_469 = vector.shape_cast %mul3A_464 : vector<16xf32> to vector<1x16xf32>
      tpu.vector_store %arg19[%swap3A_465, %swap3A_466], %swap3A_469 {strides = array<i32>} : memref<32x128xf32, #tpu.memory_space<vmem>>, vector<1x16xf32>,
    }
    %scan3A_69 = arith.constant 32 : i32
    %dma_start3A_70 = arith.constant 0 : i32
    %dma_start3A_71 = arith.constant 0 : i32
    %dma_start3A_72 = tpu.memref_slice %arg23[%dma_start3A_70, %dma_start3A_71] : memref<10112x128xf32, #tpu.memory_space<vmem_shared>> -> memref<10112x128xf32, #tpu.memory_space<vmem_shared>>
    tpu.enqueue_indirect_dma source(%arg19 : memref<32x128xf32, #tpu.memory_space<vmem>>) target(%dma_start3A_72 : memref<10112x128xf32, #tpu.memory_space<vmem_shared>>) offsets(%arg21 : memref<32xi32, #tpu.memory_space<vmem>>) semaphore(%arg32 : memref<!tpu.dma_semaphore, #tpu.memory_space<semaphore_mem>>) {add = true}
    %add3A_73 = arith.constant 64 : i32
    %add3A_74 = arith.addi %mul3A_4, %add3A_73 : i32
    %dma_start3A_75 = tpu.memref_slice %arg5[%add3A_74] : memref<320512xi32, #tpu.memory_space<hbm>> -> memref<32xi32, #tpu.memory_space<hbm>>
    %dma_start3A_76 = tpu.memref_slice %arg5[%add3A_74] : memref<320512xi32, #tpu.memory_space<hbm>> -> memref<32xi32, #tpu.memory_space<hbm>>
    tpu.enqueue_dma source(%dma_start3A_76 : memref<32xi32, #tpu.memory_space<hbm>>) target(%arg9 : memref<32xi32, #tpu.memory_space<vmem>>) target_semaphore(%arg30 : memref<!tpu.dma_semaphore, #tpu.memory_space<semaphore_mem>>)
    %dma_start3A_77 = tpu.memref_slice %arg6[%add3A_74] : memref<320512xi32, #tpu.memory_space<hbm>> -> memref<32xi32, #tpu.memory_space<hbm>>
    %dma_start3A_78 = tpu.memref_slice %arg6[%add3A_74] : memref<320512xi32, #tpu.memory_space<hbm>> -> memref<32xi32, #tpu.memory_space<hbm>>
    tpu.enqueue_dma source(%dma_start3A_78 : memref<32xi32, #tpu.memory_space<hbm>>) target(%arg11 : memref<32xi32, #tpu.memory_space<vmem>>) target_semaphore(%arg30 : memref<!tpu.dma_semaphore, #tpu.memory_space<semaphore_mem>>)
    %dma_wait3A_79 = arith.constant 0 : i32
    %dma_wait3A_80 = arith.constant 0 : i32
    %dma_wait3A_81 = tpu.memref_slice %arg2[%dma_wait3A_79, %dma_wait3A_80] : memref<10016x128xf32, #tpu.memory_space<hbm>> -> memref<10016x128xf32, #tpu.memory_space<hbm>>
    tpu.wait_indirect_dma semaphore(%arg25 : memref<!tpu.dma_semaphore, #tpu.memory_space<semaphore_mem>>) src(%dma_wait3A_81 : memref<10016x128xf32, #tpu.memory_space<hbm>>) dst(%arg14 : memref<32x128xf32, #tpu.memory_space<vmem>>)
    %dma_wait3A_82 = arith.constant 0 : i32
    %dma_wait3A_83 = arith.constant 0 : i32
    %dma_wait3A_84 = tpu.memref_slice %arg3[%dma_wait3A_82, %dma_wait3A_83] : memref<10016x128xf32, #tpu.memory_space<hbm>> -> memref<10016x128xf32, #tpu.memory_space<hbm>>
    tpu.wait_indirect_dma semaphore(%arg27 : memref<!tpu.dma_semaphore, #tpu.memory_space<semaphore_mem>>) src(%dma_wait3A_84 : memref<10016x128xf32, #tpu.memory_space<hbm>>) dst(%arg16 : memref<32x128xf32, #tpu.memory_space<vmem>>)
    %dma_wait3A_85 = arith.constant 0 : i32
    %dma_wait3A_86 = arith.constant 0 : i32
    %dma_wait3A_87 = tpu.memref_slice %arg4[%dma_wait3A_85, %dma_wait3A_86] : memref<320512x128xf32, #tpu.memory_space<hbm>> -> memref<32x128xf32, #tpu.memory_space<hbm>>
    %dma_wait3A_88 = arith.constant 0 : i32
    %dma_wait3A_89 = arith.constant 0 : i32
    %dma_wait3A_90 = tpu.memref_slice %arg4[%dma_wait3A_88, %dma_wait3A_89] : memref<320512x128xf32, #tpu.memory_space<hbm>> -> memref<32x128xf32, #tpu.memory_space<hbm>>
    tpu.wait_dma2 semaphore(%arg29 : memref<!tpu.dma_semaphore, #tpu.memory_space<semaphore_mem>>) src(%dma_wait3A_90 : memref<32x128xf32, #tpu.memory_space<hbm>>) dst(%arg18 : memref<32x128xf32, #tpu.memory_space<vmem>>)
    %dma_wait3A_91 = arith.constant 0 : i32
    %dma_wait3A_92 = tpu.memref_slice %arg5[%dma_wait3A_91] : memref<320512xi32, #tpu.memory_space<hbm>> -> memref<32xi32, #tpu.memory_space<hbm>>
    %dma_wait3A_93 = arith.constant 0 : i32
    %dma_wait3A_94 = tpu.memref_slice %arg5[%dma_wait3A_93] : memref<320512xi32, #tpu.memory_space<hbm>> -> memref<32xi32, #tpu.memory_space<hbm>>
    tpu.wait_dma2 semaphore(%arg30 : memref<!tpu.dma_semaphore, #tpu.memory_space<semaphore_mem>>) src(%dma_wait3A_94 : memref<32xi32, #tpu.memory_space<hbm>>) dst(%arg9 : memref<32xi32, #tpu.memory_space<vmem>>)
    %dma_wait3A_95 = arith.constant 0 : i32
    %dma_wait3A_96 = tpu.memref_slice %arg6[%dma_wait3A_95] : memref<320512xi32, #tpu.memory_space<hbm>> -> memref<32xi32, #tpu.memory_space<hbm>>
    %dma_wait3A_97 = arith.constant 0 : i32
    %dma_wait3A_98 = tpu.memref_slice %arg6[%dma_wait3A_97] : memref<320512xi32, #tpu.memory_space<hbm>> -> memref<32xi32, #tpu.memory_space<hbm>>
    tpu.wait_dma2 semaphore(%arg30 : memref<!tpu.dma_semaphore, #tpu.memory_space<semaphore_mem>>) src(%dma_wait3A_98 : memref<32xi32, #tpu.memory_space<hbm>>) dst(%arg11 : memref<32xi32, #tpu.memory_space<vmem>>)
    %dma_start3A_99 = arith.constant 0 : i32
    %dma_start3A_100 = arith.constant 0 : i32
    %dma_start3A_101 = tpu.memref_slice %arg2[%dma_start3A_99, %dma_start3A_100] : memref<10016x128xf32, #tpu.memory_space<hbm>> -> memref<10016x128xf32, #tpu.memory_space<hbm>>
    tpu.enqueue_indirect_dma source(%dma_start3A_101 : memref<10016x128xf32, #tpu.memory_space<hbm>>) target(%arg13 : memref<32x128xf32, #tpu.memory_space<vmem>>) offsets(%arg11 : memref<32xi32, #tpu.memory_space<vmem>>) semaphore(%arg24 : memref<!tpu.dma_semaphore, #tpu.memory_space<semaphore_mem>>)
    %dma_start3A_102 = arith.constant 0 : i32
    %dma_start3A_103 = arith.constant 0 : i32
    %dma_start3A_104 = tpu.memref_slice %arg3[%dma_start3A_102, %dma_start3A_103] : memref<10016x128xf32, #tpu.memory_space<hbm>> -> memref<10016x128xf32, #tpu.memory_space<hbm>>
    tpu.enqueue_indirect_dma source(%dma_start3A_104 : memref<10016x128xf32, #tpu.memory_space<hbm>>) target(%arg15 : memref<32x128xf32, #tpu.memory_space<vmem>>) offsets(%arg9 : memref<32xi32, #tpu.memory_space<vmem>>) semaphore(%arg26 : memref<!tpu.dma_semaphore, #tpu.memory_space<semaphore_mem>>)
    %add3A_105 = arith.constant 64 : i32
    %add3A_106 = arith.addi %mul3A_4, %add3A_105 : i32
    %dma_start3A_107 = arith.constant 0 : i32
    %dma_start3A_108 = tpu.memref_slice %arg4[%add3A_106, %dma_start3A_107] : memref<320512x128xf32, #tpu.memory_space<hbm>> -> memref<32x128xf32, #tpu.memory_space<hbm>>
    %dma_start3A_109 = arith.constant 0 : i32
    %dma_start3A_110 = tpu.memref_slice %arg4[%add3A_106, %dma_start3A_109] : memref<320512x128xf32, #tpu.memory_space<hbm>> -> memref<32x128xf32, #tpu.memory_space<hbm>>
    tpu.enqueue_dma source(%dma_start3A_110 : memref<32x128xf32, #tpu.memory_space<hbm>>) target(%arg17 : memref<32x128xf32, #tpu.memory_space<vmem>>) target_semaphore(%arg28 : memref<!tpu.dma_semaphore, #tpu.memory_space<semaphore_mem>>)
    %get3A_111 = arith.constant 0 : index
    %get3A_112 = tpu.vector_load %arg12[%get3A_111] {strides = array<i32>} : memref<32xi32, #tpu.memory_space<vmem>>, vector<16xi32>,
    %get3A_113 = vector.shape_cast %get3A_112 : vector<16xi32> to vector<16xi32>
    %swap3A_114 = arith.constant 0 : index
    %swap3A_115 = tpu.vector_load %arg22[%swap3A_114] {strides = array<i32>} : memref<32xi32, #tpu.memory_space<vmem>>, vector<16xi32>,
    %swap3A_116 = vector.shape_cast %swap3A_115 : vector<16xi32> to vector<16xi32>
    %swap3A_117 = vector.shape_cast %get3A_113 : vector<16xi32> to vector<16xi32>
    tpu.vector_store %arg22[%swap3A_114], %swap3A_117 {strides = array<i32>} : memref<32xi32, #tpu.memory_space<vmem>>, vector<16xi32>,
    %get3A_118 = arith.constant 16 : index
    %get3A_119 = tpu.vector_load %arg12[%get3A_118] {strides = array<i32>} : memref<32xi32, #tpu.memory_space<vmem>>, vector<16xi32>,
    %get3A_120 = vector.shape_cast %get3A_119 : vector<16xi32> to vector<16xi32>
    %swap3A_121 = arith.constant 16 : index
    %swap3A_122 = tpu.vector_load %arg22[%swap3A_121] {strides = array<i32>} : memref<32xi32, #tpu.memory_space<vmem>>, vector<16xi32>,
    %swap3A_123 = vector.shape_cast %swap3A_122 : vector<16xi32> to vector<16xi32>
    %swap3A_124 = vector.shape_cast %get3A_120 : vector<16xi32> to vector<16xi32>
    tpu.vector_store %arg22[%swap3A_121], %swap3A_124 {strides = array<i32>} : memref<32xi32, #tpu.memory_space<vmem>>, vector<16xi32>,
    %scan3A_125 = arith.constant 0 : i32
    %scan3A_126 = arith.constant 0 : i32
    %scan3A_127 = arith.constant 32 : i32
    %scan3A_128 = arith.addi %scan3A_126, %scan3A_127 : i32
    %scan3A_129 = arith.constant 1 : i32
    scf.for %scan3A_317 = %scan3A_126 to %scan3A_128 step %scan3A_129  : i32 {
      %get3A_318 = arith.index_cast %scan3A_317 : i32 to index
      %get3A_319 = arith.constant 0 : index
      %get3A_320 = tpu.vector_load %arg14[%get3A_318, %get3A_319] {strides = array<i32>} : memref<32x128xf32, #tpu.memory_space<vmem>>, vector<1x16xf32>,
      %get3A_321 = vector.shape_cast %get3A_320 : vector<1x16xf32> to vector<16xf32>
      %get3A_322 = arith.index_cast %scan3A_317 : i32 to index
      %get3A_323 = arith.constant 0 : index
      %get3A_324 = tpu.vector_load %arg16[%get3A_322, %get3A_323] {strides = array<i32>} : memref<32x128xf32, #tpu.memory_space<vmem>>, vector<1x16xf32>,
      %get3A_325 = vector.shape_cast %get3A_324 : vector<1x16xf32> to vector<16xf32>
      %add3A_326 = arith.addf %get3A_321, %get3A_325 : vector<16xf32>
      %get3A_327 = arith.index_cast %scan3A_317 : i32 to index
      %get3A_328 = arith.constant 0 : index
      %get3A_329 = tpu.vector_load %arg18[%get3A_327, %get3A_328] {strides = array<i32>} : memref<32x128xf32, #tpu.memory_space<vmem>>, vector<1x16xf32>,
      %get3A_330 = vector.shape_cast %get3A_329 : vector<1x16xf32> to vector<16xf32>
      %mul3A_331 = arith.mulf %add3A_326, %get3A_330 : vector<16xf32>
      %swap3A_332 = arith.index_cast %scan3A_317 : i32 to index
      %swap3A_333 = arith.constant 0 : index
      %swap3A_334 = tpu.vector_load %arg20[%swap3A_332, %swap3A_333] {strides = array<i32>} : memref<32x128xf32, #tpu.memory_space<vmem>>, vector<1x16xf32>,
      %swap3A_335 = vector.shape_cast %swap3A_334 : vector<1x16xf32> to vector<16xf32>
      %swap3A_336 = vector.shape_cast %mul3A_331 : vector<16xf32> to vector<1x16xf32>
      tpu.vector_store %arg20[%swap3A_332, %swap3A_333], %swap3A_336 {strides = array<i32>} : memref<32x128xf32, #tpu.memory_space<vmem>>, vector<1x16xf32>,
      %get3A_337 = arith.index_cast %scan3A_317 : i32 to index
      %get3A_338 = arith.constant 16 : index
      %get3A_339 = tpu.vector_load %arg14[%get3A_337, %get3A_338] {strides = array<i32>} : memref<32x128xf32, #tpu.memory_space<vmem>>, vector<1x16xf32>,
      %get3A_340 = vector.shape_cast %get3A_339 : vector<1x16xf32> to vector<16xf32>
      %get3A_341 = arith.index_cast %scan3A_317 : i32 to index
      %get3A_342 = arith.constant 16 : index
      %get3A_343 = tpu.vector_load %arg16[%get3A_341, %get3A_342] {strides = array<i32>} : memref<32x128xf32, #tpu.memory_space<vmem>>, vector<1x16xf32>,
      %get3A_344 = vector.shape_cast %get3A_343 : vector<1x16xf32> to vector<16xf32>
      %add3A_345 = arith.addf %get3A_340, %get3A_344 : vector<16xf32>
      %get3A_346 = arith.index_cast %scan3A_317 : i32 to index
      %get3A_347 = arith.constant 16 : index
      %get3A_348 = tpu.vector_load %arg18[%get3A_346, %get3A_347] {strides = array<i32>} : memref<32x128xf32, #tpu.memory_space<vmem>>, vector<1x16xf32>,
      %get3A_349 = vector.shape_cast %get3A_348 : vector<1x16xf32> to vector<16xf32>
      %mul3A_350 = arith.mulf %add3A_345, %get3A_349 : vector<16xf32>
      %swap3A_351 = arith.index_cast %scan3A_317 : i32 to index
      %swap3A_352 = arith.constant 16 : index
      %swap3A_353 = tpu.vector_load %arg20[%swap3A_351, %swap3A_352] {strides = array<i32>} : memref<32x128xf32, #tpu.memory_space<vmem>>, vector<1x16xf32>,
      %swap3A_354 = vector.shape_cast %swap3A_353 : vector<1x16xf32> to vector<16xf32>
      %swap3A_355 = vector.shape_cast %mul3A_350 : vector<16xf32> to vector<1x16xf32>
      tpu.vector_store %arg20[%swap3A_351, %swap3A_352], %swap3A_355 {strides = array<i32>} : memref<32x128xf32, #tpu.memory_space<vmem>>, vector<1x16xf32>,
      %get3A_356 = arith.index_cast %scan3A_317 : i32 to index
      %get3A_357 = arith.constant 32 : index
      %get3A_358 = tpu.vector_load %arg14[%get3A_356, %get3A_357] {strides = array<i32>} : memref<32x128xf32, #tpu.memory_space<vmem>>, vector<1x16xf32>,
      %get3A_359 = vector.shape_cast %get3A_358 : vector<1x16xf32> to vector<16xf32>
      %get3A_360 = arith.index_cast %scan3A_317 : i32 to index
      %get3A_361 = arith.constant 32 : index
      %get3A_362 = tpu.vector_load %arg16[%get3A_360, %get3A_361] {strides = array<i32>} : memref<32x128xf32, #tpu.memory_space<vmem>>, vector<1x16xf32>,
      %get3A_363 = vector.shape_cast %get3A_362 : vector<1x16xf32> to vector<16xf32>
      %add3A_364 = arith.addf %get3A_359, %get3A_363 : vector<16xf32>
      %get3A_365 = arith.index_cast %scan3A_317 : i32 to index
      %get3A_366 = arith.constant 32 : index
      %get3A_367 = tpu.vector_load %arg18[%get3A_365, %get3A_366] {strides = array<i32>} : memref<32x128xf32, #tpu.memory_space<vmem>>, vector<1x16xf32>,
      %get3A_368 = vector.shape_cast %get3A_367 : vector<1x16xf32> to vector<16xf32>
      %mul3A_369 = arith.mulf %add3A_364, %get3A_368 : vector<16xf32>
      %swap3A_370 = arith.index_cast %scan3A_317 : i32 to index
      %swap3A_371 = arith.constant 32 : index
      %swap3A_372 = tpu.vector_load %arg20[%swap3A_370, %swap3A_371] {strides = array<i32>} : memref<32x128xf32, #tpu.memory_space<vmem>>, vector<1x16xf32>,
      %swap3A_373 = vector.shape_cast %swap3A_372 : vector<1x16xf32> to vector<16xf32>
      %swap3A_374 = vector.shape_cast %mul3A_369 : vector<16xf32> to vector<1x16xf32>
      tpu.vector_store %arg20[%swap3A_370, %swap3A_371], %swap3A_374 {strides = array<i32>} : memref<32x128xf32, #tpu.memory_space<vmem>>, vector<1x16xf32>,
      %get3A_375 = arith.index_cast %scan3A_317 : i32 to index
      %get3A_376 = arith.constant 48 : index
      %get3A_377 = tpu.vector_load %arg14[%get3A_375, %get3A_376] {strides = array<i32>} : memref<32x128xf32, #tpu.memory_space<vmem>>, vector<1x16xf32>,
      %get3A_378 = vector.shape_cast %get3A_377 : vector<1x16xf32> to vector<16xf32>
      %get3A_379 = arith.index_cast %scan3A_317 : i32 to index
      %get3A_380 = arith.constant 48 : index
      %get3A_381 = tpu.vector_load %arg16[%get3A_379, %get3A_380] {strides = array<i32>} : memref<32x128xf32, #tpu.memory_space<vmem>>, vector<1x16xf32>,
      %get3A_382 = vector.shape_cast %get3A_381 : vector<1x16xf32> to vector<16xf32>
      %add3A_383 = arith.addf %get3A_378, %get3A_382 : vector<16xf32>
      %get3A_384 = arith.index_cast %scan3A_317 : i32 to index
      %get3A_385 = arith.constant 48 : index
      %get3A_386 = tpu.vector_load %arg18[%get3A_384, %get3A_385] {strides = array<i32>} : memref<32x128xf32, #tpu.memory_space<vmem>>, vector<1x16xf32>,
      %get3A_387 = vector.shape_cast %get3A_386 : vector<1x16xf32> to vector<16xf32>
      %mul3A_388 = arith.mulf %add3A_383, %get3A_387 : vector<16xf32>
      %swap3A_389 = arith.index_cast %scan3A_317 : i32 to index
      %swap3A_390 = arith.constant 48 : index
      %swap3A_391 = tpu.vector_load %arg20[%swap3A_389, %swap3A_390] {strides = array<i32>} : memref<32x128xf32, #tpu.memory_space<vmem>>, vector<1x16xf32>,
      %swap3A_392 = vector.shape_cast %swap3A_391 : vector<1x16xf32> to vector<16xf32>
      %swap3A_393 = vector.shape_cast %mul3A_388 : vector<16xf32> to vector<1x16xf32>
      tpu.vector_store %arg20[%swap3A_389, %swap3A_390], %swap3A_393 {strides = array<i32>} : memref<32x128xf32, #tpu.memory_space<vmem>>, vector<1x16xf32>,
      %get3A_394 = arith.index_cast %scan3A_317 : i32 to index
      %get3A_395 = arith.constant 64 : index
      %get3A_396 = tpu.vector_load %arg14[%get3A_394, %get3A_395] {strides = array<i32>} : memref<32x128xf32, #tpu.memory_space<vmem>>, vector<1x16xf32>,
      %get3A_397 = vector.shape_cast %get3A_396 : vector<1x16xf32> to vector<16xf32>
      %get3A_398 = arith.index_cast %scan3A_317 : i32 to index
      %get3A_399 = arith.constant 64 : index
      %get3A_400 = tpu.vector_load %arg16[%get3A_398, %get3A_399] {strides = array<i32>} : memref<32x128xf32, #tpu.memory_space<vmem>>, vector<1x16xf32>,
      %get3A_401 = vector.shape_cast %get3A_400 : vector<1x16xf32> to vector<16xf32>
      %add3A_402 = arith.addf %get3A_397, %get3A_401 : vector<16xf32>
      %get3A_403 = arith.index_cast %scan3A_317 : i32 to index
      %get3A_404 = arith.constant 64 : index
      %get3A_405 = tpu.vector_load %arg18[%get3A_403, %get3A_404] {strides = array<i32>} : memref<32x128xf32, #tpu.memory_space<vmem>>, vector<1x16xf32>,
      %get3A_406 = vector.shape_cast %get3A_405 : vector<1x16xf32> to vector<16xf32>
      %mul3A_407 = arith.mulf %add3A_402, %get3A_406 : vector<16xf32>
      %swap3A_408 = arith.index_cast %scan3A_317 : i32 to index
      %swap3A_409 = arith.constant 64 : index
      %swap3A_410 = tpu.vector_load %arg20[%swap3A_408, %swap3A_409] {strides = array<i32>} : memref<32x128xf32, #tpu.memory_space<vmem>>, vector<1x16xf32>,
      %swap3A_411 = vector.shape_cast %swap3A_410 : vector<1x16xf32> to vector<16xf32>
      %swap3A_412 = vector.shape_cast %mul3A_407 : vector<16xf32> to vector<1x16xf32>
      tpu.vector_store %arg20[%swap3A_408, %swap3A_409], %swap3A_412 {strides = array<i32>} : memref<32x128xf32, #tpu.memory_space<vmem>>, vector<1x16xf32>,
      %get3A_413 = arith.index_cast %scan3A_317 : i32 to index
      %get3A_414 = arith.constant 80 : index
      %get3A_415 = tpu.vector_load %arg14[%get3A_413, %get3A_414] {strides = array<i32>} : memref<32x128xf32, #tpu.memory_space<vmem>>, vector<1x16xf32>,
      %get3A_416 = vector.shape_cast %get3A_415 : vector<1x16xf32> to vector<16xf32>
      %get3A_417 = arith.index_cast %scan3A_317 : i32 to index
      %get3A_418 = arith.constant 80 : index
      %get3A_419 = tpu.vector_load %arg16[%get3A_417, %get3A_418] {strides = array<i32>} : memref<32x128xf32, #tpu.memory_space<vmem>>, vector<1x16xf32>,
      %get3A_420 = vector.shape_cast %get3A_419 : vector<1x16xf32> to vector<16xf32>
      %add3A_421 = arith.addf %get3A_416, %get3A_420 : vector<16xf32>
      %get3A_422 = arith.index_cast %scan3A_317 : i32 to index
      %get3A_423 = arith.constant 80 : index
      %get3A_424 = tpu.vector_load %arg18[%get3A_422, %get3A_423] {strides = array<i32>} : memref<32x128xf32, #tpu.memory_space<vmem>>, vector<1x16xf32>,
      %get3A_425 = vector.shape_cast %get3A_424 : vector<1x16xf32> to vector<16xf32>
      %mul3A_426 = arith.mulf %add3A_421, %get3A_425 : vector<16xf32>
      %swap3A_427 = arith.index_cast %scan3A_317 : i32 to index
      %swap3A_428 = arith.constant 80 : index
      %swap3A_429 = tpu.vector_load %arg20[%swap3A_427, %swap3A_428] {strides = array<i32>} : memref<32x128xf32, #tpu.memory_space<vmem>>, vector<1x16xf32>,
      %swap3A_430 = vector.shape_cast %swap3A_429 : vector<1x16xf32> to vector<16xf32>
      %swap3A_431 = vector.shape_cast %mul3A_426 : vector<16xf32> to vector<1x16xf32>
      tpu.vector_store %arg20[%swap3A_427, %swap3A_428], %swap3A_431 {strides = array<i32>} : memref<32x128xf32, #tpu.memory_space<vmem>>, vector<1x16xf32>,
      %get3A_432 = arith.index_cast %scan3A_317 : i32 to index
      %get3A_433 = arith.constant 96 : index
      %get3A_434 = tpu.vector_load %arg14[%get3A_432, %get3A_433] {strides = array<i32>} : memref<32x128xf32, #tpu.memory_space<vmem>>, vector<1x16xf32>,
      %get3A_435 = vector.shape_cast %get3A_434 : vector<1x16xf32> to vector<16xf32>
      %get3A_436 = arith.index_cast %scan3A_317 : i32 to index
      %get3A_437 = arith.constant 96 : index
      %get3A_438 = tpu.vector_load %arg16[%get3A_436, %get3A_437] {strides = array<i32>} : memref<32x128xf32, #tpu.memory_space<vmem>>, vector<1x16xf32>,
      %get3A_439 = vector.shape_cast %get3A_438 : vector<1x16xf32> to vector<16xf32>
      %add3A_440 = arith.addf %get3A_435, %get3A_439 : vector<16xf32>
      %get3A_441 = arith.index_cast %scan3A_317 : i32 to index
      %get3A_442 = arith.constant 96 : index
      %get3A_443 = tpu.vector_load %arg18[%get3A_441, %get3A_442] {strides = array<i32>} : memref<32x128xf32, #tpu.memory_space<vmem>>, vector<1x16xf32>,
      %get3A_444 = vector.shape_cast %get3A_443 : vector<1x16xf32> to vector<16xf32>
      %mul3A_445 = arith.mulf %add3A_440, %get3A_444 : vector<16xf32>
      %swap3A_446 = arith.index_cast %scan3A_317 : i32 to index
      %swap3A_447 = arith.constant 96 : index
      %swap3A_448 = tpu.vector_load %arg20[%swap3A_446, %swap3A_447] {strides = array<i32>} : memref<32x128xf32, #tpu.memory_space<vmem>>, vector<1x16xf32>,
      %swap3A_449 = vector.shape_cast %swap3A_448 : vector<1x16xf32> to vector<16xf32>
      %swap3A_450 = vector.shape_cast %mul3A_445 : vector<16xf32> to vector<1x16xf32>
      tpu.vector_store %arg20[%swap3A_446, %swap3A_447], %swap3A_450 {strides = array<i32>} : memref<32x128xf32, #tpu.memory_space<vmem>>, vector<1x16xf32>,
      %get3A_451 = arith.index_cast %scan3A_317 : i32 to index
      %get3A_452 = arith.constant 112 : index
      %get3A_453 = tpu.vector_load %arg14[%get3A_451, %get3A_452] {strides = array<i32>} : memref<32x128xf32, #tpu.memory_space<vmem>>, vector<1x16xf32>,
      %get3A_454 = vector.shape_cast %get3A_453 : vector<1x16xf32> to vector<16xf32>
      %get3A_455 = arith.index_cast %scan3A_317 : i32 to index
      %get3A_456 = arith.constant 112 : index
      %get3A_457 = tpu.vector_load %arg16[%get3A_455, %get3A_456] {strides = array<i32>} : memref<32x128xf32, #tpu.memory_space<vmem>>, vector<1x16xf32>,
      %get3A_458 = vector.shape_cast %get3A_457 : vector<1x16xf32> to vector<16xf32>
      %add3A_459 = arith.addf %get3A_454, %get3A_458 : vector<16xf32>
      %get3A_460 = arith.index_cast %scan3A_317 : i32 to index
      %get3A_461 = arith.constant 112 : index
      %get3A_462 = tpu.vector_load %arg18[%get3A_460, %get3A_461] {strides = array<i32>} : memref<32x128xf32, #tpu.memory_space<vmem>>, vector<1x16xf32>,
      %get3A_463 = vector.shape_cast %get3A_462 : vector<1x16xf32> to vector<16xf32>
      %mul3A_464 = arith.mulf %add3A_459, %get3A_463 : vector<16xf32>
      %swap3A_465 = arith.index_cast %scan3A_317 : i32 to index
      %swap3A_466 = arith.constant 112 : index
      %swap3A_467 = tpu.vector_load %arg20[%swap3A_465, %swap3A_466] {strides = array<i32>} : memref<32x128xf32, #tpu.memory_space<vmem>>, vector<1x16xf32>,
      %swap3A_468 = vector.shape_cast %swap3A_467 : vector<1x16xf32> to vector<16xf32>
      %swap3A_469 = vector.shape_cast %mul3A_464 : vector<16xf32> to vector<1x16xf32>
      tpu.vector_store %arg20[%swap3A_465, %swap3A_466], %swap3A_469 {strides = array<i32>} : memref<32x128xf32, #tpu.memory_space<vmem>>, vector<1x16xf32>,
    }
    %scan3A_130 = arith.constant 32 : i32
    %dma_start3A_131 = arith.constant 0 : i32
    %dma_start3A_132 = arith.constant 0 : i32
    %dma_start3A_133 = tpu.memref_slice %arg23[%dma_start3A_131, %dma_start3A_132] : memref<10112x128xf32, #tpu.memory_space<vmem_shared>> -> memref<10112x128xf32, #tpu.memory_space<vmem_shared>>
    tpu.enqueue_indirect_dma source(%arg20 : memref<32x128xf32, #tpu.memory_space<vmem>>) target(%dma_start3A_133 : memref<10112x128xf32, #tpu.memory_space<vmem_shared>>) offsets(%arg22 : memref<32xi32, #tpu.memory_space<vmem>>) semaphore(%arg33 : memref<!tpu.dma_semaphore, #tpu.memory_space<semaphore_mem>>) {add = true}
    %add3A_134 = arith.constant 96 : i32
    %add3A_135 = arith.addi %mul3A_4, %add3A_134 : i32
    %dma_start3A_136 = tpu.memref_slice %arg5[%add3A_135] : memref<320512xi32, #tpu.memory_space<hbm>> -> memref<32xi32, #tpu.memory_space<hbm>>
    %dma_start3A_137 = tpu.memref_slice %arg5[%add3A_135] : memref<320512xi32, #tpu.memory_space<hbm>> -> memref<32xi32, #tpu.memory_space<hbm>>
    tpu.enqueue_dma source(%dma_start3A_137 : memref<32xi32, #tpu.memory_space<hbm>>) target(%arg10 : memref<32xi32, #tpu.memory_space<vmem>>) target_semaphore(%arg31 : memref<!tpu.dma_semaphore, #tpu.memory_space<semaphore_mem>>)
    %dma_start3A_138 = tpu.memref_slice %arg6[%add3A_135] : memref<320512xi32, #tpu.memory_space<hbm>> -> memref<32xi32, #tpu.memory_space<hbm>>
    %dma_start3A_139 = tpu.memref_slice %arg6[%add3A_135] : memref<320512xi32, #tpu.memory_space<hbm>> -> memref<32xi32, #tpu.memory_space<hbm>>
    tpu.enqueue_dma source(%dma_start3A_139 : memref<32xi32, #tpu.memory_space<hbm>>) target(%arg12 : memref<32xi32, #tpu.memory_space<vmem>>) target_semaphore(%arg31 : memref<!tpu.dma_semaphore, #tpu.memory_space<semaphore_mem>>)
    %scan3A_140 = arith.constant 0 : i32
    %scan3A_141 = arith.constant 1 : i32
    %scan3A_142 = arith.constant 154 : i32
    %scan3A_143 = arith.addi %scan3A_141, %scan3A_142 : i32
    %scan3A_144 = arith.constant 1 : i32
    scf.for %scan3A_317 = %scan3A_141 to %scan3A_143 step %scan3A_144  : i32 {
      %mul3A_318 = arith.constant 2 : i32
      %mul3A_319 = arith.muli %mul3A_318, %scan3A_317 : i32
      %dma_wait3A_320 = arith.constant 0 : i32
      %dma_wait3A_321 = arith.constant 0 : i32
      %dma_wait3A_322 = tpu.memref_slice %arg2[%dma_wait3A_320, %dma_wait3A_321] : memref<10016x128xf32, #tpu.memory_space<hbm>> -> memref<10016x128xf32, #tpu.memory_space<hbm>>
      tpu.wait_indirect_dma semaphore(%arg24 : memref<!tpu.dma_semaphore, #tpu.memory_space<semaphore_mem>>) src(%dma_wait3A_322 : memref<10016x128xf32, #tpu.memory_space<hbm>>) dst(%arg13 : memref<32x128xf32, #tpu.memory_space<vmem>>)
      %dma_wait3A_323 = arith.constant 0 : i32
      %dma_wait3A_324 = arith.constant 0 : i32
      %dma_wait3A_325 = tpu.memref_slice %arg3[%dma_wait3A_323, %dma_wait3A_324] : memref<10016x128xf32, #tpu.memory_space<hbm>> -> memref<10016x128xf32, #tpu.memory_space<hbm>>
      tpu.wait_indirect_dma semaphore(%arg26 : memref<!tpu.dma_semaphore, #tpu.memory_space<semaphore_mem>>) src(%dma_wait3A_325 : memref<10016x128xf32, #tpu.memory_space<hbm>>) dst(%arg15 : memref<32x128xf32, #tpu.memory_space<vmem>>)
      %dma_wait3A_326 = arith.constant 0 : i32
      %dma_wait3A_327 = arith.constant 0 : i32
      %dma_wait3A_328 = tpu.memref_slice %arg4[%dma_wait3A_326, %dma_wait3A_327] : memref<320512x128xf32, #tpu.memory_space<hbm>> -> memref<32x128xf32, #tpu.memory_space<hbm>>
      %dma_wait3A_329 = arith.constant 0 : i32
      %dma_wait3A_330 = arith.constant 0 : i32
      %dma_wait3A_331 = tpu.memref_slice %arg4[%dma_wait3A_329, %dma_wait3A_330] : memref<320512x128xf32, #tpu.memory_space<hbm>> -> memref<32x128xf32, #tpu.memory_space<hbm>>
      tpu.wait_dma2 semaphore(%arg28 : memref<!tpu.dma_semaphore, #tpu.memory_space<semaphore_mem>>) src(%dma_wait3A_331 : memref<32x128xf32, #tpu.memory_space<hbm>>) dst(%arg17 : memref<32x128xf32, #tpu.memory_space<vmem>>)
      %dma_wait3A_332 = arith.constant 0 : i32
      %dma_wait3A_333 = tpu.memref_slice %arg5[%dma_wait3A_332] : memref<320512xi32, #tpu.memory_space<hbm>> -> memref<32xi32, #tpu.memory_space<hbm>>
      %dma_wait3A_334 = arith.constant 0 : i32
      %dma_wait3A_335 = tpu.memref_slice %arg5[%dma_wait3A_334] : memref<320512xi32, #tpu.memory_space<hbm>> -> memref<32xi32, #tpu.memory_space<hbm>>
      tpu.wait_dma2 semaphore(%arg31 : memref<!tpu.dma_semaphore, #tpu.memory_space<semaphore_mem>>) src(%dma_wait3A_335 : memref<32xi32, #tpu.memory_space<hbm>>) dst(%arg10 : memref<32xi32, #tpu.memory_space<vmem>>)
      %dma_wait3A_336 = arith.constant 0 : i32
      %dma_wait3A_337 = tpu.memref_slice %arg6[%dma_wait3A_336] : memref<320512xi32, #tpu.memory_space<hbm>> -> memref<32xi32, #tpu.memory_space<hbm>>
      %dma_wait3A_338 = arith.constant 0 : i32
      %dma_wait3A_339 = tpu.memref_slice %arg6[%dma_wait3A_338] : memref<320512xi32, #tpu.memory_space<hbm>> -> memref<32xi32, #tpu.memory_space<hbm>>
      tpu.wait_dma2 semaphore(%arg31 : memref<!tpu.dma_semaphore, #tpu.memory_space<semaphore_mem>>) src(%dma_wait3A_339 : memref<32xi32, #tpu.memory_space<hbm>>) dst(%arg12 : memref<32xi32, #tpu.memory_space<vmem>>)
      %add3A_340 = arith.constant 1 : i32
      %add3A_341 = arith.addi %mul3A_319, %add3A_340 : i32
      %dma_start3A_342 = arith.constant 0 : i32
      %dma_start3A_343 = arith.constant 0 : i32
      %dma_start3A_344 = tpu.memref_slice %arg2[%dma_start3A_342, %dma_start3A_343] : memref<10016x128xf32, #tpu.memory_space<hbm>> -> memref<10016x128xf32, #tpu.memory_space<hbm>>
      tpu.enqueue_indirect_dma source(%dma_start3A_344 : memref<10016x128xf32, #tpu.memory_space<hbm>>) target(%arg14 : memref<32x128xf32, #tpu.memory_space<vmem>>) offsets(%arg12 : memref<32xi32, #tpu.memory_space<vmem>>) semaphore(%arg25 : memref<!tpu.dma_semaphore, #tpu.memory_space<semaphore_mem>>)
      %dma_start3A_345 = arith.constant 0 : i32
      %dma_start3A_346 = arith.constant 0 : i32
      %dma_start3A_347 = tpu.memref_slice %arg3[%dma_start3A_345, %dma_start3A_346] : memref<10016x128xf32, #tpu.memory_space<hbm>> -> memref<10016x128xf32, #tpu.memory_space<hbm>>
      tpu.enqueue_indirect_dma source(%dma_start3A_347 : memref<10016x128xf32, #tpu.memory_space<hbm>>) target(%arg16 : memref<32x128xf32, #tpu.memory_space<vmem>>) offsets(%arg10 : memref<32xi32, #tpu.memory_space<vmem>>) semaphore(%arg27 : memref<!tpu.dma_semaphore, #tpu.memory_space<semaphore_mem>>)
      %mul3A_348 = arith.constant 32 : i32
      %mul3A_349 = arith.muli %add3A_341, %mul3A_348 : i32
      %add3A_350 = arith.addi %mul3A_4, %mul3A_349 : i32
      %dma_start3A_351 = arith.constant 0 : i32
      %dma_start3A_352 = tpu.memref_slice %arg4[%add3A_350, %dma_start3A_351] : memref<320512x128xf32, #tpu.memory_space<hbm>> -> memref<32x128xf32, #tpu.memory_space<hbm>>
      %dma_start3A_353 = arith.constant 0 : i32
      %dma_start3A_354 = tpu.memref_slice %arg4[%add3A_350, %dma_start3A_353] : memref<320512x128xf32, #tpu.memory_space<hbm>> -> memref<32x128xf32, #tpu.memory_space<hbm>>
      tpu.enqueue_dma source(%dma_start3A_354 : memref<32x128xf32, #tpu.memory_space<hbm>>) target(%arg18 : memref<32x128xf32, #tpu.memory_space<vmem>>) target_semaphore(%arg29 : memref<!tpu.dma_semaphore, #tpu.memory_space<semaphore_mem>>)
      %dma_wait3A_355 = arith.constant 0 : i32
      %dma_wait3A_356 = arith.constant 0 : i32
      %dma_wait3A_357 = tpu.memref_slice %arg23[%dma_wait3A_355, %dma_wait3A_356] : memref<10112x128xf32, #tpu.memory_space<vmem_shared>> -> memref<10112x128xf32, #tpu.memory_space<vmem_shared>>
      tpu.wait_indirect_dma semaphore(%arg32 : memref<!tpu.dma_semaphore, #tpu.memory_space<semaphore_mem>>) src(%arg19 : memref<32x128xf32, #tpu.memory_space<vmem>>) dst(%dma_wait3A_357 : memref<10112x128xf32, #tpu.memory_space<vmem_shared>>)
      %get3A_358 = arith.constant 0 : index
      %get3A_359 = tpu.vector_load %arg11[%get3A_358] {strides = array<i32>} : memref<32xi32, #tpu.memory_space<vmem>>, vector<16xi32>,
      %get3A_360 = vector.shape_cast %get3A_359 : vector<16xi32> to vector<16xi32>
      %swap3A_361 = arith.constant 0 : index
      %swap3A_362 = tpu.vector_load %arg21[%swap3A_361] {strides = array<i32>} : memref<32xi32, #tpu.memory_space<vmem>>, vector<16xi32>,
      %swap3A_363 = vector.shape_cast %swap3A_362 : vector<16xi32> to vector<16xi32>
      %swap3A_364 = vector.shape_cast %get3A_360 : vector<16xi32> to vector<16xi32>
      tpu.vector_store %arg21[%swap3A_361], %swap3A_364 {strides = array<i32>} : memref<32xi32, #tpu.memory_space<vmem>>, vector<16xi32>,
      %get3A_365 = arith.constant 16 : index
      %get3A_366 = tpu.vector_load %arg11[%get3A_365] {strides = array<i32>} : memref<32xi32, #tpu.memory_space<vmem>>, vector<16xi32>,
      %get3A_367 = vector.shape_cast %get3A_366 : vector<16xi32> to vector<16xi32>
      %swap3A_368 = arith.constant 16 : index
      %swap3A_369 = tpu.vector_load %arg21[%swap3A_368] {strides = array<i32>} : memref<32xi32, #tpu.memory_space<vmem>>, vector<16xi32>,
      %swap3A_370 = vector.shape_cast %swap3A_369 : vector<16xi32> to vector<16xi32>
      %swap3A_371 = vector.shape_cast %get3A_367 : vector<16xi32> to vector<16xi32>
      tpu.vector_store %arg21[%swap3A_368], %swap3A_371 {strides = array<i32>} : memref<32xi32, #tpu.memory_space<vmem>>, vector<16xi32>,
      %scan3A_372 = arith.constant 0 : i32
      %scan3A_373 = arith.constant 0 : i32
      %scan3A_374 = arith.constant 32 : i32
      %scan3A_375 = arith.addi %scan3A_373, %scan3A_374 : i32
      %scan3A_376 = arith.constant 1 : i32
      scf.for %scan3A_462 = %scan3A_373 to %scan3A_375 step %scan3A_376  : i32 {
        %get3A_463 = arith.index_cast %scan3A_462 : i32 to index
        %get3A_464 = arith.constant 0 : index
        %get3A_465 = tpu.vector_load %arg13[%get3A_463, %get3A_464] {strides = array<i32>} : memref<32x128xf32, #tpu.memory_space<vmem>>, vector<1x16xf32>,
        %get3A_466 = vector.shape_cast %get3A_465 : vector<1x16xf32> to vector<16xf32>
        %get3A_467 = arith.index_cast %scan3A_462 : i32 to index
        %get3A_468 = arith.constant 0 : index
        %get3A_469 = tpu.vector_load %arg15[%get3A_467, %get3A_468] {strides = array<i32>} : memref<32x128xf32, #tpu.memory_space<vmem>>, vector<1x16xf32>,
        %get3A_470 = vector.shape_cast %get3A_469 : vector<1x16xf32> to vector<16xf32>
        %add3A_471 = arith.addf %get3A_466, %get3A_470 : vector<16xf32>
        %get3A_472 = arith.index_cast %scan3A_462 : i32 to index
        %get3A_473 = arith.constant 0 : index
        %get3A_474 = tpu.vector_load %arg17[%get3A_472, %get3A_473] {strides = array<i32>} : memref<32x128xf32, #tpu.memory_space<vmem>>, vector<1x16xf32>,
        %get3A_475 = vector.shape_cast %get3A_474 : vector<1x16xf32> to vector<16xf32>
        %mul3A_476 = arith.mulf %add3A_471, %get3A_475 : vector<16xf32>
        %swap3A_477 = arith.index_cast %scan3A_462 : i32 to index
        %swap3A_478 = arith.constant 0 : index
        %swap3A_479 = tpu.vector_load %arg19[%swap3A_477, %swap3A_478] {strides = array<i32>} : memref<32x128xf32, #tpu.memory_space<vmem>>, vector<1x16xf32>,
        %swap3A_480 = vector.shape_cast %swap3A_479 : vector<1x16xf32> to vector<16xf32>
        %swap3A_481 = vector.shape_cast %mul3A_476 : vector<16xf32> to vector<1x16xf32>
        tpu.vector_store %arg19[%swap3A_477, %swap3A_478], %swap3A_481 {strides = array<i32>} : memref<32x128xf32, #tpu.memory_space<vmem>>, vector<1x16xf32>,
        %get3A_482 = arith.index_cast %scan3A_462 : i32 to index
        %get3A_483 = arith.constant 16 : index
        %get3A_484 = tpu.vector_load %arg13[%get3A_482, %get3A_483] {strides = array<i32>} : memref<32x128xf32, #tpu.memory_space<vmem>>, vector<1x16xf32>,
        %get3A_485 = vector.shape_cast %get3A_484 : vector<1x16xf32> to vector<16xf32>
        %get3A_486 = arith.index_cast %scan3A_462 : i32 to index
        %get3A_487 = arith.constant 16 : index
        %get3A_488 = tpu.vector_load %arg15[%get3A_486, %get3A_487] {strides = array<i32>} : memref<32x128xf32, #tpu.memory_space<vmem>>, vector<1x16xf32>,
        %get3A_489 = vector.shape_cast %get3A_488 : vector<1x16xf32> to vector<16xf32>
        %add3A_490 = arith.addf %get3A_485, %get3A_489 : vector<16xf32>
        %get3A_491 = arith.index_cast %scan3A_462 : i32 to index
        %get3A_492 = arith.constant 16 : index
        %get3A_493 = tpu.vector_load %arg17[%get3A_491, %get3A_492] {strides = array<i32>} : memref<32x128xf32, #tpu.memory_space<vmem>>, vector<1x16xf32>,
        %get3A_494 = vector.shape_cast %get3A_493 : vector<1x16xf32> to vector<16xf32>
        %mul3A_495 = arith.mulf %add3A_490, %get3A_494 : vector<16xf32>
        %swap3A_496 = arith.index_cast %scan3A_462 : i32 to index
        %swap3A_497 = arith.constant 16 : index
        %swap3A_498 = tpu.vector_load %arg19[%swap3A_496, %swap3A_497] {strides = array<i32>} : memref<32x128xf32, #tpu.memory_space<vmem>>, vector<1x16xf32>,
        %swap3A_499 = vector.shape_cast %swap3A_498 : vector<1x16xf32> to vector<16xf32>
        %swap3A_500 = vector.shape_cast %mul3A_495 : vector<16xf32> to vector<1x16xf32>
        tpu.vector_store %arg19[%swap3A_496, %swap3A_497], %swap3A_500 {strides = array<i32>} : memref<32x128xf32, #tpu.memory_space<vmem>>, vector<1x16xf32>,
        %get3A_501 = arith.index_cast %scan3A_462 : i32 to index
        %get3A_502 = arith.constant 32 : index
        %get3A_503 = tpu.vector_load %arg13[%get3A_501, %get3A_502] {strides = array<i32>} : memref<32x128xf32, #tpu.memory_space<vmem>>, vector<1x16xf32>,
        %get3A_504 = vector.shape_cast %get3A_503 : vector<1x16xf32> to vector<16xf32>
        %get3A_505 = arith.index_cast %scan3A_462 : i32 to index
        %get3A_506 = arith.constant 32 : index
        %get3A_507 = tpu.vector_load %arg15[%get3A_505, %get3A_506] {strides = array<i32>} : memref<32x128xf32, #tpu.memory_space<vmem>>, vector<1x16xf32>,
        %get3A_508 = vector.shape_cast %get3A_507 : vector<1x16xf32> to vector<16xf32>
        %add3A_509 = arith.addf %get3A_504, %get3A_508 : vector<16xf32>
        %get3A_510 = arith.index_cast %scan3A_462 : i32 to index
        %get3A_511 = arith.constant 32 : index
        %get3A_512 = tpu.vector_load %arg17[%get3A_510, %get3A_511] {strides = array<i32>} : memref<32x128xf32, #tpu.memory_space<vmem>>, vector<1x16xf32>,
        %get3A_513 = vector.shape_cast %get3A_512 : vector<1x16xf32> to vector<16xf32>
        %mul3A_514 = arith.mulf %add3A_509, %get3A_513 : vector<16xf32>
        %swap3A_515 = arith.index_cast %scan3A_462 : i32 to index
        %swap3A_516 = arith.constant 32 : index
        %swap3A_517 = tpu.vector_load %arg19[%swap3A_515, %swap3A_516] {strides = array<i32>} : memref<32x128xf32, #tpu.memory_space<vmem>>, vector<1x16xf32>,
        %swap3A_518 = vector.shape_cast %swap3A_517 : vector<1x16xf32> to vector<16xf32>
        %swap3A_519 = vector.shape_cast %mul3A_514 : vector<16xf32> to vector<1x16xf32>
        tpu.vector_store %arg19[%swap3A_515, %swap3A_516], %swap3A_519 {strides = array<i32>} : memref<32x128xf32, #tpu.memory_space<vmem>>, vector<1x16xf32>,
        %get3A_520 = arith.index_cast %scan3A_462 : i32 to index
        %get3A_521 = arith.constant 48 : index
        %get3A_522 = tpu.vector_load %arg13[%get3A_520, %get3A_521] {strides = array<i32>} : memref<32x128xf32, #tpu.memory_space<vmem>>, vector<1x16xf32>,
        %get3A_523 = vector.shape_cast %get3A_522 : vector<1x16xf32> to vector<16xf32>
        %get3A_524 = arith.index_cast %scan3A_462 : i32 to index
        %get3A_525 = arith.constant 48 : index
        %get3A_526 = tpu.vector_load %arg15[%get3A_524, %get3A_525] {strides = array<i32>} : memref<32x128xf32, #tpu.memory_space<vmem>>, vector<1x16xf32>,
        %get3A_527 = vector.shape_cast %get3A_526 : vector<1x16xf32> to vector<16xf32>
        %add3A_528 = arith.addf %get3A_523, %get3A_527 : vector<16xf32>
        %get3A_529 = arith.index_cast %scan3A_462 : i32 to index
        %get3A_530 = arith.constant 48 : index
        %get3A_531 = tpu.vector_load %arg17[%get3A_529, %get3A_530] {strides = array<i32>} : memref<32x128xf32, #tpu.memory_space<vmem>>, vector<1x16xf32>,
        %get3A_532 = vector.shape_cast %get3A_531 : vector<1x16xf32> to vector<16xf32>
        %mul3A_533 = arith.mulf %add3A_528, %get3A_532 : vector<16xf32>
        %swap3A_534 = arith.index_cast %scan3A_462 : i32 to index
        %swap3A_535 = arith.constant 48 : index
        %swap3A_536 = tpu.vector_load %arg19[%swap3A_534, %swap3A_535] {strides = array<i32>} : memref<32x128xf32, #tpu.memory_space<vmem>>, vector<1x16xf32>,
        %swap3A_537 = vector.shape_cast %swap3A_536 : vector<1x16xf32> to vector<16xf32>
        %swap3A_538 = vector.shape_cast %mul3A_533 : vector<16xf32> to vector<1x16xf32>
        tpu.vector_store %arg19[%swap3A_534, %swap3A_535], %swap3A_538 {strides = array<i32>} : memref<32x128xf32, #tpu.memory_space<vmem>>, vector<1x16xf32>,
        %get3A_539 = arith.index_cast %scan3A_462 : i32 to index
        %get3A_540 = arith.constant 64 : index
        %get3A_541 = tpu.vector_load %arg13[%get3A_539, %get3A_540] {strides = array<i32>} : memref<32x128xf32, #tpu.memory_space<vmem>>, vector<1x16xf32>,
        %get3A_542 = vector.shape_cast %get3A_541 : vector<1x16xf32> to vector<16xf32>
        %get3A_543 = arith.index_cast %scan3A_462 : i32 to index
        %get3A_544 = arith.constant 64 : index
        %get3A_545 = tpu.vector_load %arg15[%get3A_543, %get3A_544] {strides = array<i32>} : memref<32x128xf32, #tpu.memory_space<vmem>>, vector<1x16xf32>,
        %get3A_546 = vector.shape_cast %get3A_545 : vector<1x16xf32> to vector<16xf32>
        %add3A_547 = arith.addf %get3A_542, %get3A_546 : vector<16xf32>
        %get3A_548 = arith.index_cast %scan3A_462 : i32 to index
        %get3A_549 = arith.constant 64 : index
        %get3A_550 = tpu.vector_load %arg17[%get3A_548, %get3A_549] {strides = array<i32>} : memref<32x128xf32, #tpu.memory_space<vmem>>, vector<1x16xf32>,
        %get3A_551 = vector.shape_cast %get3A_550 : vector<1x16xf32> to vector<16xf32>
        %mul3A_552 = arith.mulf %add3A_547, %get3A_551 : vector<16xf32>
        %swap3A_553 = arith.index_cast %scan3A_462 : i32 to index
        %swap3A_554 = arith.constant 64 : index
        %swap3A_555 = tpu.vector_load %arg19[%swap3A_553, %swap3A_554] {strides = array<i32>} : memref<32x128xf32, #tpu.memory_space<vmem>>, vector<1x16xf32>,
        %swap3A_556 = vector.shape_cast %swap3A_555 : vector<1x16xf32> to vector<16xf32>
        %swap3A_557 = vector.shape_cast %mul3A_552 : vector<16xf32> to vector<1x16xf32>
        tpu.vector_store %arg19[%swap3A_553, %swap3A_554], %swap3A_557 {strides = array<i32>} : memref<32x128xf32, #tpu.memory_space<vmem>>, vector<1x16xf32>,
        %get3A_558 = arith.index_cast %scan3A_462 : i32 to index
        %get3A_559 = arith.constant 80 : index
        %get3A_560 = tpu.vector_load %arg13[%get3A_558, %get3A_559] {strides = array<i32>} : memref<32x128xf32, #tpu.memory_space<vmem>>, vector<1x16xf32>,
        %get3A_561 = vector.shape_cast %get3A_560 : vector<1x16xf32> to vector<16xf32>
        %get3A_562 = arith.index_cast %scan3A_462 : i32 to index
        %get3A_563 = arith.constant 80 : index
        %get3A_564 = tpu.vector_load %arg15[%get3A_562, %get3A_563] {strides = array<i32>} : memref<32x128xf32, #tpu.memory_space<vmem>>, vector<1x16xf32>,
        %get3A_565 = vector.shape_cast %get3A_564 : vector<1x16xf32> to vector<16xf32>
        %add3A_566 = arith.addf %get3A_561, %get3A_565 : vector<16xf32>
        %get3A_567 = arith.index_cast %scan3A_462 : i32 to index
        %get3A_568 = arith.constant 80 : index
        %get3A_569 = tpu.vector_load %arg17[%get3A_567, %get3A_568] {strides = array<i32>} : memref<32x128xf32, #tpu.memory_space<vmem>>, vector<1x16xf32>,
        %get3A_570 = vector.shape_cast %get3A_569 : vector<1x16xf32> to vector<16xf32>
        %mul3A_571 = arith.mulf %add3A_566, %get3A_570 : vector<16xf32>
        %swap3A_572 = arith.index_cast %scan3A_462 : i32 to index
        %swap3A_573 = arith.constant 80 : index
        %swap3A_574 = tpu.vector_load %arg19[%swap3A_572, %swap3A_573] {strides = array<i32>} : memref<32x128xf32, #tpu.memory_space<vmem>>, vector<1x16xf32>,
        %swap3A_575 = vector.shape_cast %swap3A_574 : vector<1x16xf32> to vector<16xf32>
        %swap3A_576 = vector.shape_cast %mul3A_571 : vector<16xf32> to vector<1x16xf32>
        tpu.vector_store %arg19[%swap3A_572, %swap3A_573], %swap3A_576 {strides = array<i32>} : memref<32x128xf32, #tpu.memory_space<vmem>>, vector<1x16xf32>,
        %get3A_577 = arith.index_cast %scan3A_462 : i32 to index
        %get3A_578 = arith.constant 96 : index
        %get3A_579 = tpu.vector_load %arg13[%get3A_577, %get3A_578] {strides = array<i32>} : memref<32x128xf32, #tpu.memory_space<vmem>>, vector<1x16xf32>,
        %get3A_580 = vector.shape_cast %get3A_579 : vector<1x16xf32> to vector<16xf32>
        %get3A_581 = arith.index_cast %scan3A_462 : i32 to index
        %get3A_582 = arith.constant 96 : index
        %get3A_583 = tpu.vector_load %arg15[%get3A_581, %get3A_582] {strides = array<i32>} : memref<32x128xf32, #tpu.memory_space<vmem>>, vector<1x16xf32>,
        %get3A_584 = vector.shape_cast %get3A_583 : vector<1x16xf32> to vector<16xf32>
        %add3A_585 = arith.addf %get3A_580, %get3A_584 : vector<16xf32>
        %get3A_586 = arith.index_cast %scan3A_462 : i32 to index
        %get3A_587 = arith.constant 96 : index
        %get3A_588 = tpu.vector_load %arg17[%get3A_586, %get3A_587] {strides = array<i32>} : memref<32x128xf32, #tpu.memory_space<vmem>>, vector<1x16xf32>,
        %get3A_589 = vector.shape_cast %get3A_588 : vector<1x16xf32> to vector<16xf32>
        %mul3A_590 = arith.mulf %add3A_585, %get3A_589 : vector<16xf32>
        %swap3A_591 = arith.index_cast %scan3A_462 : i32 to index
        %swap3A_592 = arith.constant 96 : index
        %swap3A_593 = tpu.vector_load %arg19[%swap3A_591, %swap3A_592] {strides = array<i32>} : memref<32x128xf32, #tpu.memory_space<vmem>>, vector<1x16xf32>,
        %swap3A_594 = vector.shape_cast %swap3A_593 : vector<1x16xf32> to vector<16xf32>
        %swap3A_595 = vector.shape_cast %mul3A_590 : vector<16xf32> to vector<1x16xf32>
        tpu.vector_store %arg19[%swap3A_591, %swap3A_592], %swap3A_595 {strides = array<i32>} : memref<32x128xf32, #tpu.memory_space<vmem>>, vector<1x16xf32>,
        %get3A_596 = arith.index_cast %scan3A_462 : i32 to index
        %get3A_597 = arith.constant 112 : index
        %get3A_598 = tpu.vector_load %arg13[%get3A_596, %get3A_597] {strides = array<i32>} : memref<32x128xf32, #tpu.memory_space<vmem>>, vector<1x16xf32>,
        %get3A_599 = vector.shape_cast %get3A_598 : vector<1x16xf32> to vector<16xf32>
        %get3A_600 = arith.index_cast %scan3A_462 : i32 to index
        %get3A_601 = arith.constant 112 : index
        %get3A_602 = tpu.vector_load %arg15[%get3A_600, %get3A_601] {strides = array<i32>} : memref<32x128xf32, #tpu.memory_space<vmem>>, vector<1x16xf32>,
        %get3A_603 = vector.shape_cast %get3A_602 : vector<1x16xf32> to vector<16xf32>
        %add3A_604 = arith.addf %get3A_599, %get3A_603 : vector<16xf32>
        %get3A_605 = arith.index_cast %scan3A_462 : i32 to index
        %get3A_606 = arith.constant 112 : index
        %get3A_607 = tpu.vector_load %arg17[%get3A_605, %get3A_606] {strides = array<i32>} : memref<32x128xf32, #tpu.memory_space<vmem>>, vector<1x16xf32>,
        %get3A_608 = vector.shape_cast %get3A_607 : vector<1x16xf32> to vector<16xf32>
        %mul3A_609 = arith.mulf %add3A_604, %get3A_608 : vector<16xf32>
        %swap3A_610 = arith.index_cast %scan3A_462 : i32 to index
        %swap3A_611 = arith.constant 112 : index
        %swap3A_612 = tpu.vector_load %arg19[%swap3A_610, %swap3A_611] {strides = array<i32>} : memref<32x128xf32, #tpu.memory_space<vmem>>, vector<1x16xf32>,
        %swap3A_613 = vector.shape_cast %swap3A_612 : vector<1x16xf32> to vector<16xf32>
        %swap3A_614 = vector.shape_cast %mul3A_609 : vector<16xf32> to vector<1x16xf32>
        tpu.vector_store %arg19[%swap3A_610, %swap3A_611], %swap3A_614 {strides = array<i32>} : memref<32x128xf32, #tpu.memory_space<vmem>>, vector<1x16xf32>,
      }
      %scan3A_377 = arith.constant 32 : i32
      %dma_start3A_378 = arith.constant 0 : i32
      %dma_start3A_379 = arith.constant 0 : i32
      %dma_start3A_380 = tpu.memref_slice %arg23[%dma_start3A_378, %dma_start3A_379] : memref<10112x128xf32, #tpu.memory_space<vmem_shared>> -> memref<10112x128xf32, #tpu.memory_space<vmem_shared>>
      tpu.enqueue_indirect_dma source(%arg19 : memref<32x128xf32, #tpu.memory_space<vmem>>) target(%dma_start3A_380 : memref<10112x128xf32, #tpu.memory_space<vmem_shared>>) offsets(%arg21 : memref<32xi32, #tpu.memory_space<vmem>>) semaphore(%arg32 : memref<!tpu.dma_semaphore, #tpu.memory_space<semaphore_mem>>) {add = true}
      %add3A_381 = arith.constant 2 : i32
      %add3A_382 = arith.addi %mul3A_319, %add3A_381 : i32
      %mul3A_383 = arith.constant 32 : i32
      %mul3A_384 = arith.muli %add3A_382, %mul3A_383 : i32
      %add3A_385 = arith.addi %mul3A_4, %mul3A_384 : i32
      %dma_start3A_386 = tpu.memref_slice %arg5[%add3A_385] : memref<320512xi32, #tpu.memory_space<hbm>> -> memref<32xi32, #tpu.memory_space<hbm>>
      %dma_start3A_387 = tpu.memref_slice %arg5[%add3A_385] : memref<320512xi32, #tpu.memory_space<hbm>> -> memref<32xi32, #tpu.memory_space<hbm>>
      tpu.enqueue_dma source(%dma_start3A_387 : memref<32xi32, #tpu.memory_space<hbm>>) target(%arg9 : memref<32xi32, #tpu.memory_space<vmem>>) target_semaphore(%arg30 : memref<!tpu.dma_semaphore, #tpu.memory_space<semaphore_mem>>)
      %dma_start3A_388 = tpu.memref_slice %arg6[%add3A_385] : memref<320512xi32, #tpu.memory_space<hbm>> -> memref<32xi32, #tpu.memory_space<hbm>>
      %dma_start3A_389 = tpu.memref_slice %arg6[%add3A_385] : memref<320512xi32, #tpu.memory_space<hbm>> -> memref<32xi32, #tpu.memory_space<hbm>>
      tpu.enqueue_dma source(%dma_start3A_389 : memref<32xi32, #tpu.memory_space<hbm>>) target(%arg11 : memref<32xi32, #tpu.memory_space<vmem>>) target_semaphore(%arg30 : memref<!tpu.dma_semaphore, #tpu.memory_space<semaphore_mem>>)
      %add3A_390 = arith.constant 1 : i32
      %add3A_391 = arith.addi %mul3A_319, %add3A_390 : i32
      %dma_wait3A_392 = arith.constant 0 : i32
      %dma_wait3A_393 = arith.constant 0 : i32
      %dma_wait3A_394 = tpu.memref_slice %arg2[%dma_wait3A_392, %dma_wait3A_393] : memref<10016x128xf32, #tpu.memory_space<hbm>> -> memref<10016x128xf32, #tpu.memory_space<hbm>>
      tpu.wait_indirect_dma semaphore(%arg25 : memref<!tpu.dma_semaphore, #tpu.memory_space<semaphore_mem>>) src(%dma_wait3A_394 : memref<10016x128xf32, #tpu.memory_space<hbm>>) dst(%arg14 : memref<32x128xf32, #tpu.memory_space<vmem>>)
      %dma_wait3A_395 = arith.constant 0 : i32
      %dma_wait3A_396 = arith.constant 0 : i32
      %dma_wait3A_397 = tpu.memref_slice %arg3[%dma_wait3A_395, %dma_wait3A_396] : memref<10016x128xf32, #tpu.memory_space<hbm>> -> memref<10016x128xf32, #tpu.memory_space<hbm>>
      tpu.wait_indirect_dma semaphore(%arg27 : memref<!tpu.dma_semaphore, #tpu.memory_space<semaphore_mem>>) src(%dma_wait3A_397 : memref<10016x128xf32, #tpu.memory_space<hbm>>) dst(%arg16 : memref<32x128xf32, #tpu.memory_space<vmem>>)
      %dma_wait3A_398 = arith.constant 0 : i32
      %dma_wait3A_399 = arith.constant 0 : i32
      %dma_wait3A_400 = tpu.memref_slice %arg4[%dma_wait3A_398, %dma_wait3A_399] : memref<320512x128xf32, #tpu.memory_space<hbm>> -> memref<32x128xf32, #tpu.memory_space<hbm>>
      %dma_wait3A_401 = arith.constant 0 : i32
      %dma_wait3A_402 = arith.constant 0 : i32
      %dma_wait3A_403 = tpu.memref_slice %arg4[%dma_wait3A_401, %dma_wait3A_402] : memref<320512x128xf32, #tpu.memory_space<hbm>> -> memref<32x128xf32, #tpu.memory_space<hbm>>
      tpu.wait_dma2 semaphore(%arg29 : memref<!tpu.dma_semaphore, #tpu.memory_space<semaphore_mem>>) src(%dma_wait3A_403 : memref<32x128xf32, #tpu.memory_space<hbm>>) dst(%arg18 : memref<32x128xf32, #tpu.memory_space<vmem>>)
      %dma_wait3A_404 = arith.constant 0 : i32
      %dma_wait3A_405 = tpu.memref_slice %arg5[%dma_wait3A_404] : memref<320512xi32, #tpu.memory_space<hbm>> -> memref<32xi32, #tpu.memory_space<hbm>>
      %dma_wait3A_406 = arith.constant 0 : i32
      %dma_wait3A_407 = tpu.memref_slice %arg5[%dma_wait3A_406] : memref<320512xi32, #tpu.memory_space<hbm>> -> memref<32xi32, #tpu.memory_space<hbm>>
      tpu.wait_dma2 semaphore(%arg30 : memref<!tpu.dma_semaphore, #tpu.memory_space<semaphore_mem>>) src(%dma_wait3A_407 : memref<32xi32, #tpu.memory_space<hbm>>) dst(%arg9 : memref<32xi32, #tpu.memory_space<vmem>>)
      %dma_wait3A_408 = arith.constant 0 : i32
      %dma_wait3A_409 = tpu.memref_slice %arg6[%dma_wait3A_408] : memref<320512xi32, #tpu.memory_space<hbm>> -> memref<32xi32, #tpu.memory_space<hbm>>
      %dma_wait3A_410 = arith.constant 0 : i32
      %dma_wait3A_411 = tpu.memref_slice %arg6[%dma_wait3A_410] : memref<320512xi32, #tpu.memory_space<hbm>> -> memref<32xi32, #tpu.memory_space<hbm>>
      tpu.wait_dma2 semaphore(%arg30 : memref<!tpu.dma_semaphore, #tpu.memory_space<semaphore_mem>>) src(%dma_wait3A_411 : memref<32xi32, #tpu.memory_space<hbm>>) dst(%arg11 : memref<32xi32, #tpu.memory_space<vmem>>)
      %add3A_412 = arith.constant 1 : i32
      %add3A_413 = arith.addi %add3A_391, %add3A_412 : i32
      %dma_start3A_414 = arith.constant 0 : i32
      %dma_start3A_415 = arith.constant 0 : i32
      %dma_start3A_416 = tpu.memref_slice %arg2[%dma_start3A_414, %dma_start3A_415] : memref<10016x128xf32, #tpu.memory_space<hbm>> -> memref<10016x128xf32, #tpu.memory_space<hbm>>
      tpu.enqueue_indirect_dma source(%dma_start3A_416 : memref<10016x128xf32, #tpu.memory_space<hbm>>) target(%arg13 : memref<32x128xf32, #tpu.memory_space<vmem>>) offsets(%arg11 : memref<32xi32, #tpu.memory_space<vmem>>) semaphore(%arg24 : memref<!tpu.dma_semaphore, #tpu.memory_space<semaphore_mem>>)
      %dma_start3A_417 = arith.constant 0 : i32
      %dma_start3A_418 = arith.constant 0 : i32
      %dma_start3A_419 = tpu.memref_slice %arg3[%dma_start3A_417, %dma_start3A_418] : memref<10016x128xf32, #tpu.memory_space<hbm>> -> memref<10016x128xf32, #tpu.memory_space<hbm>>
      tpu.enqueue_indirect_dma source(%dma_start3A_419 : memref<10016x128xf32, #tpu.memory_space<hbm>>) target(%arg15 : memref<32x128xf32, #tpu.memory_space<vmem>>) offsets(%arg9 : memref<32xi32, #tpu.memory_space<vmem>>) semaphore(%arg26 : memref<!tpu.dma_semaphore, #tpu.memory_space<semaphore_mem>>)
      %mul3A_420 = arith.constant 32 : i32
      %mul3A_421 = arith.muli %add3A_413, %mul3A_420 : i32
      %add3A_422 = arith.addi %mul3A_4, %mul3A_421 : i32
      %dma_start3A_423 = arith.constant 0 : i32
      %dma_start3A_424 = tpu.memref_slice %arg4[%add3A_422, %dma_start3A_423] : memref<320512x128xf32, #tpu.memory_space<hbm>> -> memref<32x128xf32, #tpu.memory_space<hbm>>
      %dma_start3A_425 = arith.constant 0 : i32
      %dma_start3A_426 = tpu.memref_slice %arg4[%add3A_422, %dma_start3A_425] : memref<320512x128xf32, #tpu.memory_space<hbm>> -> memref<32x128xf32, #tpu.memory_space<hbm>>
      tpu.enqueue_dma source(%dma_start3A_426 : memref<32x128xf32, #tpu.memory_space<hbm>>) target(%arg17 : memref<32x128xf32, #tpu.memory_space<vmem>>) target_semaphore(%arg28 : memref<!tpu.dma_semaphore, #tpu.memory_space<semaphore_mem>>)
      %dma_wait3A_427 = arith.constant 0 : i32
      %dma_wait3A_428 = arith.constant 0 : i32
      %dma_wait3A_429 = tpu.memref_slice %arg23[%dma_wait3A_427, %dma_wait3A_428] : memref<10112x128xf32, #tpu.memory_space<vmem_shared>> -> memref<10112x128xf32, #tpu.memory_space<vmem_shared>>
      tpu.wait_indirect_dma semaphore(%arg33 : memref<!tpu.dma_semaphore, #tpu.memory_space<semaphore_mem>>) src(%arg20 : memref<32x128xf32, #tpu.memory_space<vmem>>) dst(%dma_wait3A_429 : memref<10112x128xf32, #tpu.memory_space<vmem_shared>>)
      %get3A_430 = arith.constant 0 : index
      %get3A_431 = tpu.vector_load %arg12[%get3A_430] {strides = array<i32>} : memref<32xi32, #tpu.memory_space<vmem>>, vector<16xi32>,
      %get3A_432 = vector.shape_cast %get3A_431 : vector<16xi32> to vector<16xi32>
      %swap3A_433 = arith.constant 0 : index
      %swap3A_434 = tpu.vector_load %arg22[%swap3A_433] {strides = array<i32>} : memref<32xi32, #tpu.memory_space<vmem>>, vector<16xi32>,
      %swap3A_435 = vector.shape_cast %swap3A_434 : vector<16xi32> to vector<16xi32>
      %swap3A_436 = vector.shape_cast %get3A_432 : vector<16xi32> to vector<16xi32>
      tpu.vector_store %arg22[%swap3A_433], %swap3A_436 {strides = array<i32>} : memref<32xi32, #tpu.memory_space<vmem>>, vector<16xi32>,
      %get3A_437 = arith.constant 16 : index
      %get3A_438 = tpu.vector_load %arg12[%get3A_437] {strides = array<i32>} : memref<32xi32, #tpu.memory_space<vmem>>, vector<16xi32>,
      %get3A_439 = vector.shape_cast %get3A_438 : vector<16xi32> to vector<16xi32>
      %swap3A_440 = arith.constant 16 : index
      %swap3A_441 = tpu.vector_load %arg22[%swap3A_440] {strides = array<i32>} : memref<32xi32, #tpu.memory_space<vmem>>, vector<16xi32>,
      %swap3A_442 = vector.shape_cast %swap3A_441 : vector<16xi32> to vector<16xi32>
      %swap3A_443 = vector.shape_cast %get3A_439 : vector<16xi32> to vector<16xi32>
      tpu.vector_store %arg22[%swap3A_440], %swap3A_443 {strides = array<i32>} : memref<32xi32, #tpu.memory_space<vmem>>, vector<16xi32>,
      %scan3A_444 = arith.constant 0 : i32
      %scan3A_445 = arith.constant 0 : i32
      %scan3A_446 = arith.constant 32 : i32
      %scan3A_447 = arith.addi %scan3A_445, %scan3A_446 : i32
      %scan3A_448 = arith.constant 1 : i32
      scf.for %scan3A_462 = %scan3A_445 to %scan3A_447 step %scan3A_448  : i32 {
        %get3A_463 = arith.index_cast %scan3A_462 : i32 to index
        %get3A_464 = arith.constant 0 : index
        %get3A_465 = tpu.vector_load %arg14[%get3A_463, %get3A_464] {strides = array<i32>} : memref<32x128xf32, #tpu.memory_space<vmem>>, vector<1x16xf32>,
        %get3A_466 = vector.shape_cast %get3A_465 : vector<1x16xf32> to vector<16xf32>
        %get3A_467 = arith.index_cast %scan3A_462 : i32 to index
        %get3A_468 = arith.constant 0 : index
        %get3A_469 = tpu.vector_load %arg16[%get3A_467, %get3A_468] {strides = array<i32>} : memref<32x128xf32, #tpu.memory_space<vmem>>, vector<1x16xf32>,
        %get3A_470 = vector.shape_cast %get3A_469 : vector<1x16xf32> to vector<16xf32>
        %add3A_471 = arith.addf %get3A_466, %get3A_470 : vector<16xf32>
        %get3A_472 = arith.index_cast %scan3A_462 : i32 to index
        %get3A_473 = arith.constant 0 : index
        %get3A_474 = tpu.vector_load %arg18[%get3A_472, %get3A_473] {strides = array<i32>} : memref<32x128xf32, #tpu.memory_space<vmem>>, vector<1x16xf32>,
        %get3A_475 = vector.shape_cast %get3A_474 : vector<1x16xf32> to vector<16xf32>
        %mul3A_476 = arith.mulf %add3A_471, %get3A_475 : vector<16xf32>
        %swap3A_477 = arith.index_cast %scan3A_462 : i32 to index
        %swap3A_478 = arith.constant 0 : index
        %swap3A_479 = tpu.vector_load %arg20[%swap3A_477, %swap3A_478] {strides = array<i32>} : memref<32x128xf32, #tpu.memory_space<vmem>>, vector<1x16xf32>,
        %swap3A_480 = vector.shape_cast %swap3A_479 : vector<1x16xf32> to vector<16xf32>
        %swap3A_481 = vector.shape_cast %mul3A_476 : vector<16xf32> to vector<1x16xf32>
        tpu.vector_store %arg20[%swap3A_477, %swap3A_478], %swap3A_481 {strides = array<i32>} : memref<32x128xf32, #tpu.memory_space<vmem>>, vector<1x16xf32>,
        %get3A_482 = arith.index_cast %scan3A_462 : i32 to index
        %get3A_483 = arith.constant 16 : index
        %get3A_484 = tpu.vector_load %arg14[%get3A_482, %get3A_483] {strides = array<i32>} : memref<32x128xf32, #tpu.memory_space<vmem>>, vector<1x16xf32>,
        %get3A_485 = vector.shape_cast %get3A_484 : vector<1x16xf32> to vector<16xf32>
        %get3A_486 = arith.index_cast %scan3A_462 : i32 to index
        %get3A_487 = arith.constant 16 : index
        %get3A_488 = tpu.vector_load %arg16[%get3A_486, %get3A_487] {strides = array<i32>} : memref<32x128xf32, #tpu.memory_space<vmem>>, vector<1x16xf32>,
        %get3A_489 = vector.shape_cast %get3A_488 : vector<1x16xf32> to vector<16xf32>
        %add3A_490 = arith.addf %get3A_485, %get3A_489 : vector<16xf32>
        %get3A_491 = arith.index_cast %scan3A_462 : i32 to index
        %get3A_492 = arith.constant 16 : index
        %get3A_493 = tpu.vector_load %arg18[%get3A_491, %get3A_492] {strides = array<i32>} : memref<32x128xf32, #tpu.memory_space<vmem>>, vector<1x16xf32>,
        %get3A_494 = vector.shape_cast %get3A_493 : vector<1x16xf32> to vector<16xf32>
        %mul3A_495 = arith.mulf %add3A_490, %get3A_494 : vector<16xf32>
        %swap3A_496 = arith.index_cast %scan3A_462 : i32 to index
        %swap3A_497 = arith.constant 16 : index
        %swap3A_498 = tpu.vector_load %arg20[%swap3A_496, %swap3A_497] {strides = array<i32>} : memref<32x128xf32, #tpu.memory_space<vmem>>, vector<1x16xf32>,
        %swap3A_499 = vector.shape_cast %swap3A_498 : vector<1x16xf32> to vector<16xf32>
        %swap3A_500 = vector.shape_cast %mul3A_495 : vector<16xf32> to vector<1x16xf32>
        tpu.vector_store %arg20[%swap3A_496, %swap3A_497], %swap3A_500 {strides = array<i32>} : memref<32x128xf32, #tpu.memory_space<vmem>>, vector<1x16xf32>,
        %get3A_501 = arith.index_cast %scan3A_462 : i32 to index
        %get3A_502 = arith.constant 32 : index
        %get3A_503 = tpu.vector_load %arg14[%get3A_501, %get3A_502] {strides = array<i32>} : memref<32x128xf32, #tpu.memory_space<vmem>>, vector<1x16xf32>,
        %get3A_504 = vector.shape_cast %get3A_503 : vector<1x16xf32> to vector<16xf32>
        %get3A_505 = arith.index_cast %scan3A_462 : i32 to index
        %get3A_506 = arith.constant 32 : index
        %get3A_507 = tpu.vector_load %arg16[%get3A_505, %get3A_506] {strides = array<i32>} : memref<32x128xf32, #tpu.memory_space<vmem>>, vector<1x16xf32>,
        %get3A_508 = vector.shape_cast %get3A_507 : vector<1x16xf32> to vector<16xf32>
        %add3A_509 = arith.addf %get3A_504, %get3A_508 : vector<16xf32>
        %get3A_510 = arith.index_cast %scan3A_462 : i32 to index
        %get3A_511 = arith.constant 32 : index
        %get3A_512 = tpu.vector_load %arg18[%get3A_510, %get3A_511] {strides = array<i32>} : memref<32x128xf32, #tpu.memory_space<vmem>>, vector<1x16xf32>,
        %get3A_513 = vector.shape_cast %get3A_512 : vector<1x16xf32> to vector<16xf32>
        %mul3A_514 = arith.mulf %add3A_509, %get3A_513 : vector<16xf32>
        %swap3A_515 = arith.index_cast %scan3A_462 : i32 to index
        %swap3A_516 = arith.constant 32 : index
        %swap3A_517 = tpu.vector_load %arg20[%swap3A_515, %swap3A_516] {strides = array<i32>} : memref<32x128xf32, #tpu.memory_space<vmem>>, vector<1x16xf32>,
        %swap3A_518 = vector.shape_cast %swap3A_517 : vector<1x16xf32> to vector<16xf32>
        %swap3A_519 = vector.shape_cast %mul3A_514 : vector<16xf32> to vector<1x16xf32>
        tpu.vector_store %arg20[%swap3A_515, %swap3A_516], %swap3A_519 {strides = array<i32>} : memref<32x128xf32, #tpu.memory_space<vmem>>, vector<1x16xf32>,
        %get3A_520 = arith.index_cast %scan3A_462 : i32 to index
        %get3A_521 = arith.constant 48 : index
        %get3A_522 = tpu.vector_load %arg14[%get3A_520, %get3A_521] {strides = array<i32>} : memref<32x128xf32, #tpu.memory_space<vmem>>, vector<1x16xf32>,
        %get3A_523 = vector.shape_cast %get3A_522 : vector<1x16xf32> to vector<16xf32>
        %get3A_524 = arith.index_cast %scan3A_462 : i32 to index
        %get3A_525 = arith.constant 48 : index
        %get3A_526 = tpu.vector_load %arg16[%get3A_524, %get3A_525] {strides = array<i32>} : memref<32x128xf32, #tpu.memory_space<vmem>>, vector<1x16xf32>,
        %get3A_527 = vector.shape_cast %get3A_526 : vector<1x16xf32> to vector<16xf32>
        %add3A_528 = arith.addf %get3A_523, %get3A_527 : vector<16xf32>
        %get3A_529 = arith.index_cast %scan3A_462 : i32 to index
        %get3A_530 = arith.constant 48 : index
        %get3A_531 = tpu.vector_load %arg18[%get3A_529, %get3A_530] {strides = array<i32>} : memref<32x128xf32, #tpu.memory_space<vmem>>, vector<1x16xf32>,
        %get3A_532 = vector.shape_cast %get3A_531 : vector<1x16xf32> to vector<16xf32>
        %mul3A_533 = arith.mulf %add3A_528, %get3A_532 : vector<16xf32>
        %swap3A_534 = arith.index_cast %scan3A_462 : i32 to index
        %swap3A_535 = arith.constant 48 : index
        %swap3A_536 = tpu.vector_load %arg20[%swap3A_534, %swap3A_535] {strides = array<i32>} : memref<32x128xf32, #tpu.memory_space<vmem>>, vector<1x16xf32>,
        %swap3A_537 = vector.shape_cast %swap3A_536 : vector<1x16xf32> to vector<16xf32>
        %swap3A_538 = vector.shape_cast %mul3A_533 : vector<16xf32> to vector<1x16xf32>
        tpu.vector_store %arg20[%swap3A_534, %swap3A_535], %swap3A_538 {strides = array<i32>} : memref<32x128xf32, #tpu.memory_space<vmem>>, vector<1x16xf32>,
        %get3A_539 = arith.index_cast %scan3A_462 : i32 to index
        %get3A_540 = arith.constant 64 : index
        %get3A_541 = tpu.vector_load %arg14[%get3A_539, %get3A_540] {strides = array<i32>} : memref<32x128xf32, #tpu.memory_space<vmem>>, vector<1x16xf32>,
        %get3A_542 = vector.shape_cast %get3A_541 : vector<1x16xf32> to vector<16xf32>
        %get3A_543 = arith.index_cast %scan3A_462 : i32 to index
        %get3A_544 = arith.constant 64 : index
        %get3A_545 = tpu.vector_load %arg16[%get3A_543, %get3A_544] {strides = array<i32>} : memref<32x128xf32, #tpu.memory_space<vmem>>, vector<1x16xf32>,
        %get3A_546 = vector.shape_cast %get3A_545 : vector<1x16xf32> to vector<16xf32>
        %add3A_547 = arith.addf %get3A_542, %get3A_546 : vector<16xf32>
        %get3A_548 = arith.index_cast %scan3A_462 : i32 to index
        %get3A_549 = arith.constant 64 : index
        %get3A_550 = tpu.vector_load %arg18[%get3A_548, %get3A_549] {strides = array<i32>} : memref<32x128xf32, #tpu.memory_space<vmem>>, vector<1x16xf32>,
        %get3A_551 = vector.shape_cast %get3A_550 : vector<1x16xf32> to vector<16xf32>
        %mul3A_552 = arith.mulf %add3A_547, %get3A_551 : vector<16xf32>
        %swap3A_553 = arith.index_cast %scan3A_462 : i32 to index
        %swap3A_554 = arith.constant 64 : index
        %swap3A_555 = tpu.vector_load %arg20[%swap3A_553, %swap3A_554] {strides = array<i32>} : memref<32x128xf32, #tpu.memory_space<vmem>>, vector<1x16xf32>,
        %swap3A_556 = vector.shape_cast %swap3A_555 : vector<1x16xf32> to vector<16xf32>
        %swap3A_557 = vector.shape_cast %mul3A_552 : vector<16xf32> to vector<1x16xf32>
        tpu.vector_store %arg20[%swap3A_553, %swap3A_554], %swap3A_557 {strides = array<i32>} : memref<32x128xf32, #tpu.memory_space<vmem>>, vector<1x16xf32>,
        %get3A_558 = arith.index_cast %scan3A_462 : i32 to index
        %get3A_559 = arith.constant 80 : index
        %get3A_560 = tpu.vector_load %arg14[%get3A_558, %get3A_559] {strides = array<i32>} : memref<32x128xf32, #tpu.memory_space<vmem>>, vector<1x16xf32>,
        %get3A_561 = vector.shape_cast %get3A_560 : vector<1x16xf32> to vector<16xf32>
        %get3A_562 = arith.index_cast %scan3A_462 : i32 to index
        %get3A_563 = arith.constant 80 : index
        %get3A_564 = tpu.vector_load %arg16[%get3A_562, %get3A_563] {strides = array<i32>} : memref<32x128xf32, #tpu.memory_space<vmem>>, vector<1x16xf32>,
        %get3A_565 = vector.shape_cast %get3A_564 : vector<1x16xf32> to vector<16xf32>
        %add3A_566 = arith.addf %get3A_561, %get3A_565 : vector<16xf32>
        %get3A_567 = arith.index_cast %scan3A_462 : i32 to index
        %get3A_568 = arith.constant 80 : index
        %get3A_569 = tpu.vector_load %arg18[%get3A_567, %get3A_568] {strides = array<i32>} : memref<32x128xf32, #tpu.memory_space<vmem>>, vector<1x16xf32>,
        %get3A_570 = vector.shape_cast %get3A_569 : vector<1x16xf32> to vector<16xf32>
        %mul3A_571 = arith.mulf %add3A_566, %get3A_570 : vector<16xf32>
        %swap3A_572 = arith.index_cast %scan3A_462 : i32 to index
        %swap3A_573 = arith.constant 80 : index
        %swap3A_574 = tpu.vector_load %arg20[%swap3A_572, %swap3A_573] {strides = array<i32>} : memref<32x128xf32, #tpu.memory_space<vmem>>, vector<1x16xf32>,
        %swap3A_575 = vector.shape_cast %swap3A_574 : vector<1x16xf32> to vector<16xf32>
        %swap3A_576 = vector.shape_cast %mul3A_571 : vector<16xf32> to vector<1x16xf32>
        tpu.vector_store %arg20[%swap3A_572, %swap3A_573], %swap3A_576 {strides = array<i32>} : memref<32x128xf32, #tpu.memory_space<vmem>>, vector<1x16xf32>,
        %get3A_577 = arith.index_cast %scan3A_462 : i32 to index
        %get3A_578 = arith.constant 96 : index
        %get3A_579 = tpu.vector_load %arg14[%get3A_577, %get3A_578] {strides = array<i32>} : memref<32x128xf32, #tpu.memory_space<vmem>>, vector<1x16xf32>,
        %get3A_580 = vector.shape_cast %get3A_579 : vector<1x16xf32> to vector<16xf32>
        %get3A_581 = arith.index_cast %scan3A_462 : i32 to index
        %get3A_582 = arith.constant 96 : index
        %get3A_583 = tpu.vector_load %arg16[%get3A_581, %get3A_582] {strides = array<i32>} : memref<32x128xf32, #tpu.memory_space<vmem>>, vector<1x16xf32>,
        %get3A_584 = vector.shape_cast %get3A_583 : vector<1x16xf32> to vector<16xf32>
        %add3A_585 = arith.addf %get3A_580, %get3A_584 : vector<16xf32>
        %get3A_586 = arith.index_cast %scan3A_462 : i32 to index
        %get3A_587 = arith.constant 96 : index
        %get3A_588 = tpu.vector_load %arg18[%get3A_586, %get3A_587] {strides = array<i32>} : memref<32x128xf32, #tpu.memory_space<vmem>>, vector<1x16xf32>,
        %get3A_589 = vector.shape_cast %get3A_588 : vector<1x16xf32> to vector<16xf32>
        %mul3A_590 = arith.mulf %add3A_585, %get3A_589 : vector<16xf32>
        %swap3A_591 = arith.index_cast %scan3A_462 : i32 to index
        %swap3A_592 = arith.constant 96 : index
        %swap3A_593 = tpu.vector_load %arg20[%swap3A_591, %swap3A_592] {strides = array<i32>} : memref<32x128xf32, #tpu.memory_space<vmem>>, vector<1x16xf32>,
        %swap3A_594 = vector.shape_cast %swap3A_593 : vector<1x16xf32> to vector<16xf32>
        %swap3A_595 = vector.shape_cast %mul3A_590 : vector<16xf32> to vector<1x16xf32>
        tpu.vector_store %arg20[%swap3A_591, %swap3A_592], %swap3A_595 {strides = array<i32>} : memref<32x128xf32, #tpu.memory_space<vmem>>, vector<1x16xf32>,
        %get3A_596 = arith.index_cast %scan3A_462 : i32 to index
        %get3A_597 = arith.constant 112 : index
        %get3A_598 = tpu.vector_load %arg14[%get3A_596, %get3A_597] {strides = array<i32>} : memref<32x128xf32, #tpu.memory_space<vmem>>, vector<1x16xf32>,
        %get3A_599 = vector.shape_cast %get3A_598 : vector<1x16xf32> to vector<16xf32>
        %get3A_600 = arith.index_cast %scan3A_462 : i32 to index
        %get3A_601 = arith.constant 112 : index
        %get3A_602 = tpu.vector_load %arg16[%get3A_600, %get3A_601] {strides = array<i32>} : memref<32x128xf32, #tpu.memory_space<vmem>>, vector<1x16xf32>,
        %get3A_603 = vector.shape_cast %get3A_602 : vector<1x16xf32> to vector<16xf32>
        %add3A_604 = arith.addf %get3A_599, %get3A_603 : vector<16xf32>
        %get3A_605 = arith.index_cast %scan3A_462 : i32 to index
        %get3A_606 = arith.constant 112 : index
        %get3A_607 = tpu.vector_load %arg18[%get3A_605, %get3A_606] {strides = array<i32>} : memref<32x128xf32, #tpu.memory_space<vmem>>, vector<1x16xf32>,
        %get3A_608 = vector.shape_cast %get3A_607 : vector<1x16xf32> to vector<16xf32>
        %mul3A_609 = arith.mulf %add3A_604, %get3A_608 : vector<16xf32>
        %swap3A_610 = arith.index_cast %scan3A_462 : i32 to index
        %swap3A_611 = arith.constant 112 : index
        %swap3A_612 = tpu.vector_load %arg20[%swap3A_610, %swap3A_611] {strides = array<i32>} : memref<32x128xf32, #tpu.memory_space<vmem>>, vector<1x16xf32>,
        %swap3A_613 = vector.shape_cast %swap3A_612 : vector<1x16xf32> to vector<16xf32>
        %swap3A_614 = vector.shape_cast %mul3A_609 : vector<16xf32> to vector<1x16xf32>
        tpu.vector_store %arg20[%swap3A_610, %swap3A_611], %swap3A_614 {strides = array<i32>} : memref<32x128xf32, #tpu.memory_space<vmem>>, vector<1x16xf32>,
      }
      %scan3A_449 = arith.constant 32 : i32
      %dma_start3A_450 = arith.constant 0 : i32
      %dma_start3A_451 = arith.constant 0 : i32
      %dma_start3A_452 = tpu.memref_slice %arg23[%dma_start3A_450, %dma_start3A_451] : memref<10112x128xf32, #tpu.memory_space<vmem_shared>> -> memref<10112x128xf32, #tpu.memory_space<vmem_shared>>
      tpu.enqueue_indirect_dma source(%arg20 : memref<32x128xf32, #tpu.memory_space<vmem>>) target(%dma_start3A_452 : memref<10112x128xf32, #tpu.memory_space<vmem_shared>>) offsets(%arg22 : memref<32xi32, #tpu.memory_space<vmem>>) semaphore(%arg33 : memref<!tpu.dma_semaphore, #tpu.memory_space<semaphore_mem>>) {add = true}
      %add3A_453 = arith.constant 2 : i32
      %add3A_454 = arith.addi %add3A_391, %add3A_453 : i32
      %mul3A_455 = arith.constant 32 : i32
      %mul3A_456 = arith.muli %add3A_454, %mul3A_455 : i32
      %add3A_457 = arith.addi %mul3A_4, %mul3A_456 : i32
      %dma_start3A_458 = tpu.memref_slice %arg5[%add3A_457] : memref<320512xi32, #tpu.memory_space<hbm>> -> memref<32xi32, #tpu.memory_space<hbm>>
      %dma_start3A_459 = tpu.memref_slice %arg5[%add3A_457] : memref<320512xi32, #tpu.memory_space<hbm>> -> memref<32xi32, #tpu.memory_space<hbm>>
      tpu.enqueue_dma source(%dma_start3A_459 : memref<32xi32, #tpu.memory_space<hbm>>) target(%arg10 : memref<32xi32, #tpu.memory_space<vmem>>) target_semaphore(%arg31 : memref<!tpu.dma_semaphore, #tpu.memory_space<semaphore_mem>>)
      %dma_start3A_460 = tpu.memref_slice %arg6[%add3A_457] : memref<320512xi32, #tpu.memory_space<hbm>> -> memref<32xi32, #tpu.memory_space<hbm>>
      %dma_start3A_461 = tpu.memref_slice %arg6[%add3A_457] : memref<320512xi32, #tpu.memory_space<hbm>> -> memref<32xi32, #tpu.memory_space<hbm>>
      tpu.enqueue_dma source(%dma_start3A_461 : memref<32xi32, #tpu.memory_space<hbm>>) target(%arg12 : memref<32xi32, #tpu.memory_space<vmem>>) target_semaphore(%arg31 : memref<!tpu.dma_semaphore, #tpu.memory_space<semaphore_mem>>)
    }
    %scan3A_145 = arith.constant 154 : i32
    %dma_wait3A_146 = arith.constant 0 : i32
    %dma_wait3A_147 = arith.constant 0 : i32
    %dma_wait3A_148 = tpu.memref_slice %arg2[%dma_wait3A_146, %dma_wait3A_147] : memref<10016x128xf32, #tpu.memory_space<hbm>> -> memref<10016x128xf32, #tpu.memory_space<hbm>>
    tpu.wait_indirect_dma semaphore(%arg24 : memref<!tpu.dma_semaphore, #tpu.memory_space<semaphore_mem>>) src(%dma_wait3A_148 : memref<10016x128xf32, #tpu.memory_space<hbm>>) dst(%arg13 : memref<32x128xf32, #tpu.memory_space<vmem>>)
    %dma_wait3A_149 = arith.constant 0 : i32
    %dma_wait3A_150 = arith.constant 0 : i32
    %dma_wait3A_151 = tpu.memref_slice %arg3[%dma_wait3A_149, %dma_wait3A_150] : memref<10016x128xf32, #tpu.memory_space<hbm>> -> memref<10016x128xf32, #tpu.memory_space<hbm>>
    tpu.wait_indirect_dma semaphore(%arg26 : memref<!tpu.dma_semaphore, #tpu.memory_space<semaphore_mem>>) src(%dma_wait3A_151 : memref<10016x128xf32, #tpu.memory_space<hbm>>) dst(%arg15 : memref<32x128xf32, #tpu.memory_space<vmem>>)
    %dma_wait3A_152 = arith.constant 0 : i32
    %dma_wait3A_153 = arith.constant 0 : i32
    %dma_wait3A_154 = tpu.memref_slice %arg4[%dma_wait3A_152, %dma_wait3A_153] : memref<320512x128xf32, #tpu.memory_space<hbm>> -> memref<32x128xf32, #tpu.memory_space<hbm>>
    %dma_wait3A_155 = arith.constant 0 : i32
    %dma_wait3A_156 = arith.constant 0 : i32
    %dma_wait3A_157 = tpu.memref_slice %arg4[%dma_wait3A_155, %dma_wait3A_156] : memref<320512x128xf32, #tpu.memory_space<hbm>> -> memref<32x128xf32, #tpu.memory_space<hbm>>
    tpu.wait_dma2 semaphore(%arg28 : memref<!tpu.dma_semaphore, #tpu.memory_space<semaphore_mem>>) src(%dma_wait3A_157 : memref<32x128xf32, #tpu.memory_space<hbm>>) dst(%arg17 : memref<32x128xf32, #tpu.memory_space<vmem>>)
    %dma_wait3A_158 = arith.constant 0 : i32
    %dma_wait3A_159 = tpu.memref_slice %arg5[%dma_wait3A_158] : memref<320512xi32, #tpu.memory_space<hbm>> -> memref<32xi32, #tpu.memory_space<hbm>>
    %dma_wait3A_160 = arith.constant 0 : i32
    %dma_wait3A_161 = tpu.memref_slice %arg5[%dma_wait3A_160] : memref<320512xi32, #tpu.memory_space<hbm>> -> memref<32xi32, #tpu.memory_space<hbm>>
    tpu.wait_dma2 semaphore(%arg31 : memref<!tpu.dma_semaphore, #tpu.memory_space<semaphore_mem>>) src(%dma_wait3A_161 : memref<32xi32, #tpu.memory_space<hbm>>) dst(%arg10 : memref<32xi32, #tpu.memory_space<vmem>>)
    %dma_wait3A_162 = arith.constant 0 : i32
    %dma_wait3A_163 = tpu.memref_slice %arg6[%dma_wait3A_162] : memref<320512xi32, #tpu.memory_space<hbm>> -> memref<32xi32, #tpu.memory_space<hbm>>
    %dma_wait3A_164 = arith.constant 0 : i32
    %dma_wait3A_165 = tpu.memref_slice %arg6[%dma_wait3A_164] : memref<320512xi32, #tpu.memory_space<hbm>> -> memref<32xi32, #tpu.memory_space<hbm>>
    tpu.wait_dma2 semaphore(%arg31 : memref<!tpu.dma_semaphore, #tpu.memory_space<semaphore_mem>>) src(%dma_wait3A_165 : memref<32xi32, #tpu.memory_space<hbm>>) dst(%arg12 : memref<32xi32, #tpu.memory_space<vmem>>)
    %dma_start3A_166 = arith.constant 0 : i32
    %dma_start3A_167 = arith.constant 0 : i32
    %dma_start3A_168 = tpu.memref_slice %arg2[%dma_start3A_166, %dma_start3A_167] : memref<10016x128xf32, #tpu.memory_space<hbm>> -> memref<10016x128xf32, #tpu.memory_space<hbm>>
    tpu.enqueue_indirect_dma source(%dma_start3A_168 : memref<10016x128xf32, #tpu.memory_space<hbm>>) target(%arg14 : memref<32x128xf32, #tpu.memory_space<vmem>>) offsets(%arg12 : memref<32xi32, #tpu.memory_space<vmem>>) semaphore(%arg25 : memref<!tpu.dma_semaphore, #tpu.memory_space<semaphore_mem>>)
    %dma_start3A_169 = arith.constant 0 : i32
    %dma_start3A_170 = arith.constant 0 : i32
    %dma_start3A_171 = tpu.memref_slice %arg3[%dma_start3A_169, %dma_start3A_170] : memref<10016x128xf32, #tpu.memory_space<hbm>> -> memref<10016x128xf32, #tpu.memory_space<hbm>>
    tpu.enqueue_indirect_dma source(%dma_start3A_171 : memref<10016x128xf32, #tpu.memory_space<hbm>>) target(%arg16 : memref<32x128xf32, #tpu.memory_space<vmem>>) offsets(%arg10 : memref<32xi32, #tpu.memory_space<vmem>>) semaphore(%arg27 : memref<!tpu.dma_semaphore, #tpu.memory_space<semaphore_mem>>)
    %add3A_172 = arith.constant 9952 : i32
    %add3A_173 = arith.addi %mul3A_4, %add3A_172 : i32
    %dma_start3A_174 = arith.constant 0 : i32
    %dma_start3A_175 = tpu.memref_slice %arg4[%add3A_173, %dma_start3A_174] : memref<320512x128xf32, #tpu.memory_space<hbm>> -> memref<32x128xf32, #tpu.memory_space<hbm>>
    %dma_start3A_176 = arith.constant 0 : i32
    %dma_start3A_177 = tpu.memref_slice %arg4[%add3A_173, %dma_start3A_176] : memref<320512x128xf32, #tpu.memory_space<hbm>> -> memref<32x128xf32, #tpu.memory_space<hbm>>
    tpu.enqueue_dma source(%dma_start3A_177 : memref<32x128xf32, #tpu.memory_space<hbm>>) target(%arg18 : memref<32x128xf32, #tpu.memory_space<vmem>>) target_semaphore(%arg29 : memref<!tpu.dma_semaphore, #tpu.memory_space<semaphore_mem>>)
    %dma_wait3A_178 = arith.constant 0 : i32
    %dma_wait3A_179 = arith.constant 0 : i32
    %dma_wait3A_180 = tpu.memref_slice %arg23[%dma_wait3A_178, %dma_wait3A_179] : memref<10112x128xf32, #tpu.memory_space<vmem_shared>> -> memref<10112x128xf32, #tpu.memory_space<vmem_shared>>
    tpu.wait_indirect_dma semaphore(%arg32 : memref<!tpu.dma_semaphore, #tpu.memory_space<semaphore_mem>>) src(%arg19 : memref<32x128xf32, #tpu.memory_space<vmem>>) dst(%dma_wait3A_180 : memref<10112x128xf32, #tpu.memory_space<vmem_shared>>)
    %get3A_181 = arith.constant 0 : index
    %get3A_182 = tpu.vector_load %arg11[%get3A_181] {strides = array<i32>} : memref<32xi32, #tpu.memory_space<vmem>>, vector<16xi32>,
    %get3A_183 = vector.shape_cast %get3A_182 : vector<16xi32> to vector<16xi32>
    %swap3A_184 = arith.constant 0 : index
    %swap3A_185 = tpu.vector_load %arg21[%swap3A_184] {strides = array<i32>} : memref<32xi32, #tpu.memory_space<vmem>>, vector<16xi32>,
    %swap3A_186 = vector.shape_cast %swap3A_185 : vector<16xi32> to vector<16xi32>
    %swap3A_187 = vector.shape_cast %get3A_183 : vector<16xi32> to vector<16xi32>
    tpu.vector_store %arg21[%swap3A_184], %swap3A_187 {strides = array<i32>} : memref<32xi32, #tpu.memory_space<vmem>>, vector<16xi32>,
    %get3A_188 = arith.constant 16 : index
    %get3A_189 = tpu.vector_load %arg11[%get3A_188] {strides = array<i32>} : memref<32xi32, #tpu.memory_space<vmem>>, vector<16xi32>,
    %get3A_190 = vector.shape_cast %get3A_189 : vector<16xi32> to vector<16xi32>
    %swap3A_191 = arith.constant 16 : index
    %swap3A_192 = tpu.vector_load %arg21[%swap3A_191] {strides = array<i32>} : memref<32xi32, #tpu.memory_space<vmem>>, vector<16xi32>,
    %swap3A_193 = vector.shape_cast %swap3A_192 : vector<16xi32> to vector<16xi32>
    %swap3A_194 = vector.shape_cast %get3A_190 : vector<16xi32> to vector<16xi32>
    tpu.vector_store %arg21[%swap3A_191], %swap3A_194 {strides = array<i32>} : memref<32xi32, #tpu.memory_space<vmem>>, vector<16xi32>,
    %scan3A_195 = arith.constant 0 : i32
    %scan3A_196 = arith.constant 0 : i32
    %scan3A_197 = arith.constant 32 : i32
    %scan3A_198 = arith.addi %scan3A_196, %scan3A_197 : i32
    %scan3A_199 = arith.constant 1 : i32
    scf.for %scan3A_317 = %scan3A_196 to %scan3A_198 step %scan3A_199  : i32 {
      %get3A_318 = arith.index_cast %scan3A_317 : i32 to index
      %get3A_319 = arith.constant 0 : index
      %get3A_320 = tpu.vector_load %arg13[%get3A_318, %get3A_319] {strides = array<i32>} : memref<32x128xf32, #tpu.memory_space<vmem>>, vector<1x16xf32>,
      %get3A_321 = vector.shape_cast %get3A_320 : vector<1x16xf32> to vector<16xf32>
      %get3A_322 = arith.index_cast %scan3A_317 : i32 to index
      %get3A_323 = arith.constant 0 : index
      %get3A_324 = tpu.vector_load %arg15[%get3A_322, %get3A_323] {strides = array<i32>} : memref<32x128xf32, #tpu.memory_space<vmem>>, vector<1x16xf32>,
      %get3A_325 = vector.shape_cast %get3A_324 : vector<1x16xf32> to vector<16xf32>
      %add3A_326 = arith.addf %get3A_321, %get3A_325 : vector<16xf32>
      %get3A_327 = arith.index_cast %scan3A_317 : i32 to index
      %get3A_328 = arith.constant 0 : index
      %get3A_329 = tpu.vector_load %arg17[%get3A_327, %get3A_328] {strides = array<i32>} : memref<32x128xf32, #tpu.memory_space<vmem>>, vector<1x16xf32>,
      %get3A_330 = vector.shape_cast %get3A_329 : vector<1x16xf32> to vector<16xf32>
      %mul3A_331 = arith.mulf %add3A_326, %get3A_330 : vector<16xf32>
      %swap3A_332 = arith.index_cast %scan3A_317 : i32 to index
      %swap3A_333 = arith.constant 0 : index
      %swap3A_334 = tpu.vector_load %arg19[%swap3A_332, %swap3A_333] {strides = array<i32>} : memref<32x128xf32, #tpu.memory_space<vmem>>, vector<1x16xf32>,
      %swap3A_335 = vector.shape_cast %swap3A_334 : vector<1x16xf32> to vector<16xf32>
      %swap3A_336 = vector.shape_cast %mul3A_331 : vector<16xf32> to vector<1x16xf32>
      tpu.vector_store %arg19[%swap3A_332, %swap3A_333], %swap3A_336 {strides = array<i32>} : memref<32x128xf32, #tpu.memory_space<vmem>>, vector<1x16xf32>,
      %get3A_337 = arith.index_cast %scan3A_317 : i32 to index
      %get3A_338 = arith.constant 16 : index
      %get3A_339 = tpu.vector_load %arg13[%get3A_337, %get3A_338] {strides = array<i32>} : memref<32x128xf32, #tpu.memory_space<vmem>>, vector<1x16xf32>,
      %get3A_340 = vector.shape_cast %get3A_339 : vector<1x16xf32> to vector<16xf32>
      %get3A_341 = arith.index_cast %scan3A_317 : i32 to index
      %get3A_342 = arith.constant 16 : index
      %get3A_343 = tpu.vector_load %arg15[%get3A_341, %get3A_342] {strides = array<i32>} : memref<32x128xf32, #tpu.memory_space<vmem>>, vector<1x16xf32>,
      %get3A_344 = vector.shape_cast %get3A_343 : vector<1x16xf32> to vector<16xf32>
      %add3A_345 = arith.addf %get3A_340, %get3A_344 : vector<16xf32>
      %get3A_346 = arith.index_cast %scan3A_317 : i32 to index
      %get3A_347 = arith.constant 16 : index
      %get3A_348 = tpu.vector_load %arg17[%get3A_346, %get3A_347] {strides = array<i32>} : memref<32x128xf32, #tpu.memory_space<vmem>>, vector<1x16xf32>,
      %get3A_349 = vector.shape_cast %get3A_348 : vector<1x16xf32> to vector<16xf32>
      %mul3A_350 = arith.mulf %add3A_345, %get3A_349 : vector<16xf32>
      %swap3A_351 = arith.index_cast %scan3A_317 : i32 to index
      %swap3A_352 = arith.constant 16 : index
      %swap3A_353 = tpu.vector_load %arg19[%swap3A_351, %swap3A_352] {strides = array<i32>} : memref<32x128xf32, #tpu.memory_space<vmem>>, vector<1x16xf32>,
      %swap3A_354 = vector.shape_cast %swap3A_353 : vector<1x16xf32> to vector<16xf32>
      %swap3A_355 = vector.shape_cast %mul3A_350 : vector<16xf32> to vector<1x16xf32>
      tpu.vector_store %arg19[%swap3A_351, %swap3A_352], %swap3A_355 {strides = array<i32>} : memref<32x128xf32, #tpu.memory_space<vmem>>, vector<1x16xf32>,
      %get3A_356 = arith.index_cast %scan3A_317 : i32 to index
      %get3A_357 = arith.constant 32 : index
      %get3A_358 = tpu.vector_load %arg13[%get3A_356, %get3A_357] {strides = array<i32>} : memref<32x128xf32, #tpu.memory_space<vmem>>, vector<1x16xf32>,
      %get3A_359 = vector.shape_cast %get3A_358 : vector<1x16xf32> to vector<16xf32>
      %get3A_360 = arith.index_cast %scan3A_317 : i32 to index
      %get3A_361 = arith.constant 32 : index
      %get3A_362 = tpu.vector_load %arg15[%get3A_360, %get3A_361] {strides = array<i32>} : memref<32x128xf32, #tpu.memory_space<vmem>>, vector<1x16xf32>,
      %get3A_363 = vector.shape_cast %get3A_362 : vector<1x16xf32> to vector<16xf32>
      %add3A_364 = arith.addf %get3A_359, %get3A_363 : vector<16xf32>
      %get3A_365 = arith.index_cast %scan3A_317 : i32 to index
      %get3A_366 = arith.constant 32 : index
      %get3A_367 = tpu.vector_load %arg17[%get3A_365, %get3A_366] {strides = array<i32>} : memref<32x128xf32, #tpu.memory_space<vmem>>, vector<1x16xf32>,
      %get3A_368 = vector.shape_cast %get3A_367 : vector<1x16xf32> to vector<16xf32>
      %mul3A_369 = arith.mulf %add3A_364, %get3A_368 : vector<16xf32>
      %swap3A_370 = arith.index_cast %scan3A_317 : i32 to index
      %swap3A_371 = arith.constant 32 : index
      %swap3A_372 = tpu.vector_load %arg19[%swap3A_370, %swap3A_371] {strides = array<i32>} : memref<32x128xf32, #tpu.memory_space<vmem>>, vector<1x16xf32>,
      %swap3A_373 = vector.shape_cast %swap3A_372 : vector<1x16xf32> to vector<16xf32>
      %swap3A_374 = vector.shape_cast %mul3A_369 : vector<16xf32> to vector<1x16xf32>
      tpu.vector_store %arg19[%swap3A_370, %swap3A_371], %swap3A_374 {strides = array<i32>} : memref<32x128xf32, #tpu.memory_space<vmem>>, vector<1x16xf32>,
      %get3A_375 = arith.index_cast %scan3A_317 : i32 to index
      %get3A_376 = arith.constant 48 : index
      %get3A_377 = tpu.vector_load %arg13[%get3A_375, %get3A_376] {strides = array<i32>} : memref<32x128xf32, #tpu.memory_space<vmem>>, vector<1x16xf32>,
      %get3A_378 = vector.shape_cast %get3A_377 : vector<1x16xf32> to vector<16xf32>
      %get3A_379 = arith.index_cast %scan3A_317 : i32 to index
      %get3A_380 = arith.constant 48 : index
      %get3A_381 = tpu.vector_load %arg15[%get3A_379, %get3A_380] {strides = array<i32>} : memref<32x128xf32, #tpu.memory_space<vmem>>, vector<1x16xf32>,
      %get3A_382 = vector.shape_cast %get3A_381 : vector<1x16xf32> to vector<16xf32>
      %add3A_383 = arith.addf %get3A_378, %get3A_382 : vector<16xf32>
      %get3A_384 = arith.index_cast %scan3A_317 : i32 to index
      %get3A_385 = arith.constant 48 : index
      %get3A_386 = tpu.vector_load %arg17[%get3A_384, %get3A_385] {strides = array<i32>} : memref<32x128xf32, #tpu.memory_space<vmem>>, vector<1x16xf32>,
      %get3A_387 = vector.shape_cast %get3A_386 : vector<1x16xf32> to vector<16xf32>
      %mul3A_388 = arith.mulf %add3A_383, %get3A_387 : vector<16xf32>
      %swap3A_389 = arith.index_cast %scan3A_317 : i32 to index
      %swap3A_390 = arith.constant 48 : index
      %swap3A_391 = tpu.vector_load %arg19[%swap3A_389, %swap3A_390] {strides = array<i32>} : memref<32x128xf32, #tpu.memory_space<vmem>>, vector<1x16xf32>,
      %swap3A_392 = vector.shape_cast %swap3A_391 : vector<1x16xf32> to vector<16xf32>
      %swap3A_393 = vector.shape_cast %mul3A_388 : vector<16xf32> to vector<1x16xf32>
      tpu.vector_store %arg19[%swap3A_389, %swap3A_390], %swap3A_393 {strides = array<i32>} : memref<32x128xf32, #tpu.memory_space<vmem>>, vector<1x16xf32>,
      %get3A_394 = arith.index_cast %scan3A_317 : i32 to index
      %get3A_395 = arith.constant 64 : index
      %get3A_396 = tpu.vector_load %arg13[%get3A_394, %get3A_395] {strides = array<i32>} : memref<32x128xf32, #tpu.memory_space<vmem>>, vector<1x16xf32>,
      %get3A_397 = vector.shape_cast %get3A_396 : vector<1x16xf32> to vector<16xf32>
      %get3A_398 = arith.index_cast %scan3A_317 : i32 to index
      %get3A_399 = arith.constant 64 : index
      %get3A_400 = tpu.vector_load %arg15[%get3A_398, %get3A_399] {strides = array<i32>} : memref<32x128xf32, #tpu.memory_space<vmem>>, vector<1x16xf32>,
      %get3A_401 = vector.shape_cast %get3A_400 : vector<1x16xf32> to vector<16xf32>
      %add3A_402 = arith.addf %get3A_397, %get3A_401 : vector<16xf32>
      %get3A_403 = arith.index_cast %scan3A_317 : i32 to index
      %get3A_404 = arith.constant 64 : index
      %get3A_405 = tpu.vector_load %arg17[%get3A_403, %get3A_404] {strides = array<i32>} : memref<32x128xf32, #tpu.memory_space<vmem>>, vector<1x16xf32>,
      %get3A_406 = vector.shape_cast %get3A_405 : vector<1x16xf32> to vector<16xf32>
      %mul3A_407 = arith.mulf %add3A_402, %get3A_406 : vector<16xf32>
      %swap3A_408 = arith.index_cast %scan3A_317 : i32 to index
      %swap3A_409 = arith.constant 64 : index
      %swap3A_410 = tpu.vector_load %arg19[%swap3A_408, %swap3A_409] {strides = array<i32>} : memref<32x128xf32, #tpu.memory_space<vmem>>, vector<1x16xf32>,
      %swap3A_411 = vector.shape_cast %swap3A_410 : vector<1x16xf32> to vector<16xf32>
      %swap3A_412 = vector.shape_cast %mul3A_407 : vector<16xf32> to vector<1x16xf32>
      tpu.vector_store %arg19[%swap3A_408, %swap3A_409], %swap3A_412 {strides = array<i32>} : memref<32x128xf32, #tpu.memory_space<vmem>>, vector<1x16xf32>,
      %get3A_413 = arith.index_cast %scan3A_317 : i32 to index
      %get3A_414 = arith.constant 80 : index
      %get3A_415 = tpu.vector_load %arg13[%get3A_413, %get3A_414] {strides = array<i32>} : memref<32x128xf32, #tpu.memory_space<vmem>>, vector<1x16xf32>,
      %get3A_416 = vector.shape_cast %get3A_415 : vector<1x16xf32> to vector<16xf32>
      %get3A_417 = arith.index_cast %scan3A_317 : i32 to index
      %get3A_418 = arith.constant 80 : index
      %get3A_419 = tpu.vector_load %arg15[%get3A_417, %get3A_418] {strides = array<i32>} : memref<32x128xf32, #tpu.memory_space<vmem>>, vector<1x16xf32>,
      %get3A_420 = vector.shape_cast %get3A_419 : vector<1x16xf32> to vector<16xf32>
      %add3A_421 = arith.addf %get3A_416, %get3A_420 : vector<16xf32>
      %get3A_422 = arith.index_cast %scan3A_317 : i32 to index
      %get3A_423 = arith.constant 80 : index
      %get3A_424 = tpu.vector_load %arg17[%get3A_422, %get3A_423] {strides = array<i32>} : memref<32x128xf32, #tpu.memory_space<vmem>>, vector<1x16xf32>,
      %get3A_425 = vector.shape_cast %get3A_424 : vector<1x16xf32> to vector<16xf32>
      %mul3A_426 = arith.mulf %add3A_421, %get3A_425 : vector<16xf32>
      %swap3A_427 = arith.index_cast %scan3A_317 : i32 to index
      %swap3A_428 = arith.constant 80 : index
      %swap3A_429 = tpu.vector_load %arg19[%swap3A_427, %swap3A_428] {strides = array<i32>} : memref<32x128xf32, #tpu.memory_space<vmem>>, vector<1x16xf32>,
      %swap3A_430 = vector.shape_cast %swap3A_429 : vector<1x16xf32> to vector<16xf32>
      %swap3A_431 = vector.shape_cast %mul3A_426 : vector<16xf32> to vector<1x16xf32>
      tpu.vector_store %arg19[%swap3A_427, %swap3A_428], %swap3A_431 {strides = array<i32>} : memref<32x128xf32, #tpu.memory_space<vmem>>, vector<1x16xf32>,
      %get3A_432 = arith.index_cast %scan3A_317 : i32 to index
      %get3A_433 = arith.constant 96 : index
      %get3A_434 = tpu.vector_load %arg13[%get3A_432, %get3A_433] {strides = array<i32>} : memref<32x128xf32, #tpu.memory_space<vmem>>, vector<1x16xf32>,
      %get3A_435 = vector.shape_cast %get3A_434 : vector<1x16xf32> to vector<16xf32>
      %get3A_436 = arith.index_cast %scan3A_317 : i32 to index
      %get3A_437 = arith.constant 96 : index
      %get3A_438 = tpu.vector_load %arg15[%get3A_436, %get3A_437] {strides = array<i32>} : memref<32x128xf32, #tpu.memory_space<vmem>>, vector<1x16xf32>,
      %get3A_439 = vector.shape_cast %get3A_438 : vector<1x16xf32> to vector<16xf32>
      %add3A_440 = arith.addf %get3A_435, %get3A_439 : vector<16xf32>
      %get3A_441 = arith.index_cast %scan3A_317 : i32 to index
      %get3A_442 = arith.constant 96 : index
      %get3A_443 = tpu.vector_load %arg17[%get3A_441, %get3A_442] {strides = array<i32>} : memref<32x128xf32, #tpu.memory_space<vmem>>, vector<1x16xf32>,
      %get3A_444 = vector.shape_cast %get3A_443 : vector<1x16xf32> to vector<16xf32>
      %mul3A_445 = arith.mulf %add3A_440, %get3A_444 : vector<16xf32>
      %swap3A_446 = arith.index_cast %scan3A_317 : i32 to index
      %swap3A_447 = arith.constant 96 : index
      %swap3A_448 = tpu.vector_load %arg19[%swap3A_446, %swap3A_447] {strides = array<i32>} : memref<32x128xf32, #tpu.memory_space<vmem>>, vector<1x16xf32>,
      %swap3A_449 = vector.shape_cast %swap3A_448 : vector<1x16xf32> to vector<16xf32>
      %swap3A_450 = vector.shape_cast %mul3A_445 : vector<16xf32> to vector<1x16xf32>
      tpu.vector_store %arg19[%swap3A_446, %swap3A_447], %swap3A_450 {strides = array<i32>} : memref<32x128xf32, #tpu.memory_space<vmem>>, vector<1x16xf32>,
      %get3A_451 = arith.index_cast %scan3A_317 : i32 to index
      %get3A_452 = arith.constant 112 : index
      %get3A_453 = tpu.vector_load %arg13[%get3A_451, %get3A_452] {strides = array<i32>} : memref<32x128xf32, #tpu.memory_space<vmem>>, vector<1x16xf32>,
      %get3A_454 = vector.shape_cast %get3A_453 : vector<1x16xf32> to vector<16xf32>
      %get3A_455 = arith.index_cast %scan3A_317 : i32 to index
      %get3A_456 = arith.constant 112 : index
      %get3A_457 = tpu.vector_load %arg15[%get3A_455, %get3A_456] {strides = array<i32>} : memref<32x128xf32, #tpu.memory_space<vmem>>, vector<1x16xf32>,
      %get3A_458 = vector.shape_cast %get3A_457 : vector<1x16xf32> to vector<16xf32>
      %add3A_459 = arith.addf %get3A_454, %get3A_458 : vector<16xf32>
      %get3A_460 = arith.index_cast %scan3A_317 : i32 to index
      %get3A_461 = arith.constant 112 : index
      %get3A_462 = tpu.vector_load %arg17[%get3A_460, %get3A_461] {strides = array<i32>} : memref<32x128xf32, #tpu.memory_space<vmem>>, vector<1x16xf32>,
      %get3A_463 = vector.shape_cast %get3A_462 : vector<1x16xf32> to vector<16xf32>
      %mul3A_464 = arith.mulf %add3A_459, %get3A_463 : vector<16xf32>
      %swap3A_465 = arith.index_cast %scan3A_317 : i32 to index
      %swap3A_466 = arith.constant 112 : index
      %swap3A_467 = tpu.vector_load %arg19[%swap3A_465, %swap3A_466] {strides = array<i32>} : memref<32x128xf32, #tpu.memory_space<vmem>>, vector<1x16xf32>,
      %swap3A_468 = vector.shape_cast %swap3A_467 : vector<1x16xf32> to vector<16xf32>
      %swap3A_469 = vector.shape_cast %mul3A_464 : vector<16xf32> to vector<1x16xf32>
      tpu.vector_store %arg19[%swap3A_465, %swap3A_466], %swap3A_469 {strides = array<i32>} : memref<32x128xf32, #tpu.memory_space<vmem>>, vector<1x16xf32>,
    }
    %scan3A_200 = arith.constant 32 : i32
    %dma_start3A_201 = arith.constant 0 : i32
    %dma_start3A_202 = arith.constant 0 : i32
    %dma_start3A_203 = tpu.memref_slice %arg23[%dma_start3A_201, %dma_start3A_202] : memref<10112x128xf32, #tpu.memory_space<vmem_shared>> -> memref<10112x128xf32, #tpu.memory_space<vmem_shared>>
    tpu.enqueue_indirect_dma source(%arg19 : memref<32x128xf32, #tpu.memory_space<vmem>>) target(%dma_start3A_203 : memref<10112x128xf32, #tpu.memory_space<vmem_shared>>) offsets(%arg21 : memref<32xi32, #tpu.memory_space<vmem>>) semaphore(%arg32 : memref<!tpu.dma_semaphore, #tpu.memory_space<semaphore_mem>>) {add = true}
    %add3A_204 = arith.constant 9984 : i32
    %add3A_205 = arith.addi %mul3A_4, %add3A_204 : i32
    %dma_start3A_206 = tpu.memref_slice %arg5[%add3A_205] : memref<320512xi32, #tpu.memory_space<hbm>> -> memref<32xi32, #tpu.memory_space<hbm>>
    %dma_start3A_207 = tpu.memref_slice %arg5[%add3A_205] : memref<320512xi32, #tpu.memory_space<hbm>> -> memref<32xi32, #tpu.memory_space<hbm>>
    tpu.enqueue_dma source(%dma_start3A_207 : memref<32xi32, #tpu.memory_space<hbm>>) target(%arg9 : memref<32xi32, #tpu.memory_space<vmem>>) target_semaphore(%arg30 : memref<!tpu.dma_semaphore, #tpu.memory_space<semaphore_mem>>)
    %dma_start3A_208 = tpu.memref_slice %arg6[%add3A_205] : memref<320512xi32, #tpu.memory_space<hbm>> -> memref<32xi32, #tpu.memory_space<hbm>>
    %dma_start3A_209 = tpu.memref_slice %arg6[%add3A_205] : memref<320512xi32, #tpu.memory_space<hbm>> -> memref<32xi32, #tpu.memory_space<hbm>>
    tpu.enqueue_dma source(%dma_start3A_209 : memref<32xi32, #tpu.memory_space<hbm>>) target(%arg11 : memref<32xi32, #tpu.memory_space<vmem>>) target_semaphore(%arg30 : memref<!tpu.dma_semaphore, #tpu.memory_space<semaphore_mem>>)
    %dma_wait3A_210 = arith.constant 0 : i32
    %dma_wait3A_211 = arith.constant 0 : i32
    %dma_wait3A_212 = tpu.memref_slice %arg2[%dma_wait3A_210, %dma_wait3A_211] : memref<10016x128xf32, #tpu.memory_space<hbm>> -> memref<10016x128xf32, #tpu.memory_space<hbm>>
    tpu.wait_indirect_dma semaphore(%arg25 : memref<!tpu.dma_semaphore, #tpu.memory_space<semaphore_mem>>) src(%dma_wait3A_212 : memref<10016x128xf32, #tpu.memory_space<hbm>>) dst(%arg14 : memref<32x128xf32, #tpu.memory_space<vmem>>)
    %dma_wait3A_213 = arith.constant 0 : i32
    %dma_wait3A_214 = arith.constant 0 : i32
    %dma_wait3A_215 = tpu.memref_slice %arg3[%dma_wait3A_213, %dma_wait3A_214] : memref<10016x128xf32, #tpu.memory_space<hbm>> -> memref<10016x128xf32, #tpu.memory_space<hbm>>
    tpu.wait_indirect_dma semaphore(%arg27 : memref<!tpu.dma_semaphore, #tpu.memory_space<semaphore_mem>>) src(%dma_wait3A_215 : memref<10016x128xf32, #tpu.memory_space<hbm>>) dst(%arg16 : memref<32x128xf32, #tpu.memory_space<vmem>>)
    %dma_wait3A_216 = arith.constant 0 : i32
    %dma_wait3A_217 = arith.constant 0 : i32
    %dma_wait3A_218 = tpu.memref_slice %arg4[%dma_wait3A_216, %dma_wait3A_217] : memref<320512x128xf32, #tpu.memory_space<hbm>> -> memref<32x128xf32, #tpu.memory_space<hbm>>
    %dma_wait3A_219 = arith.constant 0 : i32
    %dma_wait3A_220 = arith.constant 0 : i32
    %dma_wait3A_221 = tpu.memref_slice %arg4[%dma_wait3A_219, %dma_wait3A_220] : memref<320512x128xf32, #tpu.memory_space<hbm>> -> memref<32x128xf32, #tpu.memory_space<hbm>>
    tpu.wait_dma2 semaphore(%arg29 : memref<!tpu.dma_semaphore, #tpu.memory_space<semaphore_mem>>) src(%dma_wait3A_221 : memref<32x128xf32, #tpu.memory_space<hbm>>) dst(%arg18 : memref<32x128xf32, #tpu.memory_space<vmem>>)
    %dma_wait3A_222 = arith.constant 0 : i32
    %dma_wait3A_223 = tpu.memref_slice %arg5[%dma_wait3A_222] : memref<320512xi32, #tpu.memory_space<hbm>> -> memref<32xi32, #tpu.memory_space<hbm>>
    %dma_wait3A_224 = arith.constant 0 : i32
    %dma_wait3A_225 = tpu.memref_slice %arg5[%dma_wait3A_224] : memref<320512xi32, #tpu.memory_space<hbm>> -> memref<32xi32, #tpu.memory_space<hbm>>
    tpu.wait_dma2 semaphore(%arg30 : memref<!tpu.dma_semaphore, #tpu.memory_space<semaphore_mem>>) src(%dma_wait3A_225 : memref<32xi32, #tpu.memory_space<hbm>>) dst(%arg9 : memref<32xi32, #tpu.memory_space<vmem>>)
    %dma_wait3A_226 = arith.constant 0 : i32
    %dma_wait3A_227 = tpu.memref_slice %arg6[%dma_wait3A_226] : memref<320512xi32, #tpu.memory_space<hbm>> -> memref<32xi32, #tpu.memory_space<hbm>>
    %dma_wait3A_228 = arith.constant 0 : i32
    %dma_wait3A_229 = tpu.memref_slice %arg6[%dma_wait3A_228] : memref<320512xi32, #tpu.memory_space<hbm>> -> memref<32xi32, #tpu.memory_space<hbm>>
    tpu.wait_dma2 semaphore(%arg30 : memref<!tpu.dma_semaphore, #tpu.memory_space<semaphore_mem>>) src(%dma_wait3A_229 : memref<32xi32, #tpu.memory_space<hbm>>) dst(%arg11 : memref<32xi32, #tpu.memory_space<vmem>>)
    %dma_start3A_230 = arith.constant 0 : i32
    %dma_start3A_231 = arith.constant 0 : i32
    %dma_start3A_232 = tpu.memref_slice %arg2[%dma_start3A_230, %dma_start3A_231] : memref<10016x128xf32, #tpu.memory_space<hbm>> -> memref<10016x128xf32, #tpu.memory_space<hbm>>
    tpu.enqueue_indirect_dma source(%dma_start3A_232 : memref<10016x128xf32, #tpu.memory_space<hbm>>) target(%arg13 : memref<32x128xf32, #tpu.memory_space<vmem>>) offsets(%arg11 : memref<32xi32, #tpu.memory_space<vmem>>) semaphore(%arg24 : memref<!tpu.dma_semaphore, #tpu.memory_space<semaphore_mem>>)
    %dma_start3A_233 = arith.constant 0 : i32
    %dma_start3A_234 = arith.constant 0 : i32
    %dma_start3A_235 = tpu.memref_slice %arg3[%dma_start3A_233, %dma_start3A_234] : memref<10016x128xf32, #tpu.memory_space<hbm>> -> memref<10016x128xf32, #tpu.memory_space<hbm>>
    tpu.enqueue_indirect_dma source(%dma_start3A_235 : memref<10016x128xf32, #tpu.memory_space<hbm>>) target(%arg15 : memref<32x128xf32, #tpu.memory_space<vmem>>) offsets(%arg9 : memref<32xi32, #tpu.memory_space<vmem>>) semaphore(%arg26 : memref<!tpu.dma_semaphore, #tpu.memory_space<semaphore_mem>>)
    %add3A_236 = arith.constant 9984 : i32
    %add3A_237 = arith.addi %mul3A_4, %add3A_236 : i32
    %dma_start3A_238 = arith.constant 0 : i32
    %dma_start3A_239 = tpu.memref_slice %arg4[%add3A_237, %dma_start3A_238] : memref<320512x128xf32, #tpu.memory_space<hbm>> -> memref<32x128xf32, #tpu.memory_space<hbm>>
    %dma_start3A_240 = arith.constant 0 : i32
    %dma_start3A_241 = tpu.memref_slice %arg4[%add3A_237, %dma_start3A_240] : memref<320512x128xf32, #tpu.memory_space<hbm>> -> memref<32x128xf32, #tpu.memory_space<hbm>>
    tpu.enqueue_dma source(%dma_start3A_241 : memref<32x128xf32, #tpu.memory_space<hbm>>) target(%arg17 : memref<32x128xf32, #tpu.memory_space<vmem>>) target_semaphore(%arg28 : memref<!tpu.dma_semaphore, #tpu.memory_space<semaphore_mem>>)
    %dma_wait3A_242 = arith.constant 0 : i32
    %dma_wait3A_243 = arith.constant 0 : i32
    %dma_wait3A_244 = tpu.memref_slice %arg23[%dma_wait3A_242, %dma_wait3A_243] : memref<10112x128xf32, #tpu.memory_space<vmem_shared>> -> memref<10112x128xf32, #tpu.memory_space<vmem_shared>>
    tpu.wait_indirect_dma semaphore(%arg33 : memref<!tpu.dma_semaphore, #tpu.memory_space<semaphore_mem>>) src(%arg20 : memref<32x128xf32, #tpu.memory_space<vmem>>) dst(%dma_wait3A_244 : memref<10112x128xf32, #tpu.memory_space<vmem_shared>>)
    %get3A_245 = arith.constant 0 : index
    %get3A_246 = tpu.vector_load %arg12[%get3A_245] {strides = array<i32>} : memref<32xi32, #tpu.memory_space<vmem>>, vector<16xi32>,
    %get3A_247 = vector.shape_cast %get3A_246 : vector<16xi32> to vector<16xi32>
    %swap3A_248 = arith.constant 0 : index
    %swap3A_249 = tpu.vector_load %arg22[%swap3A_248] {strides = array<i32>} : memref<32xi32, #tpu.memory_space<vmem>>, vector<16xi32>,
    %swap3A_250 = vector.shape_cast %swap3A_249 : vector<16xi32> to vector<16xi32>
    %swap3A_251 = vector.shape_cast %get3A_247 : vector<16xi32> to vector<16xi32>
    tpu.vector_store %arg22[%swap3A_248], %swap3A_251 {strides = array<i32>} : memref<32xi32, #tpu.memory_space<vmem>>, vector<16xi32>,
    %get3A_252 = arith.constant 16 : index
    %get3A_253 = tpu.vector_load %arg12[%get3A_252] {strides = array<i32>} : memref<32xi32, #tpu.memory_space<vmem>>, vector<16xi32>,
    %get3A_254 = vector.shape_cast %get3A_253 : vector<16xi32> to vector<16xi32>
    %swap3A_255 = arith.constant 16 : index
    %swap3A_256 = tpu.vector_load %arg22[%swap3A_255] {strides = array<i32>} : memref<32xi32, #tpu.memory_space<vmem>>, vector<16xi32>,
    %swap3A_257 = vector.shape_cast %swap3A_256 : vector<16xi32> to vector<16xi32>
    %swap3A_258 = vector.shape_cast %get3A_254 : vector<16xi32> to vector<16xi32>
    tpu.vector_store %arg22[%swap3A_255], %swap3A_258 {strides = array<i32>} : memref<32xi32, #tpu.memory_space<vmem>>, vector<16xi32>,
    %scan3A_259 = arith.constant 0 : i32
    %scan3A_260 = arith.constant 0 : i32
    %scan3A_261 = arith.constant 32 : i32
    %scan3A_262 = arith.addi %scan3A_260, %scan3A_261 : i32
    %scan3A_263 = arith.constant 1 : i32
    scf.for %scan3A_317 = %scan3A_260 to %scan3A_262 step %scan3A_263  : i32 {
      %get3A_318 = arith.index_cast %scan3A_317 : i32 to index
      %get3A_319 = arith.constant 0 : index
      %get3A_320 = tpu.vector_load %arg14[%get3A_318, %get3A_319] {strides = array<i32>} : memref<32x128xf32, #tpu.memory_space<vmem>>, vector<1x16xf32>,
      %get3A_321 = vector.shape_cast %get3A_320 : vector<1x16xf32> to vector<16xf32>
      %get3A_322 = arith.index_cast %scan3A_317 : i32 to index
      %get3A_323 = arith.constant 0 : index
      %get3A_324 = tpu.vector_load %arg16[%get3A_322, %get3A_323] {strides = array<i32>} : memref<32x128xf32, #tpu.memory_space<vmem>>, vector<1x16xf32>,
      %get3A_325 = vector.shape_cast %get3A_324 : vector<1x16xf32> to vector<16xf32>
      %add3A_326 = arith.addf %get3A_321, %get3A_325 : vector<16xf32>
      %get3A_327 = arith.index_cast %scan3A_317 : i32 to index
      %get3A_328 = arith.constant 0 : index
      %get3A_329 = tpu.vector_load %arg18[%get3A_327, %get3A_328] {strides = array<i32>} : memref<32x128xf32, #tpu.memory_space<vmem>>, vector<1x16xf32>,
      %get3A_330 = vector.shape_cast %get3A_329 : vector<1x16xf32> to vector<16xf32>
      %mul3A_331 = arith.mulf %add3A_326, %get3A_330 : vector<16xf32>
      %swap3A_332 = arith.index_cast %scan3A_317 : i32 to index
      %swap3A_333 = arith.constant 0 : index
      %swap3A_334 = tpu.vector_load %arg20[%swap3A_332, %swap3A_333] {strides = array<i32>} : memref<32x128xf32, #tpu.memory_space<vmem>>, vector<1x16xf32>,
      %swap3A_335 = vector.shape_cast %swap3A_334 : vector<1x16xf32> to vector<16xf32>
      %swap3A_336 = vector.shape_cast %mul3A_331 : vector<16xf32> to vector<1x16xf32>
      tpu.vector_store %arg20[%swap3A_332, %swap3A_333], %swap3A_336 {strides = array<i32>} : memref<32x128xf32, #tpu.memory_space<vmem>>, vector<1x16xf32>,
      %get3A_337 = arith.index_cast %scan3A_317 : i32 to index
      %get3A_338 = arith.constant 16 : index
      %get3A_339 = tpu.vector_load %arg14[%get3A_337, %get3A_338] {strides = array<i32>} : memref<32x128xf32, #tpu.memory_space<vmem>>, vector<1x16xf32>,
      %get3A_340 = vector.shape_cast %get3A_339 : vector<1x16xf32> to vector<16xf32>
      %get3A_341 = arith.index_cast %scan3A_317 : i32 to index
      %get3A_342 = arith.constant 16 : index
      %get3A_343 = tpu.vector_load %arg16[%get3A_341, %get3A_342] {strides = array<i32>} : memref<32x128xf32, #tpu.memory_space<vmem>>, vector<1x16xf32>,
      %get3A_344 = vector.shape_cast %get3A_343 : vector<1x16xf32> to vector<16xf32>
      %add3A_345 = arith.addf %get3A_340, %get3A_344 : vector<16xf32>
      %get3A_346 = arith.index_cast %scan3A_317 : i32 to index
      %get3A_347 = arith.constant 16 : index
      %get3A_348 = tpu.vector_load %arg18[%get3A_346, %get3A_347] {strides = array<i32>} : memref<32x128xf32, #tpu.memory_space<vmem>>, vector<1x16xf32>,
      %get3A_349 = vector.shape_cast %get3A_348 : vector<1x16xf32> to vector<16xf32>
      %mul3A_350 = arith.mulf %add3A_345, %get3A_349 : vector<16xf32>
      %swap3A_351 = arith.index_cast %scan3A_317 : i32 to index
      %swap3A_352 = arith.constant 16 : index
      %swap3A_353 = tpu.vector_load %arg20[%swap3A_351, %swap3A_352] {strides = array<i32>} : memref<32x128xf32, #tpu.memory_space<vmem>>, vector<1x16xf32>,
      %swap3A_354 = vector.shape_cast %swap3A_353 : vector<1x16xf32> to vector<16xf32>
      %swap3A_355 = vector.shape_cast %mul3A_350 : vector<16xf32> to vector<1x16xf32>
      tpu.vector_store %arg20[%swap3A_351, %swap3A_352], %swap3A_355 {strides = array<i32>} : memref<32x128xf32, #tpu.memory_space<vmem>>, vector<1x16xf32>,
      %get3A_356 = arith.index_cast %scan3A_317 : i32 to index
      %get3A_357 = arith.constant 32 : index
      %get3A_358 = tpu.vector_load %arg14[%get3A_356, %get3A_357] {strides = array<i32>} : memref<32x128xf32, #tpu.memory_space<vmem>>, vector<1x16xf32>,
      %get3A_359 = vector.shape_cast %get3A_358 : vector<1x16xf32> to vector<16xf32>
      %get3A_360 = arith.index_cast %scan3A_317 : i32 to index
      %get3A_361 = arith.constant 32 : index
      %get3A_362 = tpu.vector_load %arg16[%get3A_360, %get3A_361] {strides = array<i32>} : memref<32x128xf32, #tpu.memory_space<vmem>>, vector<1x16xf32>,
      %get3A_363 = vector.shape_cast %get3A_362 : vector<1x16xf32> to vector<16xf32>
      %add3A_364 = arith.addf %get3A_359, %get3A_363 : vector<16xf32>
      %get3A_365 = arith.index_cast %scan3A_317 : i32 to index
      %get3A_366 = arith.constant 32 : index
      %get3A_367 = tpu.vector_load %arg18[%get3A_365, %get3A_366] {strides = array<i32>} : memref<32x128xf32, #tpu.memory_space<vmem>>, vector<1x16xf32>,
      %get3A_368 = vector.shape_cast %get3A_367 : vector<1x16xf32> to vector<16xf32>
      %mul3A_369 = arith.mulf %add3A_364, %get3A_368 : vector<16xf32>
      %swap3A_370 = arith.index_cast %scan3A_317 : i32 to index
      %swap3A_371 = arith.constant 32 : index
      %swap3A_372 = tpu.vector_load %arg20[%swap3A_370, %swap3A_371] {strides = array<i32>} : memref<32x128xf32, #tpu.memory_space<vmem>>, vector<1x16xf32>,
      %swap3A_373 = vector.shape_cast %swap3A_372 : vector<1x16xf32> to vector<16xf32>
      %swap3A_374 = vector.shape_cast %mul3A_369 : vector<16xf32> to vector<1x16xf32>
      tpu.vector_store %arg20[%swap3A_370, %swap3A_371], %swap3A_374 {strides = array<i32>} : memref<32x128xf32, #tpu.memory_space<vmem>>, vector<1x16xf32>,
      %get3A_375 = arith.index_cast %scan3A_317 : i32 to index
      %get3A_376 = arith.constant 48 : index
      %get3A_377 = tpu.vector_load %arg14[%get3A_375, %get3A_376] {strides = array<i32>} : memref<32x128xf32, #tpu.memory_space<vmem>>, vector<1x16xf32>,
      %get3A_378 = vector.shape_cast %get3A_377 : vector<1x16xf32> to vector<16xf32>
      %get3A_379 = arith.index_cast %scan3A_317 : i32 to index
      %get3A_380 = arith.constant 48 : index
      %get3A_381 = tpu.vector_load %arg16[%get3A_379, %get3A_380] {strides = array<i32>} : memref<32x128xf32, #tpu.memory_space<vmem>>, vector<1x16xf32>,
      %get3A_382 = vector.shape_cast %get3A_381 : vector<1x16xf32> to vector<16xf32>
      %add3A_383 = arith.addf %get3A_378, %get3A_382 : vector<16xf32>
      %get3A_384 = arith.index_cast %scan3A_317 : i32 to index
      %get3A_385 = arith.constant 48 : index
      %get3A_386 = tpu.vector_load %arg18[%get3A_384, %get3A_385] {strides = array<i32>} : memref<32x128xf32, #tpu.memory_space<vmem>>, vector<1x16xf32>,
      %get3A_387 = vector.shape_cast %get3A_386 : vector<1x16xf32> to vector<16xf32>
      %mul3A_388 = arith.mulf %add3A_383, %get3A_387 : vector<16xf32>
      %swap3A_389 = arith.index_cast %scan3A_317 : i32 to index
      %swap3A_390 = arith.constant 48 : index
      %swap3A_391 = tpu.vector_load %arg20[%swap3A_389, %swap3A_390] {strides = array<i32>} : memref<32x128xf32, #tpu.memory_space<vmem>>, vector<1x16xf32>,
      %swap3A_392 = vector.shape_cast %swap3A_391 : vector<1x16xf32> to vector<16xf32>
      %swap3A_393 = vector.shape_cast %mul3A_388 : vector<16xf32> to vector<1x16xf32>
      tpu.vector_store %arg20[%swap3A_389, %swap3A_390], %swap3A_393 {strides = array<i32>} : memref<32x128xf32, #tpu.memory_space<vmem>>, vector<1x16xf32>,
      %get3A_394 = arith.index_cast %scan3A_317 : i32 to index
      %get3A_395 = arith.constant 64 : index
      %get3A_396 = tpu.vector_load %arg14[%get3A_394, %get3A_395] {strides = array<i32>} : memref<32x128xf32, #tpu.memory_space<vmem>>, vector<1x16xf32>,
      %get3A_397 = vector.shape_cast %get3A_396 : vector<1x16xf32> to vector<16xf32>
      %get3A_398 = arith.index_cast %scan3A_317 : i32 to index
      %get3A_399 = arith.constant 64 : index
      %get3A_400 = tpu.vector_load %arg16[%get3A_398, %get3A_399] {strides = array<i32>} : memref<32x128xf32, #tpu.memory_space<vmem>>, vector<1x16xf32>,
      %get3A_401 = vector.shape_cast %get3A_400 : vector<1x16xf32> to vector<16xf32>
      %add3A_402 = arith.addf %get3A_397, %get3A_401 : vector<16xf32>
      %get3A_403 = arith.index_cast %scan3A_317 : i32 to index
      %get3A_404 = arith.constant 64 : index
      %get3A_405 = tpu.vector_load %arg18[%get3A_403, %get3A_404] {strides = array<i32>} : memref<32x128xf32, #tpu.memory_space<vmem>>, vector<1x16xf32>,
      %get3A_406 = vector.shape_cast %get3A_405 : vector<1x16xf32> to vector<16xf32>
      %mul3A_407 = arith.mulf %add3A_402, %get3A_406 : vector<16xf32>
      %swap3A_408 = arith.index_cast %scan3A_317 : i32 to index
      %swap3A_409 = arith.constant 64 : index
      %swap3A_410 = tpu.vector_load %arg20[%swap3A_408, %swap3A_409] {strides = array<i32>} : memref<32x128xf32, #tpu.memory_space<vmem>>, vector<1x16xf32>,
      %swap3A_411 = vector.shape_cast %swap3A_410 : vector<1x16xf32> to vector<16xf32>
      %swap3A_412 = vector.shape_cast %mul3A_407 : vector<16xf32> to vector<1x16xf32>
      tpu.vector_store %arg20[%swap3A_408, %swap3A_409], %swap3A_412 {strides = array<i32>} : memref<32x128xf32, #tpu.memory_space<vmem>>, vector<1x16xf32>,
      %get3A_413 = arith.index_cast %scan3A_317 : i32 to index
      %get3A_414 = arith.constant 80 : index
      %get3A_415 = tpu.vector_load %arg14[%get3A_413, %get3A_414] {strides = array<i32>} : memref<32x128xf32, #tpu.memory_space<vmem>>, vector<1x16xf32>,
      %get3A_416 = vector.shape_cast %get3A_415 : vector<1x16xf32> to vector<16xf32>
      %get3A_417 = arith.index_cast %scan3A_317 : i32 to index
      %get3A_418 = arith.constant 80 : index
      %get3A_419 = tpu.vector_load %arg16[%get3A_417, %get3A_418] {strides = array<i32>} : memref<32x128xf32, #tpu.memory_space<vmem>>, vector<1x16xf32>,
      %get3A_420 = vector.shape_cast %get3A_419 : vector<1x16xf32> to vector<16xf32>
      %add3A_421 = arith.addf %get3A_416, %get3A_420 : vector<16xf32>
      %get3A_422 = arith.index_cast %scan3A_317 : i32 to index
      %get3A_423 = arith.constant 80 : index
      %get3A_424 = tpu.vector_load %arg18[%get3A_422, %get3A_423] {strides = array<i32>} : memref<32x128xf32, #tpu.memory_space<vmem>>, vector<1x16xf32>,
      %get3A_425 = vector.shape_cast %get3A_424 : vector<1x16xf32> to vector<16xf32>
      %mul3A_426 = arith.mulf %add3A_421, %get3A_425 : vector<16xf32>
      %swap3A_427 = arith.index_cast %scan3A_317 : i32 to index
      %swap3A_428 = arith.constant 80 : index
      %swap3A_429 = tpu.vector_load %arg20[%swap3A_427, %swap3A_428] {strides = array<i32>} : memref<32x128xf32, #tpu.memory_space<vmem>>, vector<1x16xf32>,
      %swap3A_430 = vector.shape_cast %swap3A_429 : vector<1x16xf32> to vector<16xf32>
      %swap3A_431 = vector.shape_cast %mul3A_426 : vector<16xf32> to vector<1x16xf32>
      tpu.vector_store %arg20[%swap3A_427, %swap3A_428], %swap3A_431 {strides = array<i32>} : memref<32x128xf32, #tpu.memory_space<vmem>>, vector<1x16xf32>,
      %get3A_432 = arith.index_cast %scan3A_317 : i32 to index
      %get3A_433 = arith.constant 96 : index
      %get3A_434 = tpu.vector_load %arg14[%get3A_432, %get3A_433] {strides = array<i32>} : memref<32x128xf32, #tpu.memory_space<vmem>>, vector<1x16xf32>,
      %get3A_435 = vector.shape_cast %get3A_434 : vector<1x16xf32> to vector<16xf32>
      %get3A_436 = arith.index_cast %scan3A_317 : i32 to index
      %get3A_437 = arith.constant 96 : index
      %get3A_438 = tpu.vector_load %arg16[%get3A_436, %get3A_437] {strides = array<i32>} : memref<32x128xf32, #tpu.memory_space<vmem>>, vector<1x16xf32>,
      %get3A_439 = vector.shape_cast %get3A_438 : vector<1x16xf32> to vector<16xf32>
      %add3A_440 = arith.addf %get3A_435, %get3A_439 : vector<16xf32>
      %get3A_441 = arith.index_cast %scan3A_317 : i32 to index
      %get3A_442 = arith.constant 96 : index
      %get3A_443 = tpu.vector_load %arg18[%get3A_441, %get3A_442] {strides = array<i32>} : memref<32x128xf32, #tpu.memory_space<vmem>>, vector<1x16xf32>,
      %get3A_444 = vector.shape_cast %get3A_443 : vector<1x16xf32> to vector<16xf32>
      %mul3A_445 = arith.mulf %add3A_440, %get3A_444 : vector<16xf32>
      %swap3A_446 = arith.index_cast %scan3A_317 : i32 to index
      %swap3A_447 = arith.constant 96 : index
      %swap3A_448 = tpu.vector_load %arg20[%swap3A_446, %swap3A_447] {strides = array<i32>} : memref<32x128xf32, #tpu.memory_space<vmem>>, vector<1x16xf32>,
      %swap3A_449 = vector.shape_cast %swap3A_448 : vector<1x16xf32> to vector<16xf32>
      %swap3A_450 = vector.shape_cast %mul3A_445 : vector<16xf32> to vector<1x16xf32>
      tpu.vector_store %arg20[%swap3A_446, %swap3A_447], %swap3A_450 {strides = array<i32>} : memref<32x128xf32, #tpu.memory_space<vmem>>, vector<1x16xf32>,
      %get3A_451 = arith.index_cast %scan3A_317 : i32 to index
      %get3A_452 = arith.constant 112 : index
      %get3A_453 = tpu.vector_load %arg14[%get3A_451, %get3A_452] {strides = array<i32>} : memref<32x128xf32, #tpu.memory_space<vmem>>, vector<1x16xf32>,
      %get3A_454 = vector.shape_cast %get3A_453 : vector<1x16xf32> to vector<16xf32>
      %get3A_455 = arith.index_cast %scan3A_317 : i32 to index
      %get3A_456 = arith.constant 112 : index
      %get3A_457 = tpu.vector_load %arg16[%get3A_455, %get3A_456] {strides = array<i32>} : memref<32x128xf32, #tpu.memory_space<vmem>>, vector<1x16xf32>,
      %get3A_458 = vector.shape_cast %get3A_457 : vector<1x16xf32> to vector<16xf32>
      %add3A_459 = arith.addf %get3A_454, %get3A_458 : vector<16xf32>
      %get3A_460 = arith.index_cast %scan3A_317 : i32 to index
      %get3A_461 = arith.constant 112 : index
      %get3A_462 = tpu.vector_load %arg18[%get3A_460, %get3A_461] {strides = array<i32>} : memref<32x128xf32, #tpu.memory_space<vmem>>, vector<1x16xf32>,
      %get3A_463 = vector.shape_cast %get3A_462 : vector<1x16xf32> to vector<16xf32>
      %mul3A_464 = arith.mulf %add3A_459, %get3A_463 : vector<16xf32>
      %swap3A_465 = arith.index_cast %scan3A_317 : i32 to index
      %swap3A_466 = arith.constant 112 : index
      %swap3A_467 = tpu.vector_load %arg20[%swap3A_465, %swap3A_466] {strides = array<i32>} : memref<32x128xf32, #tpu.memory_space<vmem>>, vector<1x16xf32>,
      %swap3A_468 = vector.shape_cast %swap3A_467 : vector<1x16xf32> to vector<16xf32>
      %swap3A_469 = vector.shape_cast %mul3A_464 : vector<16xf32> to vector<1x16xf32>
      tpu.vector_store %arg20[%swap3A_465, %swap3A_466], %swap3A_469 {strides = array<i32>} : memref<32x128xf32, #tpu.memory_space<vmem>>, vector<1x16xf32>,
    }
    %scan3A_264 = arith.constant 32 : i32
    %dma_start3A_265 = arith.constant 0 : i32
    %dma_start3A_266 = arith.constant 0 : i32
    %dma_start3A_267 = tpu.memref_slice %arg23[%dma_start3A_265, %dma_start3A_266] : memref<10112x128xf32, #tpu.memory_space<vmem_shared>> -> memref<10112x128xf32, #tpu.memory_space<vmem_shared>>
    tpu.enqueue_indirect_dma source(%arg20 : memref<32x128xf32, #tpu.memory_space<vmem>>) target(%dma_start3A_267 : memref<10112x128xf32, #tpu.memory_space<vmem_shared>>) offsets(%arg22 : memref<32xi32, #tpu.memory_space<vmem>>) semaphore(%arg33 : memref<!tpu.dma_semaphore, #tpu.memory_space<semaphore_mem>>) {add = true}
    %dma_wait3A_268 = arith.constant 0 : i32
    %dma_wait3A_269 = arith.constant 0 : i32
    %dma_wait3A_270 = tpu.memref_slice %arg2[%dma_wait3A_268, %dma_wait3A_269] : memref<10016x128xf32, #tpu.memory_space<hbm>> -> memref<10016x128xf32, #tpu.memory_space<hbm>>
    tpu.wait_indirect_dma semaphore(%arg24 : memref<!tpu.dma_semaphore, #tpu.memory_space<semaphore_mem>>) src(%dma_wait3A_270 : memref<10016x128xf32, #tpu.memory_space<hbm>>) dst(%arg13 : memref<32x128xf32, #tpu.memory_space<vmem>>)
    %dma_wait3A_271 = arith.constant 0 : i32
    %dma_wait3A_272 = arith.constant 0 : i32
    %dma_wait3A_273 = tpu.memref_slice %arg3[%dma_wait3A_271, %dma_wait3A_272] : memref<10016x128xf32, #tpu.memory_space<hbm>> -> memref<10016x128xf32, #tpu.memory_space<hbm>>
    tpu.wait_indirect_dma semaphore(%arg26 : memref<!tpu.dma_semaphore, #tpu.memory_space<semaphore_mem>>) src(%dma_wait3A_273 : memref<10016x128xf32, #tpu.memory_space<hbm>>) dst(%arg15 : memref<32x128xf32, #tpu.memory_space<vmem>>)
    %dma_wait3A_274 = arith.constant 0 : i32
    %dma_wait3A_275 = arith.constant 0 : i32
    %dma_wait3A_276 = tpu.memref_slice %arg4[%dma_wait3A_274, %dma_wait3A_275] : memref<320512x128xf32, #tpu.memory_space<hbm>> -> memref<32x128xf32, #tpu.memory_space<hbm>>
    %dma_wait3A_277 = arith.constant 0 : i32
    %dma_wait3A_278 = arith.constant 0 : i32
    %dma_wait3A_279 = tpu.memref_slice %arg4[%dma_wait3A_277, %dma_wait3A_278] : memref<320512x128xf32, #tpu.memory_space<hbm>> -> memref<32x128xf32, #tpu.memory_space<hbm>>
    tpu.wait_dma2 semaphore(%arg28 : memref<!tpu.dma_semaphore, #tpu.memory_space<semaphore_mem>>) src(%dma_wait3A_279 : memref<32x128xf32, #tpu.memory_space<hbm>>) dst(%arg17 : memref<32x128xf32, #tpu.memory_space<vmem>>)
    %dma_wait3A_280 = arith.constant 0 : i32
    %dma_wait3A_281 = arith.constant 0 : i32
    %dma_wait3A_282 = tpu.memref_slice %arg23[%dma_wait3A_280, %dma_wait3A_281] : memref<10112x128xf32, #tpu.memory_space<vmem_shared>> -> memref<10112x128xf32, #tpu.memory_space<vmem_shared>>
    tpu.wait_indirect_dma semaphore(%arg32 : memref<!tpu.dma_semaphore, #tpu.memory_space<semaphore_mem>>) src(%arg19 : memref<32x128xf32, #tpu.memory_space<vmem>>) dst(%dma_wait3A_282 : memref<10112x128xf32, #tpu.memory_space<vmem_shared>>)
    %get3A_283 = arith.constant 0 : index
    %get3A_284 = tpu.vector_load %arg11[%get3A_283] {strides = array<i32>} : memref<32xi32, #tpu.memory_space<vmem>>, vector<16xi32>,
    %get3A_285 = vector.shape_cast %get3A_284 : vector<16xi32> to vector<16xi32>
    %swap3A_286 = arith.constant 0 : index
    %swap3A_287 = tpu.vector_load %arg21[%swap3A_286] {strides = array<i32>} : memref<32xi32, #tpu.memory_space<vmem>>, vector<16xi32>,
    %swap3A_288 = vector.shape_cast %swap3A_287 : vector<16xi32> to vector<16xi32>
    %swap3A_289 = vector.shape_cast %get3A_285 : vector<16xi32> to vector<16xi32>
    tpu.vector_store %arg21[%swap3A_286], %swap3A_289 {strides = array<i32>} : memref<32xi32, #tpu.memory_space<vmem>>, vector<16xi32>,
    %get3A_290 = arith.constant 16 : index
    %get3A_291 = tpu.vector_load %arg11[%get3A_290] {strides = array<i32>} : memref<32xi32, #tpu.memory_space<vmem>>, vector<16xi32>,
    %get3A_292 = vector.shape_cast %get3A_291 : vector<16xi32> to vector<16xi32>
    %swap3A_293 = arith.constant 16 : index
    %swap3A_294 = tpu.vector_load %arg21[%swap3A_293] {strides = array<i32>} : memref<32xi32, #tpu.memory_space<vmem>>, vector<16xi32>,
    %swap3A_295 = vector.shape_cast %swap3A_294 : vector<16xi32> to vector<16xi32>
    %swap3A_296 = vector.shape_cast %get3A_292 : vector<16xi32> to vector<16xi32>
    tpu.vector_store %arg21[%swap3A_293], %swap3A_296 {strides = array<i32>} : memref<32xi32, #tpu.memory_space<vmem>>, vector<16xi32>,
    %scan3A_297 = arith.constant 0 : i32
    %scan3A_298 = arith.constant 0 : i32
    %scan3A_299 = arith.constant 32 : i32
    %scan3A_300 = arith.addi %scan3A_298, %scan3A_299 : i32
    %scan3A_301 = arith.constant 1 : i32
    scf.for %scan3A_317 = %scan3A_298 to %scan3A_300 step %scan3A_301  : i32 {
      %get3A_318 = arith.index_cast %scan3A_317 : i32 to index
      %get3A_319 = arith.constant 0 : index
      %get3A_320 = tpu.vector_load %arg13[%get3A_318, %get3A_319] {strides = array<i32>} : memref<32x128xf32, #tpu.memory_space<vmem>>, vector<1x16xf32>,
      %get3A_321 = vector.shape_cast %get3A_320 : vector<1x16xf32> to vector<16xf32>
      %get3A_322 = arith.index_cast %scan3A_317 : i32 to index
      %get3A_323 = arith.constant 0 : index
      %get3A_324 = tpu.vector_load %arg15[%get3A_322, %get3A_323] {strides = array<i32>} : memref<32x128xf32, #tpu.memory_space<vmem>>, vector<1x16xf32>,
      %get3A_325 = vector.shape_cast %get3A_324 : vector<1x16xf32> to vector<16xf32>
      %add3A_326 = arith.addf %get3A_321, %get3A_325 : vector<16xf32>
      %get3A_327 = arith.index_cast %scan3A_317 : i32 to index
      %get3A_328 = arith.constant 0 : index
      %get3A_329 = tpu.vector_load %arg17[%get3A_327, %get3A_328] {strides = array<i32>} : memref<32x128xf32, #tpu.memory_space<vmem>>, vector<1x16xf32>,
      %get3A_330 = vector.shape_cast %get3A_329 : vector<1x16xf32> to vector<16xf32>
      %mul3A_331 = arith.mulf %add3A_326, %get3A_330 : vector<16xf32>
      %swap3A_332 = arith.index_cast %scan3A_317 : i32 to index
      %swap3A_333 = arith.constant 0 : index
      %swap3A_334 = tpu.vector_load %arg19[%swap3A_332, %swap3A_333] {strides = array<i32>} : memref<32x128xf32, #tpu.memory_space<vmem>>, vector<1x16xf32>,
      %swap3A_335 = vector.shape_cast %swap3A_334 : vector<1x16xf32> to vector<16xf32>
      %swap3A_336 = vector.shape_cast %mul3A_331 : vector<16xf32> to vector<1x16xf32>
      tpu.vector_store %arg19[%swap3A_332, %swap3A_333], %swap3A_336 {strides = array<i32>} : memref<32x128xf32, #tpu.memory_space<vmem>>, vector<1x16xf32>,
      %get3A_337 = arith.index_cast %scan3A_317 : i32 to index
      %get3A_338 = arith.constant 16 : index
      %get3A_339 = tpu.vector_load %arg13[%get3A_337, %get3A_338] {strides = array<i32>} : memref<32x128xf32, #tpu.memory_space<vmem>>, vector<1x16xf32>,
      %get3A_340 = vector.shape_cast %get3A_339 : vector<1x16xf32> to vector<16xf32>
      %get3A_341 = arith.index_cast %scan3A_317 : i32 to index
      %get3A_342 = arith.constant 16 : index
      %get3A_343 = tpu.vector_load %arg15[%get3A_341, %get3A_342] {strides = array<i32>} : memref<32x128xf32, #tpu.memory_space<vmem>>, vector<1x16xf32>,
      %get3A_344 = vector.shape_cast %get3A_343 : vector<1x16xf32> to vector<16xf32>
      %add3A_345 = arith.addf %get3A_340, %get3A_344 : vector<16xf32>
      %get3A_346 = arith.index_cast %scan3A_317 : i32 to index
      %get3A_347 = arith.constant 16 : index
      %get3A_348 = tpu.vector_load %arg17[%get3A_346, %get3A_347] {strides = array<i32>} : memref<32x128xf32, #tpu.memory_space<vmem>>, vector<1x16xf32>,
      %get3A_349 = vector.shape_cast %get3A_348 : vector<1x16xf32> to vector<16xf32>
      %mul3A_350 = arith.mulf %add3A_345, %get3A_349 : vector<16xf32>
      %swap3A_351 = arith.index_cast %scan3A_317 : i32 to index
      %swap3A_352 = arith.constant 16 : index
      %swap3A_353 = tpu.vector_load %arg19[%swap3A_351, %swap3A_352] {strides = array<i32>} : memref<32x128xf32, #tpu.memory_space<vmem>>, vector<1x16xf32>,
      %swap3A_354 = vector.shape_cast %swap3A_353 : vector<1x16xf32> to vector<16xf32>
      %swap3A_355 = vector.shape_cast %mul3A_350 : vector<16xf32> to vector<1x16xf32>
      tpu.vector_store %arg19[%swap3A_351, %swap3A_352], %swap3A_355 {strides = array<i32>} : memref<32x128xf32, #tpu.memory_space<vmem>>, vector<1x16xf32>,
      %get3A_356 = arith.index_cast %scan3A_317 : i32 to index
      %get3A_357 = arith.constant 32 : index
      %get3A_358 = tpu.vector_load %arg13[%get3A_356, %get3A_357] {strides = array<i32>} : memref<32x128xf32, #tpu.memory_space<vmem>>, vector<1x16xf32>,
      %get3A_359 = vector.shape_cast %get3A_358 : vector<1x16xf32> to vector<16xf32>
      %get3A_360 = arith.index_cast %scan3A_317 : i32 to index
      %get3A_361 = arith.constant 32 : index
      %get3A_362 = tpu.vector_load %arg15[%get3A_360, %get3A_361] {strides = array<i32>} : memref<32x128xf32, #tpu.memory_space<vmem>>, vector<1x16xf32>,
      %get3A_363 = vector.shape_cast %get3A_362 : vector<1x16xf32> to vector<16xf32>
      %add3A_364 = arith.addf %get3A_359, %get3A_363 : vector<16xf32>
      %get3A_365 = arith.index_cast %scan3A_317 : i32 to index
      %get3A_366 = arith.constant 32 : index
      %get3A_367 = tpu.vector_load %arg17[%get3A_365, %get3A_366] {strides = array<i32>} : memref<32x128xf32, #tpu.memory_space<vmem>>, vector<1x16xf32>,
      %get3A_368 = vector.shape_cast %get3A_367 : vector<1x16xf32> to vector<16xf32>
      %mul3A_369 = arith.mulf %add3A_364, %get3A_368 : vector<16xf32>
      %swap3A_370 = arith.index_cast %scan3A_317 : i32 to index
      %swap3A_371 = arith.constant 32 : index
      %swap3A_372 = tpu.vector_load %arg19[%swap3A_370, %swap3A_371] {strides = array<i32>} : memref<32x128xf32, #tpu.memory_space<vmem>>, vector<1x16xf32>,
      %swap3A_373 = vector.shape_cast %swap3A_372 : vector<1x16xf32> to vector<16xf32>
      %swap3A_374 = vector.shape_cast %mul3A_369 : vector<16xf32> to vector<1x16xf32>
      tpu.vector_store %arg19[%swap3A_370, %swap3A_371], %swap3A_374 {strides = array<i32>} : memref<32x128xf32, #tpu.memory_space<vmem>>, vector<1x16xf32>,
      %get3A_375 = arith.index_cast %scan3A_317 : i32 to index
      %get3A_376 = arith.constant 48 : index
      %get3A_377 = tpu.vector_load %arg13[%get3A_375, %get3A_376] {strides = array<i32>} : memref<32x128xf32, #tpu.memory_space<vmem>>, vector<1x16xf32>,
      %get3A_378 = vector.shape_cast %get3A_377 : vector<1x16xf32> to vector<16xf32>
      %get3A_379 = arith.index_cast %scan3A_317 : i32 to index
      %get3A_380 = arith.constant 48 : index
      %get3A_381 = tpu.vector_load %arg15[%get3A_379, %get3A_380] {strides = array<i32>} : memref<32x128xf32, #tpu.memory_space<vmem>>, vector<1x16xf32>,
      %get3A_382 = vector.shape_cast %get3A_381 : vector<1x16xf32> to vector<16xf32>
      %add3A_383 = arith.addf %get3A_378, %get3A_382 : vector<16xf32>
      %get3A_384 = arith.index_cast %scan3A_317 : i32 to index
      %get3A_385 = arith.constant 48 : index
      %get3A_386 = tpu.vector_load %arg17[%get3A_384, %get3A_385] {strides = array<i32>} : memref<32x128xf32, #tpu.memory_space<vmem>>, vector<1x16xf32>,
      %get3A_387 = vector.shape_cast %get3A_386 : vector<1x16xf32> to vector<16xf32>
      %mul3A_388 = arith.mulf %add3A_383, %get3A_387 : vector<16xf32>
      %swap3A_389 = arith.index_cast %scan3A_317 : i32 to index
      %swap3A_390 = arith.constant 48 : index
      %swap3A_391 = tpu.vector_load %arg19[%swap3A_389, %swap3A_390] {strides = array<i32>} : memref<32x128xf32, #tpu.memory_space<vmem>>, vector<1x16xf32>,
      %swap3A_392 = vector.shape_cast %swap3A_391 : vector<1x16xf32> to vector<16xf32>
      %swap3A_393 = vector.shape_cast %mul3A_388 : vector<16xf32> to vector<1x16xf32>
      tpu.vector_store %arg19[%swap3A_389, %swap3A_390], %swap3A_393 {strides = array<i32>} : memref<32x128xf32, #tpu.memory_space<vmem>>, vector<1x16xf32>,
      %get3A_394 = arith.index_cast %scan3A_317 : i32 to index
      %get3A_395 = arith.constant 64 : index
      %get3A_396 = tpu.vector_load %arg13[%get3A_394, %get3A_395] {strides = array<i32>} : memref<32x128xf32, #tpu.memory_space<vmem>>, vector<1x16xf32>,
      %get3A_397 = vector.shape_cast %get3A_396 : vector<1x16xf32> to vector<16xf32>
      %get3A_398 = arith.index_cast %scan3A_317 : i32 to index
      %get3A_399 = arith.constant 64 : index
      %get3A_400 = tpu.vector_load %arg15[%get3A_398, %get3A_399] {strides = array<i32>} : memref<32x128xf32, #tpu.memory_space<vmem>>, vector<1x16xf32>,
      %get3A_401 = vector.shape_cast %get3A_400 : vector<1x16xf32> to vector<16xf32>
      %add3A_402 = arith.addf %get3A_397, %get3A_401 : vector<16xf32>
      %get3A_403 = arith.index_cast %scan3A_317 : i32 to index
      %get3A_404 = arith.constant 64 : index
      %get3A_405 = tpu.vector_load %arg17[%get3A_403, %get3A_404] {strides = array<i32>} : memref<32x128xf32, #tpu.memory_space<vmem>>, vector<1x16xf32>,
      %get3A_406 = vector.shape_cast %get3A_405 : vector<1x16xf32> to vector<16xf32>
      %mul3A_407 = arith.mulf %add3A_402, %get3A_406 : vector<16xf32>
      %swap3A_408 = arith.index_cast %scan3A_317 : i32 to index
      %swap3A_409 = arith.constant 64 : index
      %swap3A_410 = tpu.vector_load %arg19[%swap3A_408, %swap3A_409] {strides = array<i32>} : memref<32x128xf32, #tpu.memory_space<vmem>>, vector<1x16xf32>,
      %swap3A_411 = vector.shape_cast %swap3A_410 : vector<1x16xf32> to vector<16xf32>
      %swap3A_412 = vector.shape_cast %mul3A_407 : vector<16xf32> to vector<1x16xf32>
      tpu.vector_store %arg19[%swap3A_408, %swap3A_409], %swap3A_412 {strides = array<i32>} : memref<32x128xf32, #tpu.memory_space<vmem>>, vector<1x16xf32>,
      %get3A_413 = arith.index_cast %scan3A_317 : i32 to index
      %get3A_414 = arith.constant 80 : index
      %get3A_415 = tpu.vector_load %arg13[%get3A_413, %get3A_414] {strides = array<i32>} : memref<32x128xf32, #tpu.memory_space<vmem>>, vector<1x16xf32>,
      %get3A_416 = vector.shape_cast %get3A_415 : vector<1x16xf32> to vector<16xf32>
      %get3A_417 = arith.index_cast %scan3A_317 : i32 to index
      %get3A_418 = arith.constant 80 : index
      %get3A_419 = tpu.vector_load %arg15[%get3A_417, %get3A_418] {strides = array<i32>} : memref<32x128xf32, #tpu.memory_space<vmem>>, vector<1x16xf32>,
      %get3A_420 = vector.shape_cast %get3A_419 : vector<1x16xf32> to vector<16xf32>
      %add3A_421 = arith.addf %get3A_416, %get3A_420 : vector<16xf32>
      %get3A_422 = arith.index_cast %scan3A_317 : i32 to index
      %get3A_423 = arith.constant 80 : index
      %get3A_424 = tpu.vector_load %arg17[%get3A_422, %get3A_423] {strides = array<i32>} : memref<32x128xf32, #tpu.memory_space<vmem>>, vector<1x16xf32>,
      %get3A_425 = vector.shape_cast %get3A_424 : vector<1x16xf32> to vector<16xf32>
      %mul3A_426 = arith.mulf %add3A_421, %get3A_425 : vector<16xf32>
      %swap3A_427 = arith.index_cast %scan3A_317 : i32 to index
      %swap3A_428 = arith.constant 80 : index
      %swap3A_429 = tpu.vector_load %arg19[%swap3A_427, %swap3A_428] {strides = array<i32>} : memref<32x128xf32, #tpu.memory_space<vmem>>, vector<1x16xf32>,
      %swap3A_430 = vector.shape_cast %swap3A_429 : vector<1x16xf32> to vector<16xf32>
      %swap3A_431 = vector.shape_cast %mul3A_426 : vector<16xf32> to vector<1x16xf32>
      tpu.vector_store %arg19[%swap3A_427, %swap3A_428], %swap3A_431 {strides = array<i32>} : memref<32x128xf32, #tpu.memory_space<vmem>>, vector<1x16xf32>,
      %get3A_432 = arith.index_cast %scan3A_317 : i32 to index
      %get3A_433 = arith.constant 96 : index
      %get3A_434 = tpu.vector_load %arg13[%get3A_432, %get3A_433] {strides = array<i32>} : memref<32x128xf32, #tpu.memory_space<vmem>>, vector<1x16xf32>,
      %get3A_435 = vector.shape_cast %get3A_434 : vector<1x16xf32> to vector<16xf32>
      %get3A_436 = arith.index_cast %scan3A_317 : i32 to index
      %get3A_437 = arith.constant 96 : index
      %get3A_438 = tpu.vector_load %arg15[%get3A_436, %get3A_437] {strides = array<i32>} : memref<32x128xf32, #tpu.memory_space<vmem>>, vector<1x16xf32>,
      %get3A_439 = vector.shape_cast %get3A_438 : vector<1x16xf32> to vector<16xf32>
      %add3A_440 = arith.addf %get3A_435, %get3A_439 : vector<16xf32>
      %get3A_441 = arith.index_cast %scan3A_317 : i32 to index
      %get3A_442 = arith.constant 96 : index
      %get3A_443 = tpu.vector_load %arg17[%get3A_441, %get3A_442] {strides = array<i32>} : memref<32x128xf32, #tpu.memory_space<vmem>>, vector<1x16xf32>,
      %get3A_444 = vector.shape_cast %get3A_443 : vector<1x16xf32> to vector<16xf32>
      %mul3A_445 = arith.mulf %add3A_440, %get3A_444 : vector<16xf32>
      %swap3A_446 = arith.index_cast %scan3A_317 : i32 to index
      %swap3A_447 = arith.constant 96 : index
      %swap3A_448 = tpu.vector_load %arg19[%swap3A_446, %swap3A_447] {strides = array<i32>} : memref<32x128xf32, #tpu.memory_space<vmem>>, vector<1x16xf32>,
      %swap3A_449 = vector.shape_cast %swap3A_448 : vector<1x16xf32> to vector<16xf32>
      %swap3A_450 = vector.shape_cast %mul3A_445 : vector<16xf32> to vector<1x16xf32>
      tpu.vector_store %arg19[%swap3A_446, %swap3A_447], %swap3A_450 {strides = array<i32>} : memref<32x128xf32, #tpu.memory_space<vmem>>, vector<1x16xf32>,
      %get3A_451 = arith.index_cast %scan3A_317 : i32 to index
      %get3A_452 = arith.constant 112 : index
      %get3A_453 = tpu.vector_load %arg13[%get3A_451, %get3A_452] {strides = array<i32>} : memref<32x128xf32, #tpu.memory_space<vmem>>, vector<1x16xf32>,
      %get3A_454 = vector.shape_cast %get3A_453 : vector<1x16xf32> to vector<16xf32>
      %get3A_455 = arith.index_cast %scan3A_317 : i32 to index
      %get3A_456 = arith.constant 112 : index
      %get3A_457 = tpu.vector_load %arg15[%get3A_455, %get3A_456] {strides = array<i32>} : memref<32x128xf32, #tpu.memory_space<vmem>>, vector<1x16xf32>,
      %get3A_458 = vector.shape_cast %get3A_457 : vector<1x16xf32> to vector<16xf32>
      %add3A_459 = arith.addf %get3A_454, %get3A_458 : vector<16xf32>
      %get3A_460 = arith.index_cast %scan3A_317 : i32 to index
      %get3A_461 = arith.constant 112 : index
      %get3A_462 = tpu.vector_load %arg17[%get3A_460, %get3A_461] {strides = array<i32>} : memref<32x128xf32, #tpu.memory_space<vmem>>, vector<1x16xf32>,
      %get3A_463 = vector.shape_cast %get3A_462 : vector<1x16xf32> to vector<16xf32>
      %mul3A_464 = arith.mulf %add3A_459, %get3A_463 : vector<16xf32>
      %swap3A_465 = arith.index_cast %scan3A_317 : i32 to index
      %swap3A_466 = arith.constant 112 : index
      %swap3A_467 = tpu.vector_load %arg19[%swap3A_465, %swap3A_466] {strides = array<i32>} : memref<32x128xf32, #tpu.memory_space<vmem>>, vector<1x16xf32>,
      %swap3A_468 = vector.shape_cast %swap3A_467 : vector<1x16xf32> to vector<16xf32>
      %swap3A_469 = vector.shape_cast %mul3A_464 : vector<16xf32> to vector<1x16xf32>
      tpu.vector_store %arg19[%swap3A_465, %swap3A_466], %swap3A_469 {strides = array<i32>} : memref<32x128xf32, #tpu.memory_space<vmem>>, vector<1x16xf32>,
    }
    %scan3A_302 = arith.constant 32 : i32
    %dma_start3A_303 = arith.constant 0 : i32
    %dma_start3A_304 = arith.constant 0 : i32
    %dma_start3A_305 = tpu.memref_slice %arg23[%dma_start3A_303, %dma_start3A_304] : memref<10112x128xf32, #tpu.memory_space<vmem_shared>> -> memref<10112x128xf32, #tpu.memory_space<vmem_shared>>
    tpu.enqueue_indirect_dma source(%arg19 : memref<32x128xf32, #tpu.memory_space<vmem>>) target(%dma_start3A_305 : memref<10112x128xf32, #tpu.memory_space<vmem_shared>>) offsets(%arg21 : memref<32xi32, #tpu.memory_space<vmem>>) semaphore(%arg32 : memref<!tpu.dma_semaphore, #tpu.memory_space<semaphore_mem>>) {add = true}
    %dma_wait3A_306 = arith.constant 0 : i32
    %dma_wait3A_307 = arith.constant 0 : i32
    %dma_wait3A_308 = tpu.memref_slice %arg23[%dma_wait3A_306, %dma_wait3A_307] : memref<10112x128xf32, #tpu.memory_space<vmem_shared>> -> memref<10112x128xf32, #tpu.memory_space<vmem_shared>>
    tpu.wait_indirect_dma semaphore(%arg33 : memref<!tpu.dma_semaphore, #tpu.memory_space<semaphore_mem>>) src(%arg20 : memref<32x128xf32, #tpu.memory_space<vmem>>) dst(%dma_wait3A_308 : memref<10112x128xf32, #tpu.memory_space<vmem_shared>>)
    %dma_wait3A_309 = arith.constant 0 : i32
    %dma_wait3A_310 = arith.constant 0 : i32
    %dma_wait3A_311 = tpu.memref_slice %arg23[%dma_wait3A_309, %dma_wait3A_310] : memref<10112x128xf32, #tpu.memory_space<vmem_shared>> -> memref<10112x128xf32, #tpu.memory_space<vmem_shared>>
    tpu.wait_indirect_dma semaphore(%arg32 : memref<!tpu.dma_semaphore, #tpu.memory_space<semaphore_mem>>) src(%arg19 : memref<32x128xf32, #tpu.memory_space<vmem>>) dst(%dma_wait3A_311 : memref<10112x128xf32, #tpu.memory_space<vmem_shared>>)
    %barrier3A_312 = arith.constant 0 : index
    tpu.barrier barrier_id(%barrier3A_312)
    %mul3A_313 = arith.constant 632 : i32
    %mul3A_314 = arith.muli %arg1, %mul3A_313 : i32
    %mul3A_315 = arith.constant 632 : i32
    %mul3A_316 = arith.muli %arg1, %mul3A_315 : i32
    "tpu.region"() ({
      %run_scoped3A = tpu.sem_alloc : memref<!tpu.dma_semaphore, #tpu.memory_space<semaphore_mem>>
      %dma_start3A_317 = arith.constant 0 : i32
      %dma_start3A_318 = tpu.memref_slice %arg8[%arg0, %mul3A_316, %dma_start3A_317] : memref<2x10112x128xf32, #tpu.memory_space<hbm>> -> memref<1x632x128xf32, #tpu.memory_space<hbm>>
      %dma_start3A_319 = tpu.memref_squeeze %dma_start3A_318 : memref<1x632x128xf32, #tpu.memory_space<hbm>> -> memref<632x128xf32, #tpu.memory_space<hbm>>
      %dma_start3A_320 = arith.constant 0 : i32
      %dma_start3A_321 = tpu.memref_slice %arg23[%mul3A_314, %dma_start3A_320] : memref<10112x128xf32, #tpu.memory_space<vmem_shared>> -> memref<632x128xf32, #tpu.memory_space<vmem_shared>>
      tpu.enqueue_dma source(%dma_start3A_321 : memref<632x128xf32, #tpu.memory_space<vmem_shared>>) target(%dma_start3A_319 : memref<632x128xf32, #tpu.memory_space<hbm>>) target_semaphore(%run_scoped3A : memref<!tpu.dma_semaphore, #tpu.memory_space<semaphore_mem>>)
      %dma_wait3A_322 = arith.constant 0 : i32
      %dma_wait3A_323 = tpu.memref_slice %arg8[%arg0, %mul3A_316, %dma_wait3A_322] : memref<2x10112x128xf32, #tpu.memory_space<hbm>> -> memref<1x632x128xf32, #tpu.memory_space<hbm>>
      %dma_wait3A_324 = tpu.memref_squeeze %dma_wait3A_323 : memref<1x632x128xf32, #tpu.memory_space<hbm>> -> memref<632x128xf32, #tpu.memory_space<hbm>>
      %dma_wait3A_325 = arith.constant 0 : i32
      %dma_wait3A_326 = tpu.memref_slice %arg23[%mul3A_314, %dma_wait3A_325] : memref<10112x128xf32, #tpu.memory_space<vmem_shared>> -> memref<632x128xf32, #tpu.memory_space<vmem_shared>>
      tpu.wait_dma2 semaphore(%run_scoped3A : memref<!tpu.dma_semaphore, #tpu.memory_space<semaphore_mem>>) src(%dma_wait3A_326 : memref<632x128xf32, #tpu.memory_space<vmem_shared>>) dst(%dma_wait3A_324 : memref<632x128xf32, #tpu.memory_space<hbm>>)
      tpu.yield
    }) : () -> ()
    return
  }
}

module attributes {stable_mosaic.version = 14 : i64} {
  func.func @_gate_body(%arg0: i32, %arg1: memref<1024x16xf32, #tpu.memory_space<vmem>>, %arg2: memref<16x128xf32, #tpu.memory_space<vmem>>, %arg3: memref<1x128xf32, #tpu.memory_space<vmem>>, %arg4: memref<1024x128xf32, #tpu.memory_space<vmem>>) attributes {dimension_semantics = [#tpu.dimension_semantics<arbitrary>], iteration_bounds = array<i64: 313>, scalar_prefetch = 0 : i64, scratch_operands = 0 : i64, tpu.core_type = #tpu.core_type<tc>, window_params = [{transform_indices = @transform_0, window_bounds = array<i64: 1024, 16>}, {pipeline_mode = #tpu.pipeline_mode<synchronous>, transform_indices = @transform_1, window_bounds = array<i64: 16, 128>}, {pipeline_mode = #tpu.pipeline_mode<synchronous>, transform_indices = @transform_2, window_bounds = array<i64: 1, 128>}, {transform_indices = @transform_3, window_bounds = array<i64: 1024, 128>}]} {
    %get3A = arith.constant 0 : index
    %get3A_0 = arith.constant 0 : index
    %get3A_1 = vector.load %arg1[%get3A, %get3A_0] : memref<1024x16xf32, #tpu.memory_space<vmem>>, vector<1024x16xf32>
    %get3A_2 = arith.constant 0 : index
    %get3A_3 = arith.constant 0 : index
    %get3A_4 = vector.load %arg2[%get3A_2, %get3A_3] : memref<16x128xf32, #tpu.memory_space<vmem>>, vector<16x128xf32>
    %dot_general3A = arith.constant dense<0.000000e+00> : vector<1024x128xf32>
    %dot_general3A_5 = tpu.matmul %get3A_1, %get3A_4, %dot_general3A {dimension_numbers = #tpu.dot_dimension_numbers<[1], [0], [0], [1], [0, 0, 1, 1], [], []>, transpose_lhs_hint = false} : vector<1024x16xf32>, vector<16x128xf32>, vector<1024x128xf32> -> vector<1024x128xf32>
    %get3A_6 = arith.constant 0 : index
    %get3A_7 = arith.constant 0 : index
    %get3A_8 = vector.load %arg3[%get3A_6, %get3A_7] : memref<1x128xf32, #tpu.memory_space<vmem>>, vector<1x128xf32>
    %add3A = vector.broadcast %get3A_8 : vector<1x128xf32> to vector<1024x128xf32>
    %add3A_9 = arith.addf %dot_general3A_5, %add3A : vector<1024x128xf32>
    %logistic3A = arith.negf %add3A_9 : vector<1024x128xf32>
    %logistic3A_10 = math.exp %logistic3A : vector<1024x128xf32>
    %logistic3A_11 = arith.constant 1.000000e+00 : f32
    %logistic3A_12 = vector.broadcast %logistic3A_11 : f32 to vector<1024x128xf32>
    %logistic3A_13 = arith.addf %logistic3A_12, %logistic3A_10 : vector<1024x128xf32>
    %logistic3A_14 = arith.divf %logistic3A_12, %logistic3A_13 : vector<1024x128xf32>
    %swap3A = arith.constant 0 : index
    %swap3A_15 = arith.constant 0 : index
    %swap3A_16 = vector.load %arg4[%swap3A, %swap3A_15] : memref<1024x128xf32, #tpu.memory_space<vmem>>, vector<1024x128xf32>
    tpu.vector_store %arg4[%swap3A, %swap3A_15], %logistic3A_14 {strides = array<i32>} : memref<1024x128xf32, #tpu.memory_space<vmem>>, vector<1024x128xf32>,
    return
  }
  func.func @transform_0(%arg0: i32) -> (i32, i32) {
    %c0_i32 = arith.constant 0 : i32
    %c0_i32_0 = arith.constant 0 : i32
    return %arg0, %c0_i32 : i32, i32
  }
  func.func @transform_1(%arg0: i32) -> (i32, i32) {
    %c0_i32 = arith.constant 0 : i32
    %c0_i32_0 = arith.constant 0 : i32
    %c0_i32_1 = arith.constant 0 : i32
    return %c0_i32, %c0_i32_0 : i32, i32
  }
  func.func @transform_2(%arg0: i32) -> (i32, i32) {
    %c0_i32 = arith.constant 0 : i32
    %c0_i32_0 = arith.constant 0 : i32
    %c0_i32_1 = arith.constant 0 : i32
    return %c0_i32, %c0_i32_0 : i32, i32
  }
  func.func @transform_3(%arg0: i32) -> (i32, i32) {
    %c0_i32 = arith.constant 0 : i32
    %c0_i32_0 = arith.constant 0 : i32
    return %arg0, %c0_i32 : i32, i32
  }
}

module attributes {stable_mosaic.version = 14 : i64} {
  func.func @_node_prep_body(%arg0: memref<10000x128xf32, #tpu.memory_space<vmem>>, %arg1: memref<128x128xf32, #tpu.memory_space<vmem>>, %arg2: memref<1x128xf32, #tpu.memory_space<vmem>>, %arg3: memref<1x128xf32, #tpu.memory_space<vmem>>, %arg4: memref<1x128xf32, #tpu.memory_space<vmem>>, %arg5: memref<256x128xf32, #tpu.memory_space<vmem>>, %arg6: memref<1x128xf32, #tpu.memory_space<vmem>>, %arg7: memref<10016x128xf32, #tpu.memory_space<vmem>>, %arg8: memref<10016x128xf32, #tpu.memory_space<vmem>>) attributes {dimension_semantics = [], scalar_prefetch = 0 : i64, scratch_operands = 0 : i64, tpu.core_type = #tpu.core_type<tc>} {
    %get3A = arith.constant 0 : index
    %get3A_0 = arith.constant 0 : index
    %get3A_1 = vector.load %arg0[%get3A, %get3A_0] : memref<10000x128xf32, #tpu.memory_space<vmem>>, vector<10000x128xf32>
    %get3A_2 = arith.constant 0 : index
    %get3A_3 = arith.constant 0 : index
    %get3A_4 = vector.load %arg1[%get3A_2, %get3A_3] : memref<128x128xf32, #tpu.memory_space<vmem>>, vector<128x128xf32>
    %dot_general3A = arith.constant dense<0.000000e+00> : vector<10000x128xf32>
    %dot_general3A_5 = tpu.matmul %get3A_1, %get3A_4, %dot_general3A {dimension_numbers = #tpu.dot_dimension_numbers<[1], [0], [0], [1], [0, 0, 1, 1], [], []>, transpose_lhs_hint = false} : vector<10000x128xf32>, vector<128x128xf32>, vector<10000x128xf32> -> vector<10000x128xf32>
    %get3A_6 = arith.constant 0 : index
    %get3A_7 = arith.constant 0 : index
    %get3A_8 = vector.load %arg2[%get3A_6, %get3A_7] : memref<1x128xf32, #tpu.memory_space<vmem>>, vector<1x128xf32>
    %add3A = vector.broadcast %get3A_8 : vector<1x128xf32> to vector<10000x128xf32>
    %add3A_9 = arith.addf %dot_general3A_5, %add3A : vector<10000x128xf32>
    %get3A_10 = arith.constant 0 : index
    %get3A_11 = arith.constant 0 : index
    %get3A_12 = vector.load %arg3[%get3A_10, %get3A_11] : memref<1x128xf32, #tpu.memory_space<vmem>>, vector<1x128xf32>
    %get3A_13 = arith.constant 0 : index
    %get3A_14 = arith.constant 0 : index
    %get3A_15 = vector.load %arg4[%get3A_13, %get3A_14] : memref<1x128xf32, #tpu.memory_space<vmem>>, vector<1x128xf32>
    %reduce_sum3A = arith.constant dense<0.000000e+00> : vector<128xf32>
    %reduce_sum3A_16 = vector.multi_reduction <add>, %add3A_9, %reduce_sum3A [0] : vector<10000x128xf32> to vector<128xf32>
    %broadcast_in_dim3A = vector.shape_cast %reduce_sum3A_16 : vector<128xf32> to vector<1x128xf32>
    %div3A = arith.constant 1.000000e+04 : f32
    %div3A_17 = vector.broadcast %div3A : f32 to vector<1x128xf32>
    %div3A_18 = arith.divf %broadcast_in_dim3A, %div3A_17 : vector<1x128xf32>
    %sub3A = vector.broadcast %div3A_18 : vector<1x128xf32> to vector<10000x128xf32>
    %sub3A_19 = arith.subf %add3A_9, %sub3A : vector<10000x128xf32>
    %sub3A_20 = vector.broadcast %div3A_18 : vector<1x128xf32> to vector<10000x128xf32>
    %sub3A_21 = arith.subf %add3A_9, %sub3A_20 : vector<10000x128xf32>
    %mul3A = arith.mulf %sub3A_19, %sub3A_21 : vector<10000x128xf32>
    %reduce_sum3A_22 = arith.constant dense<0.000000e+00> : vector<128xf32>
    %reduce_sum3A_23 = vector.multi_reduction <add>, %mul3A, %reduce_sum3A_22 [0] : vector<10000x128xf32> to vector<128xf32>
    %broadcast_in_dim3A_24 = vector.shape_cast %reduce_sum3A_23 : vector<128xf32> to vector<1x128xf32>
    %div3A_25 = arith.constant 1.000000e+04 : f32
    %div3A_26 = vector.broadcast %div3A_25 : f32 to vector<1x128xf32>
    %div3A_27 = arith.divf %broadcast_in_dim3A_24, %div3A_26 : vector<1x128xf32>
    %sub3A_28 = vector.broadcast %div3A_18 : vector<1x128xf32> to vector<10000x128xf32>
    %sub3A_29 = arith.subf %add3A_9, %sub3A_28 : vector<10000x128xf32>
    %add3A_30 = arith.constant 9.99999974E-6 : f32
    %add3A_31 = vector.broadcast %add3A_30 : f32 to vector<1x128xf32>
    %add3A_32 = arith.addf %div3A_27, %add3A_31 : vector<1x128xf32>
    %sqrt3A = math.sqrt %add3A_32 : vector<1x128xf32>
    %div3A_33 = vector.broadcast %sqrt3A : vector<1x128xf32> to vector<10000x128xf32>
    %div3A_34 = arith.divf %sub3A_29, %div3A_33 : vector<10000x128xf32>
    %mul3A_35 = vector.broadcast %get3A_12 : vector<1x128xf32> to vector<10000x128xf32>
    %mul3A_36 = arith.mulf %div3A_34, %mul3A_35 : vector<10000x128xf32>
    %add3A_37 = vector.broadcast %get3A_15 : vector<1x128xf32> to vector<10000x128xf32>
    %add3A_38 = arith.addf %mul3A_36, %add3A_37 : vector<10000x128xf32>
    %mul3A_39 = arith.constant 5.000000e-01 : f32
    %mul3A_40 = vector.broadcast %mul3A_39 : f32 to vector<10000x128xf32>
    %mul3A_41 = arith.mulf %mul3A_40, %add3A_38 : vector<10000x128xf32>
    %mul3A_42 = arith.constant 0.707106769 : f32
    %mul3A_43 = vector.broadcast %mul3A_42 : f32 to vector<10000x128xf32>
    %mul3A_44 = arith.mulf %add3A_38, %mul3A_43 : vector<10000x128xf32>
    %erf3A = math.erf %mul3A_44 : vector<10000x128xf32>
    %add3A_45 = arith.constant 1.000000e+00 : f32
    %add3A_46 = vector.broadcast %add3A_45 : f32 to vector<10000x128xf32>
    %add3A_47 = arith.addf %add3A_46, %erf3A : vector<10000x128xf32>
    %mul3A_48 = arith.mulf %mul3A_41, %add3A_47 : vector<10000x128xf32>
    %get3A_49 = arith.constant 0 : index
    %get3A_50 = arith.constant 0 : index
    %get3A_51 = vector.load %arg5[%get3A_49, %get3A_50] : memref<256x128xf32, #tpu.memory_space<vmem>>, vector<128x128xf32>
    %get3A_52 = arith.constant 128 : index
    %get3A_53 = arith.constant 0 : index
    %get3A_54 = vector.load %arg5[%get3A_52, %get3A_53] : memref<256x128xf32, #tpu.memory_space<vmem>>, vector<128x128xf32>
    %broadcast_in_dim3A_55 = arith.constant 0.000000e+00 : f32
    %broadcast_in_dim3A_56 = vector.broadcast %broadcast_in_dim3A_55 : f32 to vector<10016x128xf32>
    %swap3A = arith.constant 0 : index
    %swap3A_57 = arith.constant 0 : index
    %swap3A_58 = vector.load %arg7[%swap3A, %swap3A_57] : memref<10016x128xf32, #tpu.memory_space<vmem>>, vector<10016x128xf32>
    tpu.vector_store %arg7[%swap3A, %swap3A_57], %broadcast_in_dim3A_56 {strides = array<i32>} : memref<10016x128xf32, #tpu.memory_space<vmem>>, vector<10016x128xf32>,
    %broadcast_in_dim3A_59 = arith.constant 0.000000e+00 : f32
    %broadcast_in_dim3A_60 = vector.broadcast %broadcast_in_dim3A_59 : f32 to vector<10016x128xf32>
    %swap3A_61 = arith.constant 0 : index
    %swap3A_62 = arith.constant 0 : index
    %swap3A_63 = vector.load %arg8[%swap3A_61, %swap3A_62] : memref<10016x128xf32, #tpu.memory_space<vmem>>, vector<10016x128xf32>
    tpu.vector_store %arg8[%swap3A_61, %swap3A_62], %broadcast_in_dim3A_60 {strides = array<i32>} : memref<10016x128xf32, #tpu.memory_space<vmem>>, vector<10016x128xf32>,
    %sub3A_64 = arith.subf %get3A_51, %get3A_54 : vector<128x128xf32>
    %dot_general3A_65 = arith.constant dense<0.000000e+00> : vector<10000x128xf32>
    %dot_general3A_66 = tpu.matmul %mul3A_48, %sub3A_64, %dot_general3A_65 {dimension_numbers = #tpu.dot_dimension_numbers<[1], [0], [0], [1], [0, 0, 1, 1], [], []>, transpose_lhs_hint = false} : vector<10000x128xf32>, vector<128x128xf32>, vector<10000x128xf32> -> vector<10000x128xf32>
    %get3A_67 = arith.constant 0 : index
    %get3A_68 = arith.constant 0 : index
    %get3A_69 = vector.load %arg6[%get3A_67, %get3A_68] : memref<1x128xf32, #tpu.memory_space<vmem>>, vector<1x128xf32>
    %add3A_70 = vector.broadcast %get3A_69 : vector<1x128xf32> to vector<10000x128xf32>
    %add3A_71 = arith.addf %dot_general3A_66, %add3A_70 : vector<10000x128xf32>
    %swap3A_72 = arith.constant 0 : index
    %swap3A_73 = arith.constant 0 : index
    %swap3A_74 = vector.load %arg7[%swap3A_72, %swap3A_73] : memref<10016x128xf32, #tpu.memory_space<vmem>>, vector<10000x128xf32>
    tpu.vector_store %arg7[%swap3A_72, %swap3A_73], %add3A_71 {strides = array<i32>} : memref<10016x128xf32, #tpu.memory_space<vmem>>, vector<10000x128xf32>,
    %dot_general3A_75 = arith.constant dense<0.000000e+00> : vector<10000x128xf32>
    %dot_general3A_76 = tpu.matmul %mul3A_48, %get3A_54, %dot_general3A_75 {dimension_numbers = #tpu.dot_dimension_numbers<[1], [0], [0], [1], [0, 0, 1, 1], [], []>, transpose_lhs_hint = false} : vector<10000x128xf32>, vector<128x128xf32>, vector<10000x128xf32> -> vector<10000x128xf32>
    %swap3A_77 = arith.constant 0 : index
    %swap3A_78 = arith.constant 0 : index
    %swap3A_79 = vector.load %arg8[%swap3A_77, %swap3A_78] : memref<10016x128xf32, #tpu.memory_space<vmem>>, vector<10000x128xf32>
    tpu.vector_store %arg8[%swap3A_77, %swap3A_78], %dot_general3A_76 {strides = array<i32>} : memref<10016x128xf32, #tpu.memory_space<vmem>>, vector<10000x128xf32>,
    return
  }
}

module attributes {stable_mosaic.version = 14 : i64} {
  func.func @_tail_body(%arg0: memref<2x10112x128xf32, #tpu.memory_space<vmem>>, %arg1: memref<10000x128xf32, #tpu.memory_space<vmem>>, %arg2: memref<1x128xf32, #tpu.memory_space<vmem>>, %arg3: memref<1x128xf32, #tpu.memory_space<vmem>>, %arg4: memref<128x128xf32, #tpu.memory_space<vmem>>, %arg5: memref<1x128xf32, #tpu.memory_space<vmem>>, %arg6: memref<1x128xf32, #tpu.memory_space<vmem>>, %arg7: memref<1x128xf32, #tpu.memory_space<vmem>>, %arg8: memref<128x128xf32, #tpu.memory_space<vmem>>, %arg9: memref<1x128xf32, #tpu.memory_space<vmem>>, %arg10: memref<1x128xf32, #tpu.memory_space<vmem>>, %arg11: memref<1x128xf32, #tpu.memory_space<vmem>>, %arg12: memref<128x128xf32, #tpu.memory_space<vmem>>, %arg13: memref<1x128xf32, #tpu.memory_space<vmem>>, %arg14: memref<1x128xf32, #tpu.memory_space<vmem>>, %arg15: memref<1x128xf32, #tpu.memory_space<vmem>>, %arg16: memref<10000x128xf32, #tpu.memory_space<vmem>>) attributes {dimension_semantics = [], scalar_prefetch = 0 : i64, scratch_operands = 0 : i64, tpu.core_type = #tpu.core_type<tc>} {
    %get3A = arith.constant 0 : index
    %get3A_0 = arith.constant 0 : index
    %get3A_1 = arith.constant 0 : index
    %get3A_2 = vector.load %arg0[%get3A, %get3A_0, %get3A_1] : memref<2x10112x128xf32, #tpu.memory_space<vmem>>, vector<1x10000x128xf32>
    %get3A_3 = vector.shape_cast %get3A_2 : vector<1x10000x128xf32> to vector<10000x128xf32>
    %get3A_4 = arith.constant 1 : index
    %get3A_5 = arith.constant 0 : index
    %get3A_6 = arith.constant 0 : index
    %get3A_7 = vector.load %arg0[%get3A_4, %get3A_5, %get3A_6] : memref<2x10112x128xf32, #tpu.memory_space<vmem>>, vector<1x10000x128xf32>
    %get3A_8 = vector.shape_cast %get3A_7 : vector<1x10000x128xf32> to vector<10000x128xf32>
    %add3A = arith.addf %get3A_3, %get3A_8 : vector<10000x128xf32>
    %get3A_9 = arith.constant 0 : index
    %get3A_10 = arith.constant 0 : index
    %get3A_11 = vector.load %arg2[%get3A_9, %get3A_10] : memref<1x128xf32, #tpu.memory_space<vmem>>, vector<1x128xf32>
    %get3A_12 = arith.constant 0 : index
    %get3A_13 = arith.constant 0 : index
    %get3A_14 = vector.load %arg3[%get3A_12, %get3A_13] : memref<1x128xf32, #tpu.memory_space<vmem>>, vector<1x128xf32>
    %reduce_sum3A = arith.constant dense<0.000000e+00> : vector<128xf32>
    %reduce_sum3A_15 = vector.multi_reduction <add>, %add3A, %reduce_sum3A [0] : vector<10000x128xf32> to vector<128xf32>
    %broadcast_in_dim3A = vector.shape_cast %reduce_sum3A_15 : vector<128xf32> to vector<1x128xf32>
    %div3A = arith.constant 1.000000e+04 : f32
    %div3A_16 = vector.broadcast %div3A : f32 to vector<1x128xf32>
    %div3A_17 = arith.divf %broadcast_in_dim3A, %div3A_16 : vector<1x128xf32>
    %sub3A = vector.broadcast %div3A_17 : vector<1x128xf32> to vector<10000x128xf32>
    %sub3A_18 = arith.subf %add3A, %sub3A : vector<10000x128xf32>
    %sub3A_19 = vector.broadcast %div3A_17 : vector<1x128xf32> to vector<10000x128xf32>
    %sub3A_20 = arith.subf %add3A, %sub3A_19 : vector<10000x128xf32>
    %mul3A = arith.mulf %sub3A_18, %sub3A_20 : vector<10000x128xf32>
    %reduce_sum3A_21 = arith.constant dense<0.000000e+00> : vector<128xf32>
    %reduce_sum3A_22 = vector.multi_reduction <add>, %mul3A, %reduce_sum3A_21 [0] : vector<10000x128xf32> to vector<128xf32>
    %broadcast_in_dim3A_23 = vector.shape_cast %reduce_sum3A_22 : vector<128xf32> to vector<1x128xf32>
    %div3A_24 = arith.constant 1.000000e+04 : f32
    %div3A_25 = vector.broadcast %div3A_24 : f32 to vector<1x128xf32>
    %div3A_26 = arith.divf %broadcast_in_dim3A_23, %div3A_25 : vector<1x128xf32>
    %sub3A_27 = vector.broadcast %div3A_17 : vector<1x128xf32> to vector<10000x128xf32>
    %sub3A_28 = arith.subf %add3A, %sub3A_27 : vector<10000x128xf32>
    %add3A_29 = arith.constant 9.99999974E-6 : f32
    %add3A_30 = vector.broadcast %add3A_29 : f32 to vector<1x128xf32>
    %add3A_31 = arith.addf %div3A_26, %add3A_30 : vector<1x128xf32>
    %sqrt3A = math.sqrt %add3A_31 : vector<1x128xf32>
    %div3A_32 = vector.broadcast %sqrt3A : vector<1x128xf32> to vector<10000x128xf32>
    %div3A_33 = arith.divf %sub3A_28, %div3A_32 : vector<10000x128xf32>
    %mul3A_34 = vector.broadcast %get3A_11 : vector<1x128xf32> to vector<10000x128xf32>
    %mul3A_35 = arith.mulf %div3A_33, %mul3A_34 : vector<10000x128xf32>
    %add3A_36 = vector.broadcast %get3A_14 : vector<1x128xf32> to vector<10000x128xf32>
    %add3A_37 = arith.addf %mul3A_35, %add3A_36 : vector<10000x128xf32>
    %mul3A_38 = arith.constant 5.000000e-01 : f32
    %mul3A_39 = vector.broadcast %mul3A_38 : f32 to vector<10000x128xf32>
    %mul3A_40 = arith.mulf %mul3A_39, %add3A_37 : vector<10000x128xf32>
    %mul3A_41 = arith.constant 0.707106769 : f32
    %mul3A_42 = vector.broadcast %mul3A_41 : f32 to vector<10000x128xf32>
    %mul3A_43 = arith.mulf %add3A_37, %mul3A_42 : vector<10000x128xf32>
    %erf3A = math.erf %mul3A_43 : vector<10000x128xf32>
    %add3A_44 = arith.constant 1.000000e+00 : f32
    %add3A_45 = vector.broadcast %add3A_44 : f32 to vector<10000x128xf32>
    %add3A_46 = arith.addf %add3A_45, %erf3A : vector<10000x128xf32>
    %mul3A_47 = arith.mulf %mul3A_40, %add3A_46 : vector<10000x128xf32>
    %get3A_48 = arith.constant 0 : index
    %get3A_49 = arith.constant 0 : index
    %get3A_50 = vector.load %arg4[%get3A_48, %get3A_49] : memref<128x128xf32, #tpu.memory_space<vmem>>, vector<128x128xf32>
    %dot_general3A = arith.constant dense<0.000000e+00> : vector<10000x128xf32>
    %dot_general3A_51 = tpu.matmul %mul3A_47, %get3A_50, %dot_general3A {dimension_numbers = #tpu.dot_dimension_numbers<[1], [0], [0], [1], [0, 0, 1, 1], [], []>, transpose_lhs_hint = false} : vector<10000x128xf32>, vector<128x128xf32>, vector<10000x128xf32> -> vector<10000x128xf32>
    %get3A_52 = arith.constant 0 : index
    %get3A_53 = arith.constant 0 : index
    %get3A_54 = vector.load %arg5[%get3A_52, %get3A_53] : memref<1x128xf32, #tpu.memory_space<vmem>>, vector<1x128xf32>
    %add3A_55 = vector.broadcast %get3A_54 : vector<1x128xf32> to vector<10000x128xf32>
    %add3A_56 = arith.addf %dot_general3A_51, %add3A_55 : vector<10000x128xf32>
    %get3A_57 = arith.constant 0 : index
    %get3A_58 = arith.constant 0 : index
    %get3A_59 = vector.load %arg6[%get3A_57, %get3A_58] : memref<1x128xf32, #tpu.memory_space<vmem>>, vector<1x128xf32>
    %get3A_60 = arith.constant 0 : index
    %get3A_61 = arith.constant 0 : index
    %get3A_62 = vector.load %arg7[%get3A_60, %get3A_61] : memref<1x128xf32, #tpu.memory_space<vmem>>, vector<1x128xf32>
    %reduce_sum3A_63 = arith.constant dense<0.000000e+00> : vector<128xf32>
    %reduce_sum3A_64 = vector.multi_reduction <add>, %add3A_56, %reduce_sum3A_63 [0] : vector<10000x128xf32> to vector<128xf32>
    %broadcast_in_dim3A_65 = vector.shape_cast %reduce_sum3A_64 : vector<128xf32> to vector<1x128xf32>
    %div3A_66 = arith.constant 1.000000e+04 : f32
    %div3A_67 = vector.broadcast %div3A_66 : f32 to vector<1x128xf32>
    %div3A_68 = arith.divf %broadcast_in_dim3A_65, %div3A_67 : vector<1x128xf32>
    %sub3A_69 = vector.broadcast %div3A_68 : vector<1x128xf32> to vector<10000x128xf32>
    %sub3A_70 = arith.subf %add3A_56, %sub3A_69 : vector<10000x128xf32>
    %sub3A_71 = vector.broadcast %div3A_68 : vector<1x128xf32> to vector<10000x128xf32>
    %sub3A_72 = arith.subf %add3A_56, %sub3A_71 : vector<10000x128xf32>
    %mul3A_73 = arith.mulf %sub3A_70, %sub3A_72 : vector<10000x128xf32>
    %reduce_sum3A_74 = arith.constant dense<0.000000e+00> : vector<128xf32>
    %reduce_sum3A_75 = vector.multi_reduction <add>, %mul3A_73, %reduce_sum3A_74 [0] : vector<10000x128xf32> to vector<128xf32>
    %broadcast_in_dim3A_76 = vector.shape_cast %reduce_sum3A_75 : vector<128xf32> to vector<1x128xf32>
    %div3A_77 = arith.constant 1.000000e+04 : f32
    %div3A_78 = vector.broadcast %div3A_77 : f32 to vector<1x128xf32>
    %div3A_79 = arith.divf %broadcast_in_dim3A_76, %div3A_78 : vector<1x128xf32>
    %sub3A_80 = vector.broadcast %div3A_68 : vector<1x128xf32> to vector<10000x128xf32>
    %sub3A_81 = arith.subf %add3A_56, %sub3A_80 : vector<10000x128xf32>
    %add3A_82 = arith.constant 9.99999974E-6 : f32
    %add3A_83 = vector.broadcast %add3A_82 : f32 to vector<1x128xf32>
    %add3A_84 = arith.addf %div3A_79, %add3A_83 : vector<1x128xf32>
    %sqrt3A_85 = math.sqrt %add3A_84 : vector<1x128xf32>
    %div3A_86 = vector.broadcast %sqrt3A_85 : vector<1x128xf32> to vector<10000x128xf32>
    %div3A_87 = arith.divf %sub3A_81, %div3A_86 : vector<10000x128xf32>
    %mul3A_88 = vector.broadcast %get3A_59 : vector<1x128xf32> to vector<10000x128xf32>
    %mul3A_89 = arith.mulf %div3A_87, %mul3A_88 : vector<10000x128xf32>
    %add3A_90 = vector.broadcast %get3A_62 : vector<1x128xf32> to vector<10000x128xf32>
    %add3A_91 = arith.addf %mul3A_89, %add3A_90 : vector<10000x128xf32>
    %reduce_max3A = arith.constant dense<0xFF800000> : vector<10000xf32>
    %reduce_max3A_92 = vector.multi_reduction <maximumf>, %add3A_91, %reduce_max3A [1] : vector<10000x128xf32> to vector<10000xf32>
    %broadcast_in_dim3A_93 = vector.shape_cast %reduce_max3A_92 : vector<10000xf32> to vector<10000x1xf32>
    %logistic3A = arith.negf %broadcast_in_dim3A_93 : vector<10000x1xf32>
    %logistic3A_94 = math.exp %logistic3A : vector<10000x1xf32>
    %logistic3A_95 = arith.constant 1.000000e+00 : f32
    %logistic3A_96 = vector.broadcast %logistic3A_95 : f32 to vector<10000x1xf32>
    %logistic3A_97 = arith.addf %logistic3A_96, %logistic3A_94 : vector<10000x1xf32>
    %logistic3A_98 = arith.divf %logistic3A_96, %logistic3A_97 : vector<10000x1xf32>
    %mul3A_99 = vector.broadcast %logistic3A_98 : vector<10000x1xf32> to vector<10000x128xf32>
    %mul3A_100 = arith.mulf %mul3A_47, %mul3A_99 : vector<10000x128xf32>
    %get3A_101 = arith.constant 0 : index
    %get3A_102 = arith.constant 0 : index
    %get3A_103 = vector.load %arg8[%get3A_101, %get3A_102] : memref<128x128xf32, #tpu.memory_space<vmem>>, vector<128x128xf32>
    %dot_general3A_104 = arith.constant dense<0.000000e+00> : vector<10000x128xf32>
    %dot_general3A_105 = tpu.matmul %mul3A_100, %get3A_103, %dot_general3A_104 {dimension_numbers = #tpu.dot_dimension_numbers<[1], [0], [0], [1], [0, 0, 1, 1], [], []>, transpose_lhs_hint = false} : vector<10000x128xf32>, vector<128x128xf32>, vector<10000x128xf32> -> vector<10000x128xf32>
    %get3A_106 = arith.constant 0 : index
    %get3A_107 = arith.constant 0 : index
    %get3A_108 = vector.load %arg9[%get3A_106, %get3A_107] : memref<1x128xf32, #tpu.memory_space<vmem>>, vector<1x128xf32>
    %add3A_109 = vector.broadcast %get3A_108 : vector<1x128xf32> to vector<10000x128xf32>
    %add3A_110 = arith.addf %dot_general3A_105, %add3A_109 : vector<10000x128xf32>
    %get3A_111 = arith.constant 0 : index
    %get3A_112 = arith.constant 0 : index
    %get3A_113 = vector.load %arg10[%get3A_111, %get3A_112] : memref<1x128xf32, #tpu.memory_space<vmem>>, vector<1x128xf32>
    %get3A_114 = arith.constant 0 : index
    %get3A_115 = arith.constant 0 : index
    %get3A_116 = vector.load %arg11[%get3A_114, %get3A_115] : memref<1x128xf32, #tpu.memory_space<vmem>>, vector<1x128xf32>
    %reduce_sum3A_117 = arith.constant dense<0.000000e+00> : vector<128xf32>
    %reduce_sum3A_118 = vector.multi_reduction <add>, %add3A_110, %reduce_sum3A_117 [0] : vector<10000x128xf32> to vector<128xf32>
    %broadcast_in_dim3A_119 = vector.shape_cast %reduce_sum3A_118 : vector<128xf32> to vector<1x128xf32>
    %div3A_120 = arith.constant 1.000000e+04 : f32
    %div3A_121 = vector.broadcast %div3A_120 : f32 to vector<1x128xf32>
    %div3A_122 = arith.divf %broadcast_in_dim3A_119, %div3A_121 : vector<1x128xf32>
    %sub3A_123 = vector.broadcast %div3A_122 : vector<1x128xf32> to vector<10000x128xf32>
    %sub3A_124 = arith.subf %add3A_110, %sub3A_123 : vector<10000x128xf32>
    %sub3A_125 = vector.broadcast %div3A_122 : vector<1x128xf32> to vector<10000x128xf32>
    %sub3A_126 = arith.subf %add3A_110, %sub3A_125 : vector<10000x128xf32>
    %mul3A_127 = arith.mulf %sub3A_124, %sub3A_126 : vector<10000x128xf32>
    %reduce_sum3A_128 = arith.constant dense<0.000000e+00> : vector<128xf32>
    %reduce_sum3A_129 = vector.multi_reduction <add>, %mul3A_127, %reduce_sum3A_128 [0] : vector<10000x128xf32> to vector<128xf32>
    %broadcast_in_dim3A_130 = vector.shape_cast %reduce_sum3A_129 : vector<128xf32> to vector<1x128xf32>
    %div3A_131 = arith.constant 1.000000e+04 : f32
    %div3A_132 = vector.broadcast %div3A_131 : f32 to vector<1x128xf32>
    %div3A_133 = arith.divf %broadcast_in_dim3A_130, %div3A_132 : vector<1x128xf32>
    %sub3A_134 = vector.broadcast %div3A_122 : vector<1x128xf32> to vector<10000x128xf32>
    %sub3A_135 = arith.subf %add3A_110, %sub3A_134 : vector<10000x128xf32>
    %add3A_136 = arith.constant 9.99999974E-6 : f32
    %add3A_137 = vector.broadcast %add3A_136 : f32 to vector<1x128xf32>
    %add3A_138 = arith.addf %div3A_133, %add3A_137 : vector<1x128xf32>
    %sqrt3A_139 = math.sqrt %add3A_138 : vector<1x128xf32>
    %div3A_140 = vector.broadcast %sqrt3A_139 : vector<1x128xf32> to vector<10000x128xf32>
    %div3A_141 = arith.divf %sub3A_135, %div3A_140 : vector<10000x128xf32>
    %mul3A_142 = vector.broadcast %get3A_113 : vector<1x128xf32> to vector<10000x128xf32>
    %mul3A_143 = arith.mulf %div3A_141, %mul3A_142 : vector<10000x128xf32>
    %add3A_144 = vector.broadcast %get3A_116 : vector<1x128xf32> to vector<10000x128xf32>
    %add3A_145 = arith.addf %mul3A_143, %add3A_144 : vector<10000x128xf32>
    %get3A_146 = arith.constant 0 : index
    %get3A_147 = arith.constant 0 : index
    %get3A_148 = vector.load %arg12[%get3A_146, %get3A_147] : memref<128x128xf32, #tpu.memory_space<vmem>>, vector<128x128xf32>
    %dot_general3A_149 = arith.constant dense<0.000000e+00> : vector<10000x128xf32>
    %dot_general3A_150 = tpu.matmul %add3A_145, %get3A_148, %dot_general3A_149 {dimension_numbers = #tpu.dot_dimension_numbers<[1], [0], [0], [1], [0, 0, 1, 1], [], []>, transpose_lhs_hint = false} : vector<10000x128xf32>, vector<128x128xf32>, vector<10000x128xf32> -> vector<10000x128xf32>
    %get3A_151 = arith.constant 0 : index
    %get3A_152 = arith.constant 0 : index
    %get3A_153 = vector.load %arg13[%get3A_151, %get3A_152] : memref<1x128xf32, #tpu.memory_space<vmem>>, vector<1x128xf32>
    %add3A_154 = vector.broadcast %get3A_153 : vector<1x128xf32> to vector<10000x128xf32>
    %add3A_155 = arith.addf %dot_general3A_150, %add3A_154 : vector<10000x128xf32>
    %get3A_156 = arith.constant 0 : index
    %get3A_157 = arith.constant 0 : index
    %get3A_158 = vector.load %arg14[%get3A_156, %get3A_157] : memref<1x128xf32, #tpu.memory_space<vmem>>, vector<1x128xf32>
    %get3A_159 = arith.constant 0 : index
    %get3A_160 = arith.constant 0 : index
    %get3A_161 = vector.load %arg15[%get3A_159, %get3A_160] : memref<1x128xf32, #tpu.memory_space<vmem>>, vector<1x128xf32>
    %reduce_sum3A_162 = arith.constant dense<0.000000e+00> : vector<128xf32>
    %reduce_sum3A_163 = vector.multi_reduction <add>, %add3A_155, %reduce_sum3A_162 [0] : vector<10000x128xf32> to vector<128xf32>
    %broadcast_in_dim3A_164 = vector.shape_cast %reduce_sum3A_163 : vector<128xf32> to vector<1x128xf32>
    %div3A_165 = arith.constant 1.000000e+04 : f32
    %div3A_166 = vector.broadcast %div3A_165 : f32 to vector<1x128xf32>
    %div3A_167 = arith.divf %broadcast_in_dim3A_164, %div3A_166 : vector<1x128xf32>
    %sub3A_168 = vector.broadcast %div3A_167 : vector<1x128xf32> to vector<10000x128xf32>
    %sub3A_169 = arith.subf %add3A_155, %sub3A_168 : vector<10000x128xf32>
    %sub3A_170 = vector.broadcast %div3A_167 : vector<1x128xf32> to vector<10000x128xf32>
    %sub3A_171 = arith.subf %add3A_155, %sub3A_170 : vector<10000x128xf32>
    %mul3A_172 = arith.mulf %sub3A_169, %sub3A_171 : vector<10000x128xf32>
    %reduce_sum3A_173 = arith.constant dense<0.000000e+00> : vector<128xf32>
    %reduce_sum3A_174 = vector.multi_reduction <add>, %mul3A_172, %reduce_sum3A_173 [0] : vector<10000x128xf32> to vector<128xf32>
    %broadcast_in_dim3A_175 = vector.shape_cast %reduce_sum3A_174 : vector<128xf32> to vector<1x128xf32>
    %div3A_176 = arith.constant 1.000000e+04 : f32
    %div3A_177 = vector.broadcast %div3A_176 : f32 to vector<1x128xf32>
    %div3A_178 = arith.divf %broadcast_in_dim3A_175, %div3A_177 : vector<1x128xf32>
    %sub3A_179 = vector.broadcast %div3A_167 : vector<1x128xf32> to vector<10000x128xf32>
    %sub3A_180 = arith.subf %add3A_155, %sub3A_179 : vector<10000x128xf32>
    %add3A_181 = arith.constant 9.99999974E-6 : f32
    %add3A_182 = vector.broadcast %add3A_181 : f32 to vector<1x128xf32>
    %add3A_183 = arith.addf %div3A_178, %add3A_182 : vector<1x128xf32>
    %sqrt3A_184 = math.sqrt %add3A_183 : vector<1x128xf32>
    %div3A_185 = vector.broadcast %sqrt3A_184 : vector<1x128xf32> to vector<10000x128xf32>
    %div3A_186 = arith.divf %sub3A_180, %div3A_185 : vector<10000x128xf32>
    %mul3A_187 = vector.broadcast %get3A_158 : vector<1x128xf32> to vector<10000x128xf32>
    %mul3A_188 = arith.mulf %div3A_186, %mul3A_187 : vector<10000x128xf32>
    %add3A_189 = vector.broadcast %get3A_161 : vector<1x128xf32> to vector<10000x128xf32>
    %add3A_190 = arith.addf %mul3A_188, %add3A_189 : vector<10000x128xf32>
    %get3A_191 = arith.constant 0 : index
    %get3A_192 = arith.constant 0 : index
    %get3A_193 = vector.load %arg1[%get3A_191, %get3A_192] : memref<10000x128xf32, #tpu.memory_space<vmem>>, vector<10000x128xf32>
    %add3A_194 = arith.addf %add3A_190, %get3A_193 : vector<10000x128xf32>
    %swap3A = arith.constant 0 : index
    %swap3A_195 = arith.constant 0 : index
    %swap3A_196 = vector.load %arg16[%swap3A, %swap3A_195] : memref<10000x128xf32, #tpu.memory_space<vmem>>, vector<10000x128xf32>
    tpu.vector_store %arg16[%swap3A, %swap3A_195], %add3A_194 {strides = array<i32>} : memref<10000x128xf32, #tpu.memory_space<vmem>>, vector<10000x128xf32>,
    return
  }
}

</mosaic_0001>

<sc_bundles>
// kernel: kernel.6.cloned.1.call-start
scs
__scs_entry_jumppad:
0x0: {  	(pc) =	sbr.rel $0x88, $3  }
0x1: {  	(tag) =	ssettag $0x0;
	lr =	simm.s32 $0x1  }
0x2: {  	[smem:$0x3F88] =	sst lr;
	_ =	strace $0xD0000000  }
0x3: {  	_ = 	snop  }
0x4: {  	_ = 	snop  }
0x5: {  	_ = 	snop  }
0x6: {  	_ = 	snop  }
0x7: {  	_ = 	snop  }
__scs_overlays_trampoline_lowered:
0x8: {  	[smem:$0x3F97] =	sst s0  }
0x9: {  	[smem:$0x3F98] =	sst s1  }
0xa: {  	[smem:$0x3F99] =	sst s2  }
0xb: {  	[smem:$0x3F9A] =	sst s3  }
0xc: {  	[smem:$0x3F9B] =	sst s4  }
0xd: {  	[smem:$0x3F9C] =	sst s5  }
0xe: {  	[smem:$0x3F9D] =	sst s6  }
0xf: {  	[smem:$0x3F9E] =	sst s7  }
0x10: {  	[smem:$0x3F9F] =	sst s8  }
0x11: {  	[smem:$0x3FA0] =	sst s9;
	s0 =	simm.s32 @!p0 $0x0  }
0x12: {  	s1 =	sld [smem:$0x3F86];
	s0 =	simm.s32 @p0 $0x1  }
0x13: {  	[smem:$0x3FA1] =	sst s0;
	s0 =	simm.s32 @!p1 $0x0  }
0x14: {  	s2 =	sld [smem:$0x3F85];
	s0 =	simm.s32 @p1 $0x1  }
0x15: {  	[smem:$0x3FA2] =	sst s0;
	s0 =	simm.s32 @!p2 $0x0  }
0x16: {  	s3 =	sld [smem:$0x3FDB];
	s0 =	simm.s32 @p2 $0x1  }
0x17: {  	s4 =	simm.s32 $0x1BF5;
	[smem:$0x3FA4] =	sst s0  }
0x18: {  	s0 =	sld [smem:$0x3F87];
	_ =	swait.ge [sflag:s4], $0x0  }
0x19: {  	s7 =	sld [smem:$0x3F88]  }
0x1a: {  	s8 =	sadd.s32 $0xFFFFE003, lr  }
0x1b: {  	s9 =	sadd.s32 $0xFFFFFEF7, lr;
	s5 =	simm.s32 $0xFFFFFFFF;
	p2 =	slt.u32 s8, $0xFFFFF086  }
0x1c: {  	p1 =	slt.u32 s9, $0xF7A;
	s5 =	simm.s32 @!p2 $0x0  }
0x1d: {  	s5 =	simm.s32 @p1 $0x1;
	p0 =	seq.s32 s7, s2  }
0x1e: {  	s7 =	smul.u32 @!p0 $0xF7A, s2;
	p2 =	seq.s32 @!p0 s5, $0x0  }
0x1f: {  	s9 =	smul.u32 $0xF7A, s1;
	s8 =	simm.s32 @!p0 $0x1BF5;
	p2 =	por !p2, p0  }
0x20: {  	[sflag:s8] =	ssyncset.s32 @!p0 $0xFFFFF086;
	s6 =	sadd.s32 @!p0 s3, s7;
	s7 =	simm.s32 @!p0 $0x108  }
0x21: {  	s3 =	sadd.s32 s3, s9;
	s6 =	sadd.s32 @!p0 $0x88, s6;
	s7 =	simm.s32 @p2 $0x1082  }
0x22: {  	[simem:s7], [sflag:s8] =	dma.local @!p0 [hbm:s6], $0xF7A  }
0x23: {  	s9 =	sor.u32 $0xD0000000, s2;
	s6 =	simm.s32 $0x108;
	_ =	swait.ge @!p0 [sflag:s8], $0x0  }
0x24: {  	s3 =	sadd.s32 $0x88, s3;
	s6 =	simm.s32 @!p1 $0x1082;
	[sflag:s4] =	ssyncset.s32 $0xFFFFF086  }
0x25: {  	[simem:s6], [sflag:s4] =	dma.local [hbm:s3], $0xF7A  }
0x26: {  	[smem:$0x3F88] =	sst s1;
	(tag) =	ssettag s2;
	_ =	strace s9  }
0x27: {  	s1 =	sld [smem:$0x3F98]  }
0x28: {  	s2 =	sld [smem:$0x3F99]  }
0x29: {  	s4 =	sld [smem:$0x3F9B]  }
0x2a: {  	p0 =	seq.s32 s5, $0x0;
	s5 =	sld [smem:$0x3F9C]  }
0x2b: {  	s6 =	sld [smem:$0x3F9D]  }
0x2c: {  	s7 =	sld [smem:$0x3F9E]  }
0x2d: {  	s3 =	simm.s32 $0x108;
	s8 =	sld [smem:$0x3F9F]  }
0x2e: {  	s3 =	simm.s32 @!p0 $0x1082;
	s9 =	sld [smem:$0x3FA0]  }
0x2f: {  	lr =	sadd.s32 s0, s3;
	s0 =	sld [smem:$0x3F97]  }
0x30: {  	s3 =	sld [smem:$0x3F9A]  }
0x31: {  	[smem:$0x3FA3] =	sst s10  }
0x32: {  	s10 =	sld [smem:$0x3FA1];
	_ =	sdelay $0x3  }
0x33: {  	p0 =	seq.s32 s10, $0x1;
	s10 =	sld [smem:$0x3FA3];
	_ =	sdelay $0x3  }
0x34: {  	[smem:$0x3FA3] =	sst s10  }
0x35: {  	s10 =	sld [smem:$0x3FA2];
	_ =	sdelay $0x3  }
0x36: {  	p1 =	seq.s32 s10, $0x1;
	s10 =	sld [smem:$0x3FA3];
	_ =	sdelay $0x3  }
0x37: {  	[smem:$0x3FA3] =	sst s10  }
0x38: {  	s10 =	sld [smem:$0x3FA4]  }
0x39: {  	_ = 	snop;
	(pc) =	sbr.ind lr, $3  }
0x3a: {  	_ = 	snop  }
0x3b: {  	_ = 	snop  }
0x3c: {  	p2 =	seq.s32 s10, $0x1;
	s10 =	sld [smem:$0x3FA3]  }
0x3d: {  	_ =	shalt  }
0x3e: {  	_ =	shalt  }
0x3f: {  	_ =	shalt  }
0x40: {  	_ =	shalt  }
0x41: {  	_ =	shalt  }
0x42: {  	_ =	shalt  }
0x43: {  	_ =	shalt  }
0x44: {  	_ =	shalt  }
0x45: {  	_ =	shalt  }
0x46: {  	_ =	shalt  }
0x47: {  	_ =	shalt  }
0x48: {  	_ =	shalt  }
0x49: {  	_ =	shalt  }
0x4a: {  	_ =	shalt  }
0x4b: {  	_ =	shalt  }
0x4c: {  	_ =	shalt  }
0x4d: {  	_ =	shalt  }
0x4e: {  	_ =	shalt  }
0x4f: {  	_ =	shalt  }
0x50: {  	_ =	shalt  }
0x51: {  	_ =	shalt  }
0x52: {  	_ =	shalt  }
0x53: {  	_ =	shalt  }
0x54: {  	_ =	shalt  }
0x55: {  	_ =	shalt  }
0x56: {  	_ =	shalt  }
0x57: {  	_ =	shalt  }
0x58: {  	_ =	shalt  }
0x59: {  	_ =	shalt  }
0x5a: {  	_ =	shalt  }
0x5b: {  	_ =	shalt  }
0x5c: {  	_ =	shalt  }
0x5d: {  	_ =	shalt  }
0x5e: {  	_ =	shalt  }
0x5f: {  	_ =	shalt  }
0x60: {  	_ =	shalt  }
0x61: {  	_ =	shalt  }
0x62: {  	_ =	shalt  }
0x63: {  	_ =	shalt  }
0x64: {  	_ =	shalt  }
0x65: {  	_ =	shalt  }
0x66: {  	_ =	shalt  }
0x67: {  	_ =	shalt  }
0x68: {  	_ =	shalt  }
0x69: {  	_ =	shalt  }
0x6a: {  	_ =	shalt  }
0x6b: {  	_ =	shalt  }
0x6c: {  	_ =	shalt  }
0x6d: {  	_ =	shalt  }
0x6e: {  	_ =	shalt  }
0x6f: {  	_ =	shalt  }
0x70: {  	_ =	shalt  }
0x71: {  	_ =	shalt  }
0x72: {  	_ =	shalt  }
0x73: {  	_ =	shalt  }
0x74: {  	_ =	shalt  }
0x75: {  	_ =	shalt  }
0x76: {  	_ =	shalt  }
0x77: {  	_ =	shalt  }
0x78: {  	_ =	shalt  }
0x79: {  	_ =	shalt  }
0x7a: {  	_ =	shalt  }
0x7b: {  	_ =	shalt  }
0x7c: {  	_ =	shalt  }
0x7d: {  	_ =	shalt  }
0x7e: {  	_ =	shalt  }
0x7f: {  	_ =	shalt  }
0x80: {  	_ =	shalt  }
0x81: {  	_ =	shalt  }
0x82: {  	_ =	shalt  }
0x83: {  	_ =	shalt  }
0x84: {  	_ =	shalt  }
0x85: {  	_ =	shalt  }
0x86: {  	_ =	shalt  }
0x87: {  	_ =	shalt  }
.Lfunc_end0:
.L_simem_size_0:
called_computation_lowered:
.L_overlay_start_0:
0x88: {  	s2 =	sld [smem:$0x3FD9]  }
0x89: {  	s3 =	sld [smem:$0x3FFE];
	_ =	sdelay $0x1  }
0x8a: {  	s1 =	srdreg.scid  }
0x8b: {  	s0 =	sand.u32 $0x1, s1  }
0x8c: {  	s17 =	sshll.u32 s0, $0xA;
	s2 =	sadd.s32 s3, s2  }
0x8d: {  	s2 =	sadd.s32 s2, s17  }
0x8e: {  	[smem:$0x3FAF] =	sst s2  }
0x8f: {  	_ = 	snop  }
0x90: {  	s2 =	sld [smem:$0x3FD0];
	(tm) =	ssettm $0x1  }
0x91: {  	s18 =	sld [smem:$0x3FFB];
	_ =	sdelay $0x3  }
0x92: {  	_ =	strace s18  }
0x93: {  	s3 =	sld [smem:$0x3FFC];
	_ =	sdelay $0x3  }
0x94: {  	_ =	strace s3  }
0x95: {  	s3 =	sld [smem:$0x3FFD];
	_ =	sdelay $0x3  }
0x96: {  	_ =	strace s3  }
0x97: {  	_ =	strace $0x8FFFFFFF  }
0x98: {  	s19 =	sld [smem:$0x3FDB];
	_ =	sdelay $0x1  }
0x99: {  	s4 =	simm.s32 $_scs_section_size  }
0x9a: {  	s5 =	simm.s32 $_size__tile_overlayer_lowered;
	s6 =	simm.s32 $_tile_overlayer_lowered  }
0x9b: {  	s22 =	simm.s32 $0x1BFF;
	s21 =	sshll.u32 s6, $0x1;
	s3 =	sadd.s32 s4, s19  }
0x9c: {  	s7 =	simm.s32 $0x0;
	s20 =	sshll.u32 s5, $0x1;
	s5 =	sadd.s32 s21, s3  }
0x9d: {  	[timem:s7], [sflag:s22] =	dma.local [hbm:s5], s20  }
0x9e: {  	_ =	swait.ge [sflag:s22], s20  }
0x9f: {  	s4 =	ssub.s32 $0x0, s20;
	[sflag:s22] =	ssyncset.done $0x0  }
0xa0: {  	[sflag:s22] =	ssyncadd.s32 s4;
	_ =	sdelay $0x1  }
0xa1: {  	s23 =	simm.s32 $0x1B8B  }
0xa2: {  	_ =	swait.ge [sflag:s23], $0x1  }
0xa3: {  	[sflag:s23] =	ssyncset.done $0x0  }
0xa4: {  	s25 =	simm.s32 $0x1B8E;
	s24 =	sld [smem:$0x3FFE];
	[sflag:s23] =	ssyncadd.s32 $0xFFFFFFFF  }
0xa5: {  	s26 =	simm.s32 $execute0_lowered;
	[smem:$0x3FD2] =	sst s25  }
0xa6: {  	s5 =	sshll.u32 s26, $0x1;
	_ =	strace $0x80000046;
	[dreg:$0x1] =	wrdreg $0xFFFFFFFF  }
0xa7: {  	s28 =	simm.s32 $_size_execute0_lowered;
	s3 =	sadd.s32 s3, s5;
	[dreg:$0x0] =	wrdreg $0x0  }
0xa8: {  	s5 =	sshll.u32 s28, $0x1;
	[dreg:$0x2] =	wrdreg s3  }
0xa9: {  	[dreg:$0x3] =	wrdreg s5  }
0xaa: {  	[dreg:$0x4] =	wrdreg $0xC0  }
0xab: {  	_ =	task [dreg:s7], $0x5FFFF  }
0xac: {  	[dreg:$0x1] =	wrdreg $0xFFFFFFFF  }
0xad: {  	[dreg:$0x0] =	wrdreg $0x60  }
0xae: {  	[dreg:$0x2] =	wrdreg s24  }
0xaf: {  	[dreg:$0x3] =	wrdreg s2  }
0xb0: {  	[dreg:$0x4] =	wrdreg $0x83000  }
0xb1: {  	[dreg:$0x5] =	wrdreg $0x9  }
0xb2: {  	_ =	task.clear_ibuf [dreg:s7], $0x6FFFF;
	_ =	strace $0x90000046  }
0xb3: {  	s29 =	simm.s32 $0x9;
	_ =	strace $0x80000048  }
0xb4: {  	_ =	swait.ge [sflag:s29], $0x1  }
0xb5: {  	[sflag:s29] =	ssyncadd.s32 $0xFFFFFFFF  }
0xb6: {  	_ =	strace $0x90000048  }
0xb7: {  	_ =	sfence  }
0xb8: {  	s30 =	sld [smem:$0x0];
	_ =	sdelay $0x2  }
0xb9: {  	s31 =	sshll.u32 s1, $0xD;
	s1 =	sshrl.u32 s1, $0x2  }
0xba: {  	s3 =	sand.u32 $0x4000, s31;
	s1 =	sadd.s32 s1, s30  }
0xbb: {  	s0 =	sor.u32 s3, s0;
	s1 =	sshll.u32 s1, $0x11  }
0xbc: {  	s0 =	sor.u32 s1, s0  }
0xbd: {  	s0 =	sadd.s32 $0x8F2B, s0  }
0xbe: {  	[sflag:s0] =	ssyncadd.remote.s32 $0x1  }
0xbf: {  	_ =	sfence.sel $0xFFFF  }
0xc0: {  	[dreg:$0x0] =	wrdreg $0xFFFFFFFF;
	(pc) =	sbr.abs _section_cstart, $3  }
0xc1: {  	[dreg:$0x1] =	wrdreg $0xFFFFFFFF  }
0xc2: {  	_ =	task.clear_ibuf [dreg:s7], $0x2FFFF;
	_ =	strace $0x9FFFFFFF  }
0xc3: {  	(tm) =	ssettm $0x7FFFFFFF  }
tec
execute0_lowered:
.L_overlay_start_1:
0x0: {  	(tag) =	ssettag $0x1  }
0x1: {  	s0 =	rddreg [dreg:$0x0]  }
0x2: {  	s1 =	rddreg [dreg:$0x1]  }
0x3: {  	s2 =	rddreg [dreg:$0x2];
	s4 =	simm.s32 $0x0;
	s3 =	srdreg.scid  }
0x4: {  	s13 =	stileid.u32;
	s29 =	simm.s32 $0x6200;
	s30 =	simm.s32 $0x2  }
0x5: {  	s31 =	simm.s32 $0x4;
	[smem:$0x7FF] =	sst s4;
	s3 =	sand.u32 $0x1, s3  }
0x6: {  	s10 =	smul.u32 $0x13C00, s13;
	s5 =	sadd.s32 $0x3C00, s0;
	s7 =	sadd.s32 $0x9D3A00, s0  }
0x7: {  	s6 =	sadd.s32 $0x2AE00, s0;
	s8 =	sadd.s32 $0x4E5C00, s0;
	s14 =	smul.u32 $0x4F000, s13  }
0x8: {  	s11 =	sadd.s32 $0x52000, s0;
	s17 =	sshll.u32 s13, $0x6;
	s9 =	smul.u32 $0x13C000, s3  }
0x9: {  	_ =	strace $0x80000047;
	s12 =	sshll.u32 s3, $0x4;
	s3 =	ssub.s32 $0x2, s3  }
0xa: {  	[dreg:$0x4] =	wrdreg s11;
	s15 =	sshrl.u32 s3, $0x1;
	s9 =	sadd.s32 s10, s9  }
0xb: {  	s11 =	sshrl.u32 s14, $0x2;
	s3 =	ssub.s32 s3, s15;
	s9 =	sshrl.u32 s9, $0x3  }
0xc: {  	s16 =	sadd.s32 s11, s2;
	s0 =	sadd.s32 s9, s0;
	s9 =	sor.u32 s13, s12  }
0xd: {  	s15 =	sor.u32 $0x1C0B, s17;
	[dreg:$0x5] =	wrdreg s16;
	s12 =	smul.u32 $0x2720, s9  }
0xe: {  	s28 =	simm.s32 $0x0;
	[dreg:$0x6] =	wrdreg s15;
	s19 =	smul.u32 $0x27200, s9  }
0xf: {  	s13 =	simm.s32 $0x0;
	s9 =	smul.u32 $0x139000, s9;
	s0 =	sadd.s32 $0x54800, s0  }
0x10: {  	[dreg:$0x16] =	wrdreg s0;
	s0 =	simm.s32 $0x6;
	s18 =	sshrl.u32 s12, $0x3  }
0x11: {  	s14 =	sadd.s32 $0x20, s12;
	s21 =	sadd.s32 s7, s19;
	s16 =	sadd.s32 $0x40, s12  }
0x12: {  	s9 =	sshrl.u32 s9, $0x3;
	s20 =	sadd.s32 s1, s18;
	s10 =	sadd.s32 s8, s18  }
0x13: {  	[dreg:$0x9] =	wrdreg s21;
	s22 =	sshrl.u32 s14, $0x3;
	s24 =	sshll.u32 s14, $0x4  }
0x14: {  	s25 =	sshrl.u32 s16, $0x3;
	s17 =	sshll.u32 s16, $0x4;
	[dreg:$0x7] =	wrdreg s20  }
0x15: {  	s21 =	sadd.s32 $0x60, s12;
	[dreg:$0x8] =	wrdreg s10;
	s23 =	sadd.s32 s1, s22  }
0x16: {  	s9 =	sadd.s32 s7, s9;
	s10 =	sadd.s32 s8, s22;
	[dreg:$0xa] =	wrdreg s23  }
0x17: {  	s26 =	sadd.s32 s7, s24;
	s11 =	sadd.s32 s1, s25;
	[dreg:$0xb] =	wrdreg s10  }
0x18: {  	s18 =	sadd.s32 s8, s25;
	s19 =	sshrl.u32 s21, $0x3;
	[dreg:$0xc] =	wrdreg s26  }
0x19: {  	s20 =	sadd.s32 $0x2700, s12;
	s9 =	sadd.s32 $0x26E00, s9;
	[dreg:$0xd] =	wrdreg s11  }
0x1a: {  	s12 =	simm.s32 $0xB;
	[dreg:$0xe] =	wrdreg s18;
	s10 =	sadd.s32 s7, s17  }
0x1b: {  	s22 =	sadd.s32 s1, s19;
	s23 =	sshrl.u32 s20, $0x3;
	[dreg:$0x12] =	wrdreg s9  }
0x1c: {  	s24 =	sshll.u32 s20, $0x4;
	s26 =	smax.u32 s3, $0x1;
	s17 =	simm.s32 $0x80  }
0x1d: {  	s18 =	simm.s32 $0x180;
	s20 =	simm.s32 $0x3;
	[dreg:$0xf] =	wrdreg s10  }
0x1e: {  	s11 =	simm.s32 $0x7;
	[dreg:$0x10] =	wrdreg s22;
	s10 =	sadd.s32 s8, s19  }
0x1f: {  	s25 =	sadd.s32 s1, s23;
	s9 =	sadd.s32 s7, s24;
	[dreg:$0x17] =	wrdreg s26  }
0x20: {  	s19 =	simm.s32 $0x1;
	s22 =	simm.s32 $0x5;
	[dreg:$0x11] =	wrdreg s10  }
0x21: {  	s26 =	simm.s32 $0xA;
	[dreg:$0x13] =	wrdreg s25;
	s10 =	sadd.s32 s8, s23  }
0x22: {  	[dreg:$0x15] =	wrdreg s9;
	s9 =	simm.s32 $0x100;
	s23 =	simm.s32 $0x8  }
0x23: {  	s25 =	simm.s32 $0x9;
	[dreg:$0x14] =	wrdreg s10;
	s10 =	simm.s32 $0x20  }
.LBB2_1:
0x24: {  	[dreg:$0x18] =	wrdreg s13  }
0x25: {  	s3 =	rddreg [dreg:$0x5]  }
0x26: {  	s24 =	rddreg [dreg:$0x4];
	s3 =	sshrl.u32 s3, $0x3  }
0x27: {  	[dreg:$0x19] =	wrdreg s3  }
0x28: {  	[spmem:s3], [sflag:s15] =	dma.local [hbm:s24], $0x2780  }
0x29: {  	_ =	swait.ge [sflag:s12], $0x2780  }
0x2a: {  	[sflag:s12] =	ssyncset.done $0x0  }
0x2b: {  	[sflag:s12] =	ssyncadd.s32 $0xFFFFD880  }
0x2c: {  	[bflag:$0x0] =	sbarrier.arrive $0xFFFF  }
0x2d: {  	s24 =	rddreg [dreg:$0x7]  }
0x2e: {  	[tilespmem:s4], [sflag:$0xB] =	stream.linear.gather [hbm4b:s24+s4], $0x20, $0x38;
	[tilespmem:$0x1BF00] =	vst v63  }
0x2f: {  	_ =	swait.ge [sflag:s12], $0x20  }
0x30: {  	[sflag:s12] =	ssyncset.done $0x0  }
0x31: {  	s13 =	rddreg [dreg:$0x8];
	[sflag:s12] =	ssyncadd.s32 $0xFFFFFFE0  }
0x32: {  	[tilespmem:s9], [sflag:$0xB] =	stream.linear.gather [hbm4b:s13+s4], $0x20, $0x38;
	[tilespmem:$0x1BF00] =	vst v63  }
0x33: {  	_ =	swait.ge [sflag:s12], $0x20  }
0x34: {  	[sflag:s12] =	ssyncset.done $0x0  }
0x35: {  	s15 =	simm.s32 $0x200;
	[sflag:s12] =	ssyncadd.s32 $0xFFFFFFE0  }
0x36: {  	[tilespmem:s15], [sflag:$0x1] =	stream.indirect.gather [hbm4b:s5+s10], $0x80, s9, s10, $0xb8;
	[tilespmem:$0x1BF00] =	vst v63  }
0x37: {  	s24 =	simm.s32 $0x2200  }
0x38: {  	[tilespmem:s24], [sflag:$0x3] =	stream.indirect.gather [hbm4b:s6+s10], $0x80, s4, s10, $0xb8;
	[tilespmem:$0x1BF00] =	vst v63  }
0x39: {  	s13 =	simm.s32 $0x4200;
	s12 =	rddreg [dreg:$0x9]  }
0x3a: {  	[tilespmem:s13], [sflag:$0x5] =	stream.linear.gather [hbm4b:s12+s4], $0x1000, $0x38;
	[tilespmem:$0x1BF00] =	vst v63  }
0x3b: {  	s15 =	rddreg [dreg:$0xa]  }
0x3c: {  	[tilespmem:s17], [sflag:$0x8] =	stream.linear.gather [hbm4b:s15+s4], $0x20, $0x38;
	[tilespmem:$0x1BF00] =	vst v63  }
0x3d: {  	s24 =	rddreg [dreg:$0xb]  }
0x3e: {  	[tilespmem:s18], [sflag:$0x8] =	stream.linear.gather [hbm4b:s24+s4], $0x20, $0x38;
	[tilespmem:$0x1BF00] =	vst v63  }
0x3f: {  	_ =	swait.ge [sflag:s19], $0x1000  }
0x40: {  	[sflag:s19] =	ssyncset.done $0x0  }
0x41: {  	[sflag:s19] =	ssyncadd.s32 $0xFFFFF000  }
0x42: {  	_ =	swait.ge [sflag:s20], $0x1000  }
0x43: {  	[sflag:s20] =	ssyncset.done $0x0  }
0x44: {  	[sflag:s20] =	ssyncadd.s32 $0xFFFFF000  }
0x45: {  	_ =	swait.ge [sflag:s22], $0x1000  }
0x46: {  	[sflag:s22] =	ssyncset.done $0x0  }
0x47: {  	[sflag:s22] =	ssyncadd.s32 $0xFFFFF000  }
0x48: {  	_ =	swait.ge [sflag:s23], $0x20  }
0x49: {  	[sflag:s23] =	ssyncset.done $0x0  }
0x4a: {  	[sflag:s23] =	ssyncadd.s32 $0xFFFFFFE0  }
0x4b: {  	_ =	swait.ge [sflag:s23], $0x20  }
0x4c: {  	[sflag:s23] =	ssyncset.done $0x0  }
0x4d: {  	s12 =	simm.s32 $0x1200;
	[sflag:s23] =	ssyncadd.s32 $0xFFFFFFE0  }
0x4e: {  	[tilespmem:s12], [sflag:$0x2] =	stream.indirect.gather [hbm4b:s5+s10], $0x80, s18, s10, $0xb8;
	[tilespmem:$0x1BF00] =	vst v63  }
0x4f: {  	s13 =	simm.s32 $0x3200  }
0x50: {  	[tilespmem:s13], [sflag:$0x4] =	stream.indirect.gather [hbm4b:s6+s10], $0x80, s17, s10, $0xb8;
	[tilespmem:$0x1BF00] =	vst v63  }
0x51: {  	s24 =	simm.s32 $0x5200;
	s15 =	rddreg [dreg:$0xc]  }
0x52: {  	[tilespmem:s24], [sflag:$0x6] =	stream.linear.gather [hbm4b:s15+s4], $0x1000, $0x38;
	[tilespmem:$0x1BF00] =	vst v63  }
0x53: {  	v0 =	vld [tilespmem:$0x100]  }
0x54: {  	v1 =	vld [tilespmem:$0x110];
	_ =	sdelay $0x3  }
0x55: {  	[tilespmem:$0x8200] =	vst v0  }
0x56: {  	s3 =	simm.s32 $0x0;
	[tilespmem:$0x8210] =	vst v1  }
0x57: {  	v0 =	vld [tilespmem:s3+$0x270]  }
0x58: {  	v1 =	vld [tilespmem:s3+$0x2270]  }
0x59: {  	v2 =	vld [tilespmem:s3+$0x200]  }
0x5a: {  	v3 =	vld [tilespmem:s3+$0x4270]  }
0x5b: {  	v4 =	vld [tilespmem:s3+$0x2200]  }
0x5c: {  	v5 =	vld [tilespmem:s3+$0x210]  }
0x5d: {  	v7 =	vld [tilespmem:s3+$0x2210]  }
0x5e: {  	v9 =	vld [tilespmem:s3+$0x2220]  }
0x5f: {  	v10 =	vld [tilespmem:s3+$0x2230]  }
0x60: {  	v11 =	vld [tilespmem:s3+$0x240]  }
0x61: {  	v12 =	vld [tilespmem:s3+$0x2240]  }
0x62: {  	v13 =	vld [tilespmem:s3+$0x250]  }
0x63: {  	v14 =	vld [tilespmem:s3+$0x2250]  }
0x64: {  	v15 =	vld [tilespmem:s3+$0x260]  }
0x65: {  	v16 =	vld [tilespmem:s3+$0x2260]  }
0x66: {  	v17 =	vld [tilespmem:s3+$0x4200];
	v0 =	vadd.f32 v1, v0  }
0x67: {  	v1 =	vld [tilespmem:s3+$0x220]  }
0x68: {  	v0 =	vmul.f32 v3, v0;
	v3 =	vld [tilespmem:s3+$0x230]  }
0x69: {  	v18 =	vld [tilespmem:s3+$0x4210]  }
0x6a: {  	v19 =	vld [tilespmem:s3+$0x4220]  }
0x6b: {  	v8 =	vld [tilespmem:s3+$0x4230];
	v2 =	vadd.f32 v4, v2  }
0x6c: {  	v6 =	vld [tilespmem:s3+$0x4240];
	v20 =	vadd.f32 v7, v5  }
0x6d: {  	v5 =	vld [tilespmem:s3+$0x4250];
	[tilespmem:s3+$0x6270] =	vst v0;
	v21 =	vadd.f32 v9, v1;
	v0 =	vadd.f32 v10, v3;
	v10 =	vmul.f32 v17, v2  }
0x6e: {  	s12 =	simm.s32 $0x80;
	v7 =	vld [tilespmem:s3+$0x4260];
	v4 =	vadd.f32 v12, v11;
	v9 =	vmul.f32 v18, v20  }
0x6f: {  	s13 =	simm.s32 $0x400;
	v1 =	vld [tilespmem:s12+$0x270];
	v2 =	vadd.f32 v14, v13;
	v3 =	vadd.f32 v16, v15;
	[tilespmem:s3+$0x6200] =	vst v10;
	v10 =	vmul.f32 v19, v21  }
.LBB2_2:
0x70: {  	p0 =	sne.s32 s13, $0x3E00;
	v11 =	vld [tilespmem:s12+$0x2270];
	[tilespmem:s3+$0x6210] =	vst v9;
	v0 =	vmul.f32 v8, v0  }
0x71: {  	v8 =	vld [tilespmem:s12+$0x200];
	[tilespmem:s3+$0x6220] =	vst v10;
	v4 =	vmul.f32 v6, v4  }
0x72: {  	v6 =	vld [tilespmem:s12+$0x4270];
	[tilespmem:s3+$0x6230] =	vst v0;
	v0 =	vmul.f32 v5, v2  }
0x73: {  	v2 =	vld [tilespmem:s12+$0x2200];
	[tilespmem:s3+$0x6240] =	vst v4;
	v3 =	vmul.f32 v7, v3  }
0x74: {  	v4 =	vld [tilespmem:s12+$0x210];
	[tilespmem:s3+$0x6250] =	vst v0  }
0x75: {  	v0 =	vld [tilespmem:s12+$0x2210];
	v1 =	vadd.f32 v11, v1;
	[tilespmem:s3+$0x6260] =	vst v3;
	s3 =	smov.u32 s12  }
0x76: {  	v3 =	vld [tilespmem:s3+$0x220]  }
0x77: {  	v5 =	vld [tilespmem:s3+$0x2220];
	v1 =	vmul.f32 v6, v1  }
0x78: {  	v7 =	vadd.f32 v2, v8;
	v2 =	vld [tilespmem:s3+$0x230]  }
0x79: {  	v6 =	vld [tilespmem:s3+$0x2230];
	[tilespmem:s3+$0x6270] =	vst v1  }
0x7a: {  	v1 =	vadd.f32 v0, v4;
	v4 =	vld [tilespmem:s3+$0x240]  }
0x7b: {  	v8 =	vld [tilespmem:s3+$0x2240]  }
0x7c: {  	v10 =	vadd.f32 v5, v3;
	v3 =	vld [tilespmem:s3+$0x250]  }
0x7d: {  	v5 =	vld [tilespmem:s3+$0x2250]  }
0x7e: {  	v0 =	vadd.f32 v6, v2;
	v9 =	vld [tilespmem:s3+$0x260]  }
0x7f: {  	v11 =	vld [tilespmem:s3+$0x2260]  }
0x80: {  	v12 =	vld [tilespmem:s3+$0x4200];
	v4 =	vadd.f32 v8, v4  }
0x81: {  	v13 =	vld [tilespmem:s3+$0x4210]  }
0x82: {  	v14 =	vld [tilespmem:s3+$0x4220];
	v2 =	vadd.f32 v5, v3  }
.Ltmp0:
0x83: {  	v8 =	vld [tilespmem:s3+$0x4230];
	(pc) =	sbr.rel @p0 .LBB2_2-.Ltmp0, $4  }
0x84: {  	v6 =	vld [tilespmem:s3+$0x4240];
	v3 =	vadd.f32 v11, v9  }
0x85: {  	v11 =	vmul.f32 v12, v7;
	v5 =	vld [tilespmem:s3+$0x4250]  }
0x86: {  	s12 =	sshra.s32 s13, $0x2;
	v9 =	vmul.f32 v13, v1;
	v7 =	vld [tilespmem:s3+$0x4260]  }
0x87: {  	s13 =	sadd.s32 $0x200, s13;
	v1 =	vld [tilespmem:s12+$0x270];
	[tilespmem:s3+$0x6200] =	vst v11;
	v10 =	vmul.f32 v14, v10  }
0x88: {  	v11 =	vld [tilespmem:s12+$0x2270];
	[tilespmem:s3+$0x6210] =	vst v9;
	v0 =	vmul.f32 v8, v0  }
0x89: {  	v9 =	vld [tilespmem:s12+$0x200];
	[tilespmem:s3+$0x6220] =	vst v10;
	v4 =	vmul.f32 v6, v4  }
0x8a: {  	v8 =	vld [tilespmem:s12+$0x4270];
	[tilespmem:s3+$0x6230] =	vst v0;
	v2 =	vmul.f32 v5, v2  }
0x8b: {  	v0 =	vld [tilespmem:s12+$0x2200];
	[tilespmem:s3+$0x6240] =	vst v4;
	v3 =	vmul.f32 v7, v3  }
0x8c: {  	v4 =	vld [tilespmem:s12+$0x210];
	[tilespmem:s3+$0x6250] =	vst v2  }
0x8d: {  	v2 =	vld [tilespmem:s12+$0x2210];
	[tilespmem:s3+$0x6260] =	vst v3  }
0x8e: {  	v3 =	vld [tilespmem:s12+$0x220]  }
0x8f: {  	v5 =	vld [tilespmem:s12+$0x2220]  }
0x90: {  	v6 =	vld [tilespmem:s12+$0x230]  }
0x91: {  	v7 =	vld [tilespmem:s12+$0x2230]  }
0x92: {  	v10 =	vld [tilespmem:s12+$0x250]  }
0x93: {  	v1 =	vadd.f32 v11, v1;
	v11 =	vld [tilespmem:s12+$0x2250]  }
0x94: {  	v12 =	vld [tilespmem:s12+$0x260]  }
0x95: {  	v13 =	vld [tilespmem:s12+$0x2260]  }
0x96: {  	v14 =	vld [tilespmem:s12+$0x4200]  }
0x97: {  	v15 =	vld [tilespmem:s12+$0x4210]  }
0x98: {  	v16 =	vld [tilespmem:s12+$0x4220];
	v1 =	vmul.f32 v8, v1  }
0x99: {  	v8 =	vld [tilespmem:s12+$0x2240]  }
0x9a: {  	[tilespmem:s12+$0x6270] =	vst v1;
	v1 =	vld [tilespmem:s12+$0x240]  }
0x9b: {  	v0 =	vadd.f32 v0, v9;
	v9 =	vld [tilespmem:s12+$0x4230]  }
0x9c: {  	v2 =	vadd.f32 v2, v4;
	v4 =	vld [tilespmem:s12+$0x4240]  }
0x9d: {  	v3 =	vadd.f32 v5, v3;
	v0 =	vmul.f32 v14, v0;
	v5 =	vld [tilespmem:s12+$0x4250]  }
0x9e: {  	v6 =	vadd.f32 v7, v6;
	v7 =	vld [tilespmem:s12+$0x4260];
	v2 =	vmul.f32 v15, v2  }
0x9f: {  	[tilespmem:s12+$0x6200] =	vst v0;
	v0 =	vmul.f32 v16, v3;
	v1 =	vadd.f32 v8, v1  }
0xa0: {  	v3 =	vadd.f32 v11, v10;
	[tilespmem:s12+$0x6210] =	vst v2;
	v2 =	vmul.f32 v9, v6  }
0xa1: {  	v6 =	vadd.f32 v13, v12;
	[tilespmem:s12+$0x6220] =	vst v0;
	v0 =	vmul.f32 v4, v1  }
0xa2: {  	[tilespmem:s12+$0x6230] =	vst v2;
	v1 =	vmul.f32 v5, v3  }
0xa3: {  	[tilespmem:s12+$0x6240] =	vst v0;
	v0 =	vmul.f32 v7, v6  }
0xa4: {  	[tilespmem:s12+$0x6250] =	vst v1  }
0xa5: {  	s13 =	simm.s32 $0x8200;
	[tilespmem:s12+$0x6260] =	vst v0  }
0xa6: {  	[spmem:s2] =	stream.indirect.scatter.add.f32 [tilespmem:s29], [sflag:$0x9], $0x80, s13, s10, $0xb8;
	[tilespmem:$0x1BF00] =	vst v63  }
0xa7: {  	s15 =	rddreg [dreg:$0xd];
	s3 =	simm.s32 $0x0  }
0xa8: {  	[tilespmem:s3], [sflag:$0x7] =	stream.linear.gather [hbm4b:s15+s3], $0x20, $0x38;
	[tilespmem:$0x1BF00] =	vst v63  }
0xa9: {  	s24 =	rddreg [dreg:$0xe]  }
0xaa: {  	[tilespmem:s9], [sflag:$0x7] =	stream.linear.gather [hbm4b:s24+s3], $0x20, $0x38;
	[tilespmem:$0x1BF00] =	vst v63  }
0xab: {  	_ =	swait.ge [sflag:s30], $0x1000  }
0xac: {  	[sflag:s30] =	ssyncset.done $0x0  }
0xad: {  	[sflag:s30] =	ssyncadd.s32 $0xFFFFF000  }
0xae: {  	_ =	swait.ge [sflag:s31], $0x1000  }
0xaf: {  	[sflag:s31] =	ssyncset.done $0x0  }
0xb0: {  	[sflag:s31] =	ssyncadd.s32 $0xFFFFF000  }
0xb1: {  	_ =	swait.ge [sflag:s0], $0x1000  }
0xb2: {  	[sflag:s0] =	ssyncset.done $0x0  }
0xb3: {  	[sflag:s0] =	ssyncadd.s32 $0xFFFFF000  }
0xb4: {  	_ =	swait.ge [sflag:s11], $0x20  }
0xb5: {  	[sflag:s11] =	ssyncset.done $0x0  }
0xb6: {  	[sflag:s11] =	ssyncadd.s32 $0xFFFFFFE0  }
0xb7: {  	_ =	swait.ge [sflag:s11], $0x20  }
0xb8: {  	[sflag:s11] =	ssyncset.done $0x0  }
0xb9: {  	s13 =	simm.s32 $0x200;
	[sflag:s11] =	ssyncadd.s32 $0xFFFFFFE0  }
0xba: {  	[tilespmem:s13], [sflag:$0x1] =	stream.indirect.gather [hbm4b:s5+s10], $0x80, s9, s10, $0xb8;
	[tilespmem:$0x1BF00] =	vst v63  }
0xbb: {  	s15 =	simm.s32 $0x2200  }
0xbc: {  	[tilespmem:s15], [sflag:$0x3] =	stream.indirect.gather [hbm4b:s6+s10], $0x80, s3, s10, $0xb8;
	[tilespmem:$0x1BF00] =	vst v63  }
0xbd: {  	s24 =	rddreg [dreg:$0xf];
	s13 =	simm.s32 $0x4200  }
0xbe: {  	[tilespmem:s13], [sflag:$0x5] =	stream.linear.gather [hbm4b:s24+s3], $0x1000, $0x38;
	[tilespmem:$0x1BF00] =	vst v63  }
0xbf: {  	v0 =	vld [tilespmem:$0x180]  }
0xc0: {  	v1 =	vld [tilespmem:$0x190];
	_ =	sdelay $0x3  }
0xc1: {  	[tilespmem:$0x8280] =	vst v0  }
0xc2: {  	s3 =	simm.s32 $0x0;
	[tilespmem:$0x8290] =	vst v1  }
0xc3: {  	v0 =	vld [tilespmem:s3+$0x1270]  }
0xc4: {  	v1 =	vld [tilespmem:s3+$0x3270]  }
0xc5: {  	v2 =	vld [tilespmem:s3+$0x1200]  }
0xc6: {  	v3 =	vld [tilespmem:s3+$0x5270]  }
0xc7: {  	v4 =	vld [tilespmem:s3+$0x3200]  }
0xc8: {  	v5 =	vld [tilespmem:s3+$0x1210]  }
0xc9: {  	v7 =	vld [tilespmem:s3+$0x3210]  }
0xca: {  	v9 =	vld [tilespmem:s3+$0x3220]  }
0xcb: {  	v10 =	vld [tilespmem:s3+$0x3230]  }
0xcc: {  	v11 =	vld [tilespmem:s3+$0x1240]  }
0xcd: {  	v59 =	vld [tilespmem:s3+$0x3240]  }
0xce: {  	v60 =	vld [tilespmem:s3+$0x1250]  }
0xcf: {  	v61 =	vld [tilespmem:s3+$0x3250]  }
0xd0: {  	v62 =	vld [tilespmem:s3+$0x1260]  }
0xd1: {  	v63 =	vld [tilespmem:s3+$0x3260]  }
0xd2: {  	v17 =	vld [tilespmem:s3+$0x5200];
	v0 =	vadd.f32 v1, v0  }
0xd3: {  	v1 =	vld [tilespmem:s3+$0x1220]  }
0xd4: {  	v0 =	vmul.f32 v3, v0;
	v3 =	vld [tilespmem:s3+$0x1230]  }
0xd5: {  	v18 =	vld [tilespmem:s3+$0x5210]  }
0xd6: {  	v19 =	vld [tilespmem:s3+$0x5220]  }
0xd7: {  	v8 =	vld [tilespmem:s3+$0x5230];
	v2 =	vadd.f32 v4, v2  }
0xd8: {  	v6 =	vld [tilespmem:s3+$0x5240];
	v20 =	vadd.f32 v7, v5  }
0xd9: {  	v5 =	vld [tilespmem:s3+$0x5250];
	[tilespmem:s3+$0x7270] =	vst v0;
	v21 =	vadd.f32 v9, v1;
	v0 =	vadd.f32 v10, v3;
	v10 =	vmul.f32 v17, v2  }
0xda: {  	s12 =	simm.s32 $0x80;
	v7 =	vld [tilespmem:s3+$0x5260];
	v4 =	vadd.f32 v59, v11;
	v9 =	vmul.f32 v18, v20  }
0xdb: {  	s13 =	simm.s32 $0x400;
	v1 =	vld [tilespmem:s12+$0x1270];
	v2 =	vadd.f32 v61, v60;
	v3 =	vadd.f32 v63, v62;
	[tilespmem:s3+$0x7200] =	vst v10;
	v10 =	vmul.f32 v19, v21  }
.LBB2_4:
0xdc: {  	p0 =	sne.s32 s13, $0x3E00;
	v11 =	vld [tilespmem:s12+$0x3270];
	[tilespmem:s3+$0x7210] =	vst v9;
	v0 =	vmul.f32 v8, v0  }
0xdd: {  	v8 =	vld [tilespmem:s12+$0x1200];
	[tilespmem:s3+$0x7220] =	vst v10;
	v4 =	vmul.f32 v6, v4  }
0xde: {  	v6 =	vld [tilespmem:s12+$0x5270];
	[tilespmem:s3+$0x7230] =	vst v0;
	v0 =	vmul.f32 v5, v2  }
0xdf: {  	v2 =	vld [tilespmem:s12+$0x3200];
	[tilespmem:s3+$0x7240] =	vst v4;
	v3 =	vmul.f32 v7, v3  }
0xe0: {  	v4 =	vld [tilespmem:s12+$0x1210];
	[tilespmem:s3+$0x7250] =	vst v0  }
0xe1: {  	v0 =	vld [tilespmem:s12+$0x3210];
	v1 =	vadd.f32 v11, v1;
	[tilespmem:s3+$0x7260] =	vst v3;
	s3 =	smov.u32 s12  }
0xe2: {  	v3 =	vld [tilespmem:s3+$0x1220]  }
0xe3: {  	v5 =	vld [tilespmem:s3+$0x3220];
	v1 =	vmul.f32 v6, v1  }
0xe4: {  	v7 =	vadd.f32 v2, v8;
	v2 =	vld [tilespmem:s3+$0x1230]  }
0xe5: {  	v6 =	vld [tilespmem:s3+$0x3230];
	[tilespmem:s3+$0x7270] =	vst v1  }
0xe6: {  	v1 =	vadd.f32 v0, v4;
	v4 =	vld [tilespmem:s3+$0x1240]  }
0xe7: {  	v8 =	vld [tilespmem:s3+$0x3240]  }
0xe8: {  	v10 =	vadd.f32 v5, v3;
	v3 =	vld [tilespmem:s3+$0x1250]  }
0xe9: {  	v5 =	vld [tilespmem:s3+$0x3250]  }
0xea: {  	v0 =	vadd.f32 v6, v2;
	v9 =	vld [tilespmem:s3+$0x1260]  }
0xeb: {  	v11 =	vld [tilespmem:s3+$0x3260]  }
0xec: {  	v12 =	vld [tilespmem:s3+$0x5200];
	v4 =	vadd.f32 v8, v4  }
0xed: {  	v13 =	vld [tilespmem:s3+$0x5210]  }
0xee: {  	v14 =	vld [tilespmem:s3+$0x5220];
	v2 =	vadd.f32 v5, v3  }
.Ltmp1:
0xef: {  	v8 =	vld [tilespmem:s3+$0x5230];
	(pc) =	sbr.rel @p0 .LBB2_4-.Ltmp1, $4  }
0xf0: {  	v6 =	vld [tilespmem:s3+$0x5240];
	v3 =	vadd.f32 v11, v9  }
0xf1: {  	v11 =	vmul.f32 v12, v7;
	v5 =	vld [tilespmem:s3+$0x5250]  }
0xf2: {  	s12 =	sshra.s32 s13, $0x2;
	v9 =	vmul.f32 v13, v1;
	v7 =	vld [tilespmem:s3+$0x5260]  }
0xf3: {  	s13 =	sadd.s32 $0x200, s13;
	v1 =	vld [tilespmem:s12+$0x1270];
	[tilespmem:s3+$0x7200] =	vst v11;
	v10 =	vmul.f32 v14, v10  }
0xf4: {  	v11 =	vld [tilespmem:s12+$0x3270];
	[tilespmem:s3+$0x7210] =	vst v9;
	v0 =	vmul.f32 v8, v0  }
0xf5: {  	v9 =	vld [tilespmem:s12+$0x1200];
	[tilespmem:s3+$0x7220] =	vst v10;
	v4 =	vmul.f32 v6, v4  }
0xf6: {  	v46 =	vld [tilespmem:s12+$0x5270];
	[tilespmem:s3+$0x7230] =	vst v0;
	v2 =	vmul.f32 v5, v2  }
0xf7: {  	v0 =	vld [tilespmem:s12+$0x3200];
	[tilespmem:s3+$0x7240] =	vst v4;
	v3 =	vmul.f32 v7, v3  }
0xf8: {  	v4 =	vld [tilespmem:s12+$0x1210];
	[tilespmem:s3+$0x7250] =	vst v2  }
0xf9: {  	v2 =	vld [tilespmem:s12+$0x3210];
	[tilespmem:s3+$0x7260] =	vst v3  }
0xfa: {  	v3 =	vld [tilespmem:s12+$0x1220]  }
0xfb: {  	v47 =	vld [tilespmem:s12+$0x3220]  }
0xfc: {  	v48 =	vld [tilespmem:s12+$0x1230]  }
0xfd: {  	v49 =	vld [tilespmem:s12+$0x3230]  }
0xfe: {  	v50 =	vld [tilespmem:s12+$0x1240]  }
0xff: {  	v51 =	vld [tilespmem:s12+$0x3240]  }
0x100: {  	v10 =	vld [tilespmem:s12+$0x1250]  }
0x101: {  	v52 =	vld [tilespmem:s12+$0x3250]  }
0x102: {  	v12 =	vld [tilespmem:s12+$0x1260]  }
0x103: {  	v13 =	vld [tilespmem:s12+$0x3260]  }
0x104: {  	v14 =	vld [tilespmem:s12+$0x5200]  }
0x105: {  	v15 =	vld [tilespmem:s12+$0x5210]  }
0x106: {  	v1 =	vadd.f32 v11, v1;
	v16 =	vld [tilespmem:s12+$0x5220]  }
0x107: {  	v53 =	vld [tilespmem:s12+$0x5230];
	v0 =	vadd.f32 v0, v9  }
0x108: {  	v54 =	vld [tilespmem:s12+$0x5240];
	v1 =	vmul.f32 v46, v1;
	v2 =	vadd.f32 v2, v4  }
0x109: {  	v55 =	vld [tilespmem:s12+$0x5250];
	v3 =	vadd.f32 v47, v3;
	v0 =	vmul.f32 v14, v0  }
0x10a: {  	v56 =	vld [tilespmem:s12+$0x5260];
	[tilespmem:s12+$0x7270] =	vst v1;
	v6 =	vadd.f32 v49, v48;
	v2 =	vmul.f32 v15, v2  }
0x10b: {  	v1 =	vadd.f32 v51, v50;
	[tilespmem:s12+$0x7200] =	vst v0;
	v57 =	vmul.f32 v16, v3  }
0x10c: {  	v58 =	vadd.f32 v52, v10;
	v59 =	vmul.f32 v53, v6;
	[tilespmem:s12+$0x7210] =	vst v2  }
0x10d: {  	v60 =	vadd.f32 v13, v12;
	v61 =	vmul.f32 v54, v1;
	[tilespmem:s12+$0x7220] =	vst v57  }
0x10e: {  	v62 =	vmul.f32 v55, v58;
	[tilespmem:s12+$0x7230] =	vst v59  }
0x10f: {  	v63 =	vmul.f32 v56, v60;
	[tilespmem:s12+$0x7240] =	vst v61  }
0x110: {  	[tilespmem:s12+$0x7250] =	vst v62  }
0x111: {  	s13 =	simm.s32 $0x7200;
	[tilespmem:s12+$0x7260] =	vst v63;
	s12 =	simm.s32 $0x8280  }
0x112: {  	[spmem:s2] =	stream.indirect.scatter.add.f32 [tilespmem:s13], [sflag:$0xA], $0x80, s12, s10, $0xb8;
	[tilespmem:$0x1BF00] =	vst v63  }
0x113: {  	s15 =	rddreg [dreg:$0x10]  }
0x114: {  	[tilespmem:s17], [sflag:$0x8] =	stream.linear.gather [hbm4b:s15+s4], $0x20, $0x38;
	[tilespmem:$0x1BF00] =	vst v63  }
0x115: {  	s24 =	rddreg [dreg:$0x11];
	s3 =	simm.s32 $0x1  }
0x116: {  	[tilespmem:s18], [sflag:$0x8] =	stream.linear.gather [hbm4b:s24+s4], $0x20, $0x38;
	[tilespmem:$0x1BF00] =	vst v63  }
.LBB2_6:
0x117: {  	_ =	swait.ge [sflag:s19], $0x1000  }
0x118: {  	[sflag:s19] =	ssyncset.done $0x0  }
0x119: {  	[sflag:s19] =	ssyncadd.s32 $0xFFFFF000  }
0x11a: {  	_ =	swait.ge [sflag:s20], $0x1000  }
0x11b: {  	[sflag:s20] =	ssyncset.done $0x0  }
0x11c: {  	[sflag:s20] =	ssyncadd.s32 $0xFFFFF000  }
0x11d: {  	_ =	swait.ge [sflag:s22], $0x1000  }
0x11e: {  	[sflag:s22] =	ssyncset.done $0x0  }
0x11f: {  	[sflag:s22] =	ssyncadd.s32 $0xFFFFF000  }
0x120: {  	_ =	swait.ge [sflag:s23], $0x20  }
0x121: {  	[sflag:s23] =	ssyncset.done $0x0  }
0x122: {  	[sflag:s23] =	ssyncadd.s32 $0xFFFFFFE0  }
0x123: {  	_ =	swait.ge [sflag:s23], $0x20  }
0x124: {  	s24 =	sshll.u32 s3, $0x6;
	[sflag:s23] =	ssyncset.done $0x0  }
0x125: {  	s12 =	simm.s32 $0x1200;
	s15 =	sadd.s32 s24, s14;
	[sflag:s23] =	ssyncadd.s32 $0xFFFFFFE0  }
0x126: {  	[tilespmem:s12], [sflag:$0x2] =	stream.indirect.gather [hbm4b:s5+s10], $0x80, s18, s10, $0xb8;
	[tilespmem:$0x1BF00] =	vst v63  }
0x127: {  	s13 =	simm.s32 $0x3200;
	s12 =	sshll.u32 s15, $0x4  }
0x128: {  	[tilespmem:s13], [sflag:$0x4] =	stream.indirect.gather [hbm4b:s6+s10], $0x80, s17, s10, $0xb8;
	[tilespmem:$0x1BF00] =	vst v63  }
0x129: {  	s15 =	simm.s32 $0x5200;
	s12 =	sadd.s32 s7, s12;
	s13 =	simm.s32 $0x0  }
0x12a: {  	[tilespmem:s15], [sflag:$0x6] =	stream.linear.gather [hbm4b:s12+s13], $0x1000, $0x38;
	[tilespmem:$0x1BF00] =	vst v63  }
0x12b: {  	_ =	swait.ge [sflag:s25], $0x1000  }
0x12c: {  	[sflag:s25] =	ssyncset.done $0x0  }
0x12d: {  	[sflag:s25] =	ssyncadd.s32 $0xFFFFF000  }
0x12e: {  	v0 =	vld [tilespmem:$0x100]  }
0x12f: {  	v1 =	vld [tilespmem:$0x110];
	_ =	sdelay $0x3  }
0x130: {  	[tilespmem:$0x8200] =	vst v0  }
0x131: {  	s12 =	simm.s32 $0x0;
	[tilespmem:$0x8210] =	vst v1  }
0x132: {  	v0 =	vld [tilespmem:s12+$0x270]  }
0x133: {  	v1 =	vld [tilespmem:s12+$0x2270]  }
0x134: {  	v2 =	vld [tilespmem:s12+$0x200]  }
0x135: {  	v3 =	vld [tilespmem:s12+$0x4270]  }
0x136: {  	v4 =	vld [tilespmem:s12+$0x2200]  }
0x137: {  	v5 =	vld [tilespmem:s12+$0x210]  }
0x138: {  	v7 =	vld [tilespmem:s12+$0x2210]  }
0x139: {  	v9 =	vld [tilespmem:s12+$0x2220]  }
0x13a: {  	v10 =	vld [tilespmem:s12+$0x2230]  }
0x13b: {  	v11 =	vld [tilespmem:s12+$0x240]  }
0x13c: {  	v12 =	vld [tilespmem:s12+$0x2240]  }
0x13d: {  	v13 =	vld [tilespmem:s12+$0x250]  }
0x13e: {  	v14 =	vld [tilespmem:s12+$0x2250]  }
0x13f: {  	v15 =	vld [tilespmem:s12+$0x260]  }
0x140: {  	v16 =	vld [tilespmem:s12+$0x2260]  }
0x141: {  	v17 =	vld [tilespmem:s12+$0x4200];
	v0 =	vadd.f32 v1, v0  }
0x142: {  	v1 =	vld [tilespmem:s12+$0x220]  }
0x143: {  	v0 =	vmul.f32 v3, v0;
	v3 =	vld [tilespmem:s12+$0x230]  }
0x144: {  	v18 =	vld [tilespmem:s12+$0x4210]  }
0x145: {  	v19 =	vld [tilespmem:s12+$0x4220]  }
0x146: {  	v8 =	vld [tilespmem:s12+$0x4230];
	v2 =	vadd.f32 v4, v2  }
0x147: {  	v6 =	vld [tilespmem:s12+$0x4240];
	v20 =	vadd.f32 v7, v5  }
0x148: {  	v5 =	vld [tilespmem:s12+$0x4250];
	[tilespmem:s12+$0x6270] =	vst v0;
	v21 =	vadd.f32 v9, v1;
	v0 =	vadd.f32 v10, v3;
	v10 =	vmul.f32 v17, v2  }
0x149: {  	s13 =	simm.s32 $0x80;
	v7 =	vld [tilespmem:s12+$0x4260];
	v4 =	vadd.f32 v12, v11;
	v9 =	vmul.f32 v18, v20  }
0x14a: {  	s15 =	simm.s32 $0x400;
	v1 =	vld [tilespmem:s13+$0x270];
	v2 =	vadd.f32 v14, v13;
	v3 =	vadd.f32 v16, v15;
	[tilespmem:s12+$0x6200] =	vst v10;
	v10 =	vmul.f32 v19, v21  }
.LBB2_7:
0x14b: {  	p0 =	sne.s32 s15, $0x3E00;
	v11 =	vld [tilespmem:s13+$0x2270];
	[tilespmem:s12+$0x6210] =	vst v9;
	v0 =	vmul.f32 v8, v0  }
0x14c: {  	v8 =	vld [tilespmem:s13+$0x200];
	[tilespmem:s12+$0x6220] =	vst v10;
	v4 =	vmul.f32 v6, v4  }
0x14d: {  	v6 =	vld [tilespmem:s13+$0x4270];
	[tilespmem:s12+$0x6230] =	vst v0;
	v0 =	vmul.f32 v5, v2  }
0x14e: {  	v2 =	vld [tilespmem:s13+$0x2200];
	[tilespmem:s12+$0x6240] =	vst v4;
	v3 =	vmul.f32 v7, v3  }
0x14f: {  	v4 =	vld [tilespmem:s13+$0x210];
	[tilespmem:s12+$0x6250] =	vst v0  }
0x150: {  	v0 =	vld [tilespmem:s13+$0x2210];
	v1 =	vadd.f32 v11, v1;
	[tilespmem:s12+$0x6260] =	vst v3;
	s12 =	smov.u32 s13  }
0x151: {  	v3 =	vld [tilespmem:s12+$0x220]  }
0x152: {  	v5 =	vld [tilespmem:s12+$0x2220];
	v1 =	vmul.f32 v6, v1  }
0x153: {  	v7 =	vadd.f32 v2, v8;
	v2 =	vld [tilespmem:s12+$0x230]  }
0x154: {  	v6 =	vld [tilespmem:s12+$0x2230];
	[tilespmem:s12+$0x6270] =	vst v1  }
0x155: {  	v1 =	vadd.f32 v0, v4;
	v4 =	vld [tilespmem:s12+$0x240]  }
0x156: {  	v8 =	vld [tilespmem:s12+$0x2240]  }
0x157: {  	v10 =	vadd.f32 v5, v3;
	v3 =	vld [tilespmem:s12+$0x250]  }
0x158: {  	v5 =	vld [tilespmem:s12+$0x2250]  }
0x159: {  	v0 =	vadd.f32 v6, v2;
	v9 =	vld [tilespmem:s12+$0x260]  }
0x15a: {  	v11 =	vld [tilespmem:s12+$0x2260]  }
0x15b: {  	v12 =	vld [tilespmem:s12+$0x4200];
	v4 =	vadd.f32 v8, v4  }
0x15c: {  	v13 =	vld [tilespmem:s12+$0x4210]  }
0x15d: {  	v14 =	vld [tilespmem:s12+$0x4220];
	v2 =	vadd.f32 v5, v3  }
.Ltmp2:
0x15e: {  	v8 =	vld [tilespmem:s12+$0x4230];
	(pc) =	sbr.rel @p0 .LBB2_7-.Ltmp2, $4  }
0x15f: {  	v6 =	vld [tilespmem:s12+$0x4240];
	v3 =	vadd.f32 v11, v9  }
0x160: {  	v11 =	vmul.f32 v12, v7;
	v5 =	vld [tilespmem:s12+$0x4250]  }
0x161: {  	s13 =	sshra.s32 s15, $0x2;
	v9 =	vmul.f32 v13, v1;
	v7 =	vld [tilespmem:s12+$0x4260]  }
0x162: {  	s15 =	sadd.s32 $0x200, s15;
	v1 =	vld [tilespmem:s13+$0x270];
	[tilespmem:s12+$0x6200] =	vst v11;
	v10 =	vmul.f32 v14, v10  }
0x163: {  	v11 =	vld [tilespmem:s13+$0x2270];
	[tilespmem:s12+$0x6210] =	vst v9;
	v0 =	vmul.f32 v8, v0  }
0x164: {  	v9 =	vld [tilespmem:s13+$0x200];
	[tilespmem:s12+$0x6220] =	vst v10;
	v4 =	vmul.f32 v6, v4  }
0x165: {  	v8 =	vld [tilespmem:s13+$0x4270];
	[tilespmem:s12+$0x6230] =	vst v0;
	v2 =	vmul.f32 v5, v2  }
0x166: {  	v0 =	vld [tilespmem:s13+$0x2200];
	[tilespmem:s12+$0x6240] =	vst v4;
	v3 =	vmul.f32 v7, v3  }
0x167: {  	v4 =	vld [tilespmem:s13+$0x210];
	[tilespmem:s12+$0x6250] =	vst v2  }
0x168: {  	v2 =	vld [tilespmem:s13+$0x2210];
	[tilespmem:s12+$0x6260] =	vst v3  }
0x169: {  	v3 =	vld [tilespmem:s13+$0x220]  }
0x16a: {  	v5 =	vld [tilespmem:s13+$0x2220]  }
0x16b: {  	v6 =	vld [tilespmem:s13+$0x230]  }
0x16c: {  	v7 =	vld [tilespmem:s13+$0x2230]  }
0x16d: {  	v10 =	vld [tilespmem:s13+$0x250]  }
0x16e: {  	v1 =	vadd.f32 v11, v1;
	v11 =	vld [tilespmem:s13+$0x2250]  }
0x16f: {  	v12 =	vld [tilespmem:s13+$0x260]  }
0x170: {  	v13 =	vld [tilespmem:s13+$0x2260]  }
0x171: {  	v14 =	vld [tilespmem:s13+$0x4200]  }
0x172: {  	v15 =	vld [tilespmem:s13+$0x4210]  }
0x173: {  	v16 =	vld [tilespmem:s13+$0x4220];
	v1 =	vmul.f32 v8, v1  }
0x174: {  	v8 =	vld [tilespmem:s13+$0x2240]  }
0x175: {  	[tilespmem:s13+$0x6270] =	vst v1;
	v1 =	vld [tilespmem:s13+$0x240]  }
0x176: {  	v0 =	vadd.f32 v0, v9;
	v9 =	vld [tilespmem:s13+$0x4230]  }
0x177: {  	v2 =	vadd.f32 v2, v4;
	v4 =	vld [tilespmem:s13+$0x4240]  }
0x178: {  	v3 =	vadd.f32 v5, v3;
	v0 =	vmul.f32 v14, v0;
	v5 =	vld [tilespmem:s13+$0x4250]  }
0x179: {  	v6 =	vadd.f32 v7, v6;
	v7 =	vld [tilespmem:s13+$0x4260];
	v2 =	vmul.f32 v15, v2  }
0x17a: {  	[tilespmem:s13+$0x6200] =	vst v0;
	v0 =	vmul.f32 v16, v3;
	v1 =	vadd.f32 v8, v1  }
0x17b: {  	v3 =	vadd.f32 v11, v10;
	[tilespmem:s13+$0x6210] =	vst v2;
	v2 =	vmul.f32 v9, v6  }
0x17c: {  	v6 =	vadd.f32 v13, v12;
	[tilespmem:s13+$0x6220] =	vst v0;
	v0 =	vmul.f32 v4, v1  }
0x17d: {  	[tilespmem:s13+$0x6230] =	vst v2;
	v1 =	vmul.f32 v5, v3  }
0x17e: {  	[tilespmem:s13+$0x6240] =	vst v0;
	v0 =	vmul.f32 v7, v6  }
0x17f: {  	[tilespmem:s13+$0x6250] =	vst v1  }
0x180: {  	s12 =	sadd.s32 s24, s16;
	[tilespmem:s13+$0x6260] =	vst v0;
	s13 =	simm.s32 $0x8200  }
0x181: {  	[spmem:s2] =	stream.indirect.scatter.add.f32 [tilespmem:s29], [sflag:$0x9], $0x80, s13, s10, $0xb8;
	[tilespmem:$0x1BF00] =	vst v63  }
0x182: {  	s13 =	sshrl.u32 s12, $0x3  }
0x183: {  	s15 =	sadd.s32 s1, s13  }
0x184: {  	[tilespmem:s28], [sflag:$0x7] =	stream.linear.gather [hbm4b:s15+s28], $0x20, $0x38;
	[tilespmem:$0x1BF00] =	vst v63  }
0x185: {  	s13 =	sadd.s32 s8, s13  }
0x186: {  	[tilespmem:s9], [sflag:$0x7] =	stream.linear.gather [hbm4b:s13+s28], $0x20, $0x38;
	[tilespmem:$0x1BF00] =	vst v63  }
0x187: {  	_ =	swait.ge [sflag:s30], $0x1000  }
0x188: {  	[sflag:s30] =	ssyncset.done $0x0  }
0x189: {  	[sflag:s30] =	ssyncadd.s32 $0xFFFFF000  }
0x18a: {  	_ =	swait.ge [sflag:s31], $0x1000  }
0x18b: {  	[sflag:s31] =	ssyncset.done $0x0  }
0x18c: {  	[sflag:s31] =	ssyncadd.s32 $0xFFFFF000  }
0x18d: {  	_ =	swait.ge [sflag:s0], $0x1000  }
0x18e: {  	[sflag:s0] =	ssyncset.done $0x0  }
0x18f: {  	[sflag:s0] =	ssyncadd.s32 $0xFFFFF000  }
0x190: {  	_ =	swait.ge [sflag:s11], $0x20  }
0x191: {  	[sflag:s11] =	ssyncset.done $0x0  }
0x192: {  	[sflag:s11] =	ssyncadd.s32 $0xFFFFFFE0  }
0x193: {  	_ =	swait.ge [sflag:s11], $0x20  }
0x194: {  	[sflag:s11] =	ssyncset.done $0x0  }
0x195: {  	s15 =	simm.s32 $0x200;
	[sflag:s11] =	ssyncadd.s32 $0xFFFFFFE0  }
0x196: {  	[tilespmem:s15], [sflag:$0x1] =	stream.indirect.gather [hbm4b:s5+s10], $0x80, s9, s10, $0xb8;
	[tilespmem:$0x1BF00] =	vst v63  }
0x197: {  	s12 =	sshll.u32 s12, $0x4;
	s15 =	simm.s32 $0x2200  }
0x198: {  	[tilespmem:s15], [sflag:$0x3] =	stream.indirect.gather [hbm4b:s6+s10], $0x80, s28, s10, $0xb8;
	[tilespmem:$0x1BF00] =	vst v63  }
0x199: {  	s12 =	sadd.s32 s7, s12;
	s15 =	simm.s32 $0x4200  }
0x19a: {  	[tilespmem:s15], [sflag:$0x5] =	stream.linear.gather [hbm4b:s12+s28], $0x1000, $0x38;
	[tilespmem:$0x1BF00] =	vst v63  }
0x19b: {  	_ =	swait.ge [sflag:s26], $0x1000  }
0x19c: {  	[sflag:s26] =	ssyncset.done $0x0  }
0x19d: {  	[sflag:s26] =	ssyncadd.s32 $0xFFFFF000  }
0x19e: {  	v0 =	vld [tilespmem:$0x180]  }
0x19f: {  	v1 =	vld [tilespmem:$0x190];
	_ =	sdelay $0x3  }
0x1a0: {  	[tilespmem:$0x8280] =	vst v0  }
0x1a1: {  	s12 =	simm.s32 $0x0;
	[tilespmem:$0x8290] =	vst v1  }
0x1a2: {  	v0 =	vld [tilespmem:s12+$0x1270]  }
0x1a3: {  	v1 =	vld [tilespmem:s12+$0x3270]  }
0x1a4: {  	v2 =	vld [tilespmem:s12+$0x1200]  }
0x1a5: {  	v3 =	vld [tilespmem:s12+$0x5270]  }
0x1a6: {  	v4 =	vld [tilespmem:s12+$0x3200]  }
0x1a7: {  	v5 =	vld [tilespmem:s12+$0x1210]  }
0x1a8: {  	v7 =	vld [tilespmem:s12+$0x3210]  }
0x1a9: {  	v9 =	vld [tilespmem:s12+$0x3220]  }
0x1aa: {  	v10 =	vld [tilespmem:s12+$0x3230]  }
0x1ab: {  	v11 =	vld [tilespmem:s12+$0x1240]  }
0x1ac: {  	v59 =	vld [tilespmem:s12+$0x3240]  }
0x1ad: {  	v60 =	vld [tilespmem:s12+$0x1250]  }
0x1ae: {  	v61 =	vld [tilespmem:s12+$0x3250]  }
0x1af: {  	v62 =	vld [tilespmem:s12+$0x1260]  }
0x1b0: {  	v63 =	vld [tilespmem:s12+$0x3260]  }
0x1b1: {  	v17 =	vld [tilespmem:s12+$0x5200];
	v0 =	vadd.f32 v1, v0  }
0x1b2: {  	v1 =	vld [tilespmem:s12+$0x1220]  }
0x1b3: {  	v0 =	vmul.f32 v3, v0;
	v3 =	vld [tilespmem:s12+$0x1230]  }
0x1b4: {  	v18 =	vld [tilespmem:s12+$0x5210]  }
0x1b5: {  	v19 =	vld [tilespmem:s12+$0x5220]  }
0x1b6: {  	v8 =	vld [tilespmem:s12+$0x5230];
	v2 =	vadd.f32 v4, v2  }
0x1b7: {  	v6 =	vld [tilespmem:s12+$0x5240];
	v20 =	vadd.f32 v7, v5  }
0x1b8: {  	v5 =	vld [tilespmem:s12+$0x5250];
	[tilespmem:s12+$0x7270] =	vst v0;
	v21 =	vadd.f32 v9, v1;
	v0 =	vadd.f32 v10, v3;
	v10 =	vmul.f32 v17, v2  }
0x1b9: {  	s13 =	simm.s32 $0x80;
	v7 =	vld [tilespmem:s12+$0x5260];
	v4 =	vadd.f32 v59, v11;
	v9 =	vmul.f32 v18, v20  }
0x1ba: {  	s15 =	simm.s32 $0x400;
	v1 =	vld [tilespmem:s13+$0x1270];
	v2 =	vadd.f32 v61, v60;
	v3 =	vadd.f32 v63, v62;
	[tilespmem:s12+$0x7200] =	vst v10;
	v10 =	vmul.f32 v19, v21  }
.LBB2_9:
0x1bb: {  	p0 =	sne.s32 s15, $0x3E00;
	v11 =	vld [tilespmem:s13+$0x3270];
	[tilespmem:s12+$0x7210] =	vst v9;
	v0 =	vmul.f32 v8, v0  }
0x1bc: {  	v8 =	vld [tilespmem:s13+$0x1200];
	[tilespmem:s12+$0x7220] =	vst v10;
	v4 =	vmul.f32 v6, v4  }
0x1bd: {  	v6 =	vld [tilespmem:s13+$0x5270];
	[tilespmem:s12+$0x7230] =	vst v0;
	v0 =	vmul.f32 v5, v2  }
0x1be: {  	v2 =	vld [tilespmem:s13+$0x3200];
	[tilespmem:s12+$0x7240] =	vst v4;
	v3 =	vmul.f32 v7, v3  }
0x1bf: {  	v4 =	vld [tilespmem:s13+$0x1210];
	[tilespmem:s12+$0x7250] =	vst v0  }
0x1c0: {  	v0 =	vld [tilespmem:s13+$0x3210];
	v1 =	vadd.f32 v11, v1;
	[tilespmem:s12+$0x7260] =	vst v3;
	s12 =	smov.u32 s13  }
0x1c1: {  	v3 =	vld [tilespmem:s12+$0x1220]  }
0x1c2: {  	v5 =	vld [tilespmem:s12+$0x3220];
	v1 =	vmul.f32 v6, v1  }
0x1c3: {  	v7 =	vadd.f32 v2, v8;
	v2 =	vld [tilespmem:s12+$0x1230]  }
0x1c4: {  	v6 =	vld [tilespmem:s12+$0x3230];
	[tilespmem:s12+$0x7270] =	vst v1  }
0x1c5: {  	v1 =	vadd.f32 v0, v4;
	v4 =	vld [tilespmem:s12+$0x1240]  }
0x1c6: {  	v8 =	vld [tilespmem:s12+$0x3240]  }
0x1c7: {  	v10 =	vadd.f32 v5, v3;
	v3 =	vld [tilespmem:s12+$0x1250]  }
0x1c8: {  	v5 =	vld [tilespmem:s12+$0x3250]  }
0x1c9: {  	v0 =	vadd.f32 v6, v2;
	v9 =	vld [tilespmem:s12+$0x1260]  }
0x1ca: {  	v11 =	vld [tilespmem:s12+$0x3260]  }
0x1cb: {  	v12 =	vld [tilespmem:s12+$0x5200];
	v4 =	vadd.f32 v8, v4  }
0x1cc: {  	v13 =	vld [tilespmem:s12+$0x5210]  }
0x1cd: {  	v14 =	vld [tilespmem:s12+$0x5220];
	v2 =	vadd.f32 v5, v3  }
.Ltmp3:
0x1ce: {  	v8 =	vld [tilespmem:s12+$0x5230];
	(pc) =	sbr.rel @p0 .LBB2_9-.Ltmp3, $4  }
0x1cf: {  	v6 =	vld [tilespmem:s12+$0x5240];
	v3 =	vadd.f32 v11, v9  }
0x1d0: {  	v11 =	vmul.f32 v12, v7;
	v5 =	vld [tilespmem:s12+$0x5250]  }
0x1d1: {  	s13 =	sshra.s32 s15, $0x2;
	v9 =	vmul.f32 v13, v1;
	v7 =	vld [tilespmem:s12+$0x5260]  }
0x1d2: {  	s15 =	sadd.s32 $0x200, s15;
	v1 =	vld [tilespmem:s13+$0x1270];
	[tilespmem:s12+$0x7200] =	vst v11;
	v10 =	vmul.f32 v14, v10  }
0x1d3: {  	v11 =	vld [tilespmem:s13+$0x3270];
	[tilespmem:s12+$0x7210] =	vst v9;
	v0 =	vmul.f32 v8, v0  }
0x1d4: {  	v9 =	vld [tilespmem:s13+$0x1200];
	[tilespmem:s12+$0x7220] =	vst v10;
	v4 =	vmul.f32 v6, v4  }
0x1d5: {  	v46 =	vld [tilespmem:s13+$0x5270];
	[tilespmem:s12+$0x7230] =	vst v0;
	v2 =	vmul.f32 v5, v2  }
0x1d6: {  	v0 =	vld [tilespmem:s13+$0x3200];
	[tilespmem:s12+$0x7240] =	vst v4;
	v3 =	vmul.f32 v7, v3  }
0x1d7: {  	v4 =	vld [tilespmem:s13+$0x1210];
	[tilespmem:s12+$0x7250] =	vst v2  }
0x1d8: {  	v2 =	vld [tilespmem:s13+$0x3210];
	[tilespmem:s12+$0x7260] =	vst v3  }
0x1d9: {  	v3 =	vld [tilespmem:s13+$0x1220]  }
0x1da: {  	v47 =	vld [tilespmem:s13+$0x3220]  }
0x1db: {  	v48 =	vld [tilespmem:s13+$0x1230]  }
0x1dc: {  	v49 =	vld [tilespmem:s13+$0x3230]  }
0x1dd: {  	v50 =	vld [tilespmem:s13+$0x1240]  }
0x1de: {  	v51 =	vld [tilespmem:s13+$0x3240]  }
0x1df: {  	v10 =	vld [tilespmem:s13+$0x1250]  }
0x1e0: {  	v52 =	vld [tilespmem:s13+$0x3250]  }
0x1e1: {  	v12 =	vld [tilespmem:s13+$0x1260]  }
0x1e2: {  	v13 =	vld [tilespmem:s13+$0x3260]  }
0x1e3: {  	v14 =	vld [tilespmem:s13+$0x5200]  }
0x1e4: {  	v15 =	vld [tilespmem:s13+$0x5210]  }
0x1e5: {  	v1 =	vadd.f32 v11, v1;
	v16 =	vld [tilespmem:s13+$0x5220]  }
0x1e6: {  	v53 =	vld [tilespmem:s13+$0x5230];
	v0 =	vadd.f32 v0, v9  }
0x1e7: {  	v54 =	vld [tilespmem:s13+$0x5240];
	v1 =	vmul.f32 v46, v1;
	v2 =	vadd.f32 v2, v4  }
0x1e8: {  	v55 =	vld [tilespmem:s13+$0x5250];
	v3 =	vadd.f32 v47, v3;
	v0 =	vmul.f32 v14, v0  }
0x1e9: {  	v56 =	vld [tilespmem:s13+$0x5260];
	[tilespmem:s13+$0x7270] =	vst v1;
	v6 =	vadd.f32 v49, v48;
	v2 =	vmul.f32 v15, v2  }
0x1ea: {  	v1 =	vadd.f32 v51, v50;
	[tilespmem:s13+$0x7200] =	vst v0;
	v57 =	vmul.f32 v16, v3  }
0x1eb: {  	v58 =	vadd.f32 v52, v10;
	v59 =	vmul.f32 v53, v6;
	[tilespmem:s13+$0x7210] =	vst v2  }
0x1ec: {  	v60 =	vadd.f32 v13, v12;
	v61 =	vmul.f32 v54, v1;
	[tilespmem:s13+$0x7220] =	vst v57  }
0x1ed: {  	v62 =	vmul.f32 v55, v58;
	[tilespmem:s13+$0x7230] =	vst v59  }
0x1ee: {  	v63 =	vmul.f32 v56, v60;
	[tilespmem:s13+$0x7240] =	vst v61  }
0x1ef: {  	[tilespmem:s13+$0x7250] =	vst v62  }
0x1f0: {  	s15 =	simm.s32 $0x7200;
	s3 =	sadd.s32 $0x1, s3;
	[tilespmem:s13+$0x7260] =	vst v63;
	s13 =	simm.s32 $0x8280  }
0x1f1: {  	[spmem:s2] =	stream.indirect.scatter.add.f32 [tilespmem:s15], [sflag:$0xA], $0x80, s13, s10, $0xb8;
	[tilespmem:$0x1BF00] =	vst v63  }
0x1f2: {  	p0 =	sne.s32 s3, $0x9B;
	s15 =	sadd.s32 s24, s21  }
.Ltmp4:
0x1f3: {  	s12 =	sshrl.u32 s15, $0x3;
	(pc) =	sbr.rel @p0 .LBB2_6-.Ltmp4, $4  }
0x1f4: {  	s24 =	sadd.s32 s1, s12  }
0x1f5: {  	[tilespmem:s17], [sflag:$0x8] =	stream.linear.gather [hbm4b:s24+s4], $0x20, $0x38;
	[tilespmem:$0x1BF00] =	vst v63  }
0x1f6: {  	s12 =	sadd.s32 s8, s12  }
0x1f7: {  	[tilespmem:s18], [sflag:$0x8] =	stream.linear.gather [hbm4b:s12+s4], $0x20, $0x38;
	[tilespmem:$0x1BF00] =	vst v63  }
0x1f8: {  	_ =	swait.ge [sflag:s19], $0x1000  }
0x1f9: {  	[sflag:s19] =	ssyncset.done $0x0  }
0x1fa: {  	[sflag:s19] =	ssyncadd.s32 $0xFFFFF000  }
0x1fb: {  	_ =	swait.ge [sflag:s20], $0x1000  }
0x1fc: {  	[sflag:s20] =	ssyncset.done $0x0  }
0x1fd: {  	[sflag:s20] =	ssyncadd.s32 $0xFFFFF000  }
0x1fe: {  	_ =	swait.ge [sflag:s22], $0x1000  }
0x1ff: {  	[sflag:s22] =	ssyncset.done $0x0  }
0x200: {  	[sflag:s22] =	ssyncadd.s32 $0xFFFFF000  }
0x201: {  	_ =	swait.ge [sflag:s23], $0x20  }
0x202: {  	[sflag:s23] =	ssyncset.done $0x0  }
0x203: {  	[sflag:s23] =	ssyncadd.s32 $0xFFFFFFE0  }
0x204: {  	_ =	swait.ge [sflag:s23], $0x20  }
0x205: {  	[sflag:s23] =	ssyncset.done $0x0  }
0x206: {  	s3 =	simm.s32 $0x1200;
	[sflag:s23] =	ssyncadd.s32 $0xFFFFFFE0  }
0x207: {  	[tilespmem:s3], [sflag:$0x2] =	stream.indirect.gather [hbm4b:s5+s10], $0x80, s18, s10, $0xb8;
	[tilespmem:$0x1BF00] =	vst v63  }
0x208: {  	s15 =	simm.s32 $0x3200  }
0x209: {  	[tilespmem:s15], [sflag:$0x4] =	stream.indirect.gather [hbm4b:s6+s10], $0x80, s17, s10, $0xb8;
	[tilespmem:$0x1BF00] =	vst v63  }
0x20a: {  	s24 =	simm.s32 $0x0;
	s13 =	simm.s32 $0x5200;
	s12 =	rddreg [dreg:$0x12]  }
0x20b: {  	[tilespmem:s13], [sflag:$0x6] =	stream.linear.gather [hbm4b:s12+s24], $0x1000, $0x38;
	[tilespmem:$0x1BF00] =	vst v63  }
0x20c: {  	_ =	swait.ge [sflag:s25], $0x1000  }
0x20d: {  	[sflag:s25] =	ssyncset.done $0x0  }
0x20e: {  	[sflag:s25] =	ssyncadd.s32 $0xFFFFF000  }
0x20f: {  	v0 =	vld [tilespmem:$0x100]  }
0x210: {  	v1 =	vld [tilespmem:$0x110];
	_ =	sdelay $0x3  }
0x211: {  	[tilespmem:$0x8200] =	vst v0  }
0x212: {  	s3 =	simm.s32 $0x0;
	[tilespmem:$0x8210] =	vst v1  }
0x213: {  	v0 =	vld [tilespmem:s3+$0x270]  }
0x214: {  	v1 =	vld [tilespmem:s3+$0x2270]  }
0x215: {  	v2 =	vld [tilespmem:s3+$0x200]  }
0x216: {  	v3 =	vld [tilespmem:s3+$0x4270]  }
0x217: {  	v4 =	vld [tilespmem:s3+$0x2200]  }
0x218: {  	v5 =	vld [tilespmem:s3+$0x210]  }
0x219: {  	v7 =	vld [tilespmem:s3+$0x2210]  }
0x21a: {  	v9 =	vld [tilespmem:s3+$0x2220]  }
0x21b: {  	v10 =	vld [tilespmem:s3+$0x2230]  }
0x21c: {  	v11 =	vld [tilespmem:s3+$0x240]  }
0x21d: {  	v12 =	vld [tilespmem:s3+$0x2240]  }
0x21e: {  	v13 =	vld [tilespmem:s3+$0x250]  }
0x21f: {  	v14 =	vld [tilespmem:s3+$0x2250]  }
0x220: {  	v15 =	vld [tilespmem:s3+$0x260]  }
0x221: {  	v16 =	vld [tilespmem:s3+$0x2260]  }
0x222: {  	v17 =	vld [tilespmem:s3+$0x4200];
	v0 =	vadd.f32 v1, v0  }
0x223: {  	v1 =	vld [tilespmem:s3+$0x220]  }
0x224: {  	v0 =	vmul.f32 v3, v0;
	v3 =	vld [tilespmem:s3+$0x230]  }
0x225: {  	v18 =	vld [tilespmem:s3+$0x4210]  }
0x226: {  	v19 =	vld [tilespmem:s3+$0x4220]  }
0x227: {  	v8 =	vld [tilespmem:s3+$0x4230];
	v2 =	vadd.f32 v4, v2  }
0x228: {  	v6 =	vld [tilespmem:s3+$0x4240];
	v20 =	vadd.f32 v7, v5  }
0x229: {  	v5 =	vld [tilespmem:s3+$0x4250];
	[tilespmem:s3+$0x6270] =	vst v0;
	v21 =	vadd.f32 v9, v1;
	v0 =	vadd.f32 v10, v3;
	v10 =	vmul.f32 v17, v2  }
0x22a: {  	s12 =	simm.s32 $0x80;
	v7 =	vld [tilespmem:s3+$0x4260];
	v4 =	vadd.f32 v12, v11;
	v9 =	vmul.f32 v18, v20  }
0x22b: {  	s13 =	simm.s32 $0x400;
	v1 =	vld [tilespmem:s12+$0x270];
	v2 =	vadd.f32 v14, v13;
	v3 =	vadd.f32 v16, v15;
	[tilespmem:s3+$0x6200] =	vst v10;
	v10 =	vmul.f32 v19, v21  }
.LBB2_12:
0x22c: {  	p0 =	sne.s32 s13, $0x3E00;
	v11 =	vld [tilespmem:s12+$0x2270];
	[tilespmem:s3+$0x6210] =	vst v9;
	v0 =	vmul.f32 v8, v0  }
0x22d: {  	v8 =	vld [tilespmem:s12+$0x200];
	[tilespmem:s3+$0x6220] =	vst v10;
	v4 =	vmul.f32 v6, v4  }
0x22e: {  	v6 =	vld [tilespmem:s12+$0x4270];
	[tilespmem:s3+$0x6230] =	vst v0;
	v0 =	vmul.f32 v5, v2  }
0x22f: {  	v2 =	vld [tilespmem:s12+$0x2200];
	[tilespmem:s3+$0x6240] =	vst v4;
	v3 =	vmul.f32 v7, v3  }
0x230: {  	v4 =	vld [tilespmem:s12+$0x210];
	[tilespmem:s3+$0x6250] =	vst v0  }
0x231: {  	v0 =	vld [tilespmem:s12+$0x2210];
	v1 =	vadd.f32 v11, v1;
	[tilespmem:s3+$0x6260] =	vst v3;
	s3 =	smov.u32 s12  }
0x232: {  	v3 =	vld [tilespmem:s3+$0x220]  }
0x233: {  	v5 =	vld [tilespmem:s3+$0x2220];
	v1 =	vmul.f32 v6, v1  }
0x234: {  	v7 =	vadd.f32 v2, v8;
	v2 =	vld [tilespmem:s3+$0x230]  }
0x235: {  	v6 =	vld [tilespmem:s3+$0x2230];
	[tilespmem:s3+$0x6270] =	vst v1  }
0x236: {  	v1 =	vadd.f32 v0, v4;
	v4 =	vld [tilespmem:s3+$0x240]  }
0x237: {  	v8 =	vld [tilespmem:s3+$0x2240]  }
0x238: {  	v10 =	vadd.f32 v5, v3;
	v3 =	vld [tilespmem:s3+$0x250]  }
0x239: {  	v5 =	vld [tilespmem:s3+$0x2250]  }
0x23a: {  	v0 =	vadd.f32 v6, v2;
	v9 =	vld [tilespmem:s3+$0x260]  }
0x23b: {  	v11 =	vld [tilespmem:s3+$0x2260]  }
0x23c: {  	v12 =	vld [tilespmem:s3+$0x4200];
	v4 =	vadd.f32 v8, v4  }
0x23d: {  	v13 =	vld [tilespmem:s3+$0x4210]  }
0x23e: {  	v14 =	vld [tilespmem:s3+$0x4220];
	v2 =	vadd.f32 v5, v3  }
.Ltmp5:
0x23f: {  	v8 =	vld [tilespmem:s3+$0x4230];
	(pc) =	sbr.rel @p0 .LBB2_12-.Ltmp5, $4  }
0x240: {  	v6 =	vld [tilespmem:s3+$0x4240];
	v3 =	vadd.f32 v11, v9  }
0x241: {  	v11 =	vmul.f32 v12, v7;
	v5 =	vld [tilespmem:s3+$0x4250]  }
0x242: {  	s12 =	sshra.s32 s13, $0x2;
	v9 =	vmul.f32 v13, v1;
	v7 =	vld [tilespmem:s3+$0x4260]  }
0x243: {  	s13 =	sadd.s32 $0x200, s13;
	v1 =	vld [tilespmem:s12+$0x270];
	[tilespmem:s3+$0x6200] =	vst v11;
	v10 =	vmul.f32 v14, v10  }
0x244: {  	v11 =	vld [tilespmem:s12+$0x2270];
	[tilespmem:s3+$0x6210] =	vst v9;
	v0 =	vmul.f32 v8, v0  }
0x245: {  	v9 =	vld [tilespmem:s12+$0x200];
	[tilespmem:s3+$0x6220] =	vst v10;
	v4 =	vmul.f32 v6, v4  }
0x246: {  	v8 =	vld [tilespmem:s12+$0x4270];
	[tilespmem:s3+$0x6230] =	vst v0;
	v2 =	vmul.f32 v5, v2  }
0x247: {  	v0 =	vld [tilespmem:s12+$0x2200];
	[tilespmem:s3+$0x6240] =	vst v4;
	v3 =	vmul.f32 v7, v3  }
0x248: {  	v4 =	vld [tilespmem:s12+$0x210];
	[tilespmem:s3+$0x6250] =	vst v2  }
0x249: {  	v2 =	vld [tilespmem:s12+$0x2210];
	[tilespmem:s3+$0x6260] =	vst v3  }
0x24a: {  	v3 =	vld [tilespmem:s12+$0x220]  }
0x24b: {  	v5 =	vld [tilespmem:s12+$0x2220]  }
0x24c: {  	v6 =	vld [tilespmem:s12+$0x230]  }
0x24d: {  	v7 =	vld [tilespmem:s12+$0x2230]  }
0x24e: {  	v10 =	vld [tilespmem:s12+$0x250]  }
0x24f: {  	v1 =	vadd.f32 v11, v1;
	v11 =	vld [tilespmem:s12+$0x2250]  }
0x250: {  	v12 =	vld [tilespmem:s12+$0x260]  }
0x251: {  	v13 =	vld [tilespmem:s12+$0x2260]  }
0x252: {  	v14 =	vld [tilespmem:s12+$0x4200]  }
0x253: {  	v15 =	vld [tilespmem:s12+$0x4210]  }
0x254: {  	v16 =	vld [tilespmem:s12+$0x4220];
	v1 =	vmul.f32 v8, v1  }
0x255: {  	v8 =	vld [tilespmem:s12+$0x2240]  }
0x256: {  	[tilespmem:s12+$0x6270] =	vst v1;
	v1 =	vld [tilespmem:s12+$0x240]  }
0x257: {  	v0 =	vadd.f32 v0, v9;
	v9 =	vld [tilespmem:s12+$0x4230]  }
0x258: {  	v2 =	vadd.f32 v2, v4;
	v4 =	vld [tilespmem:s12+$0x4240]  }
0x259: {  	v3 =	vadd.f32 v5, v3;
	v0 =	vmul.f32 v14, v0;
	v5 =	vld [tilespmem:s12+$0x4250]  }
0x25a: {  	v6 =	vadd.f32 v7, v6;
	v7 =	vld [tilespmem:s12+$0x4260];
	v2 =	vmul.f32 v15, v2  }
0x25b: {  	[tilespmem:s12+$0x6200] =	vst v0;
	v0 =	vmul.f32 v16, v3;
	v1 =	vadd.f32 v8, v1  }
0x25c: {  	v3 =	vadd.f32 v11, v10;
	[tilespmem:s12+$0x6210] =	vst v2;
	v2 =	vmul.f32 v9, v6  }
0x25d: {  	v6 =	vadd.f32 v13, v12;
	[tilespmem:s12+$0x6220] =	vst v0;
	v0 =	vmul.f32 v4, v1  }
0x25e: {  	[tilespmem:s12+$0x6230] =	vst v2;
	v1 =	vmul.f32 v5, v3  }
0x25f: {  	[tilespmem:s12+$0x6240] =	vst v0;
	v0 =	vmul.f32 v7, v6  }
0x260: {  	[tilespmem:s12+$0x6250] =	vst v1  }
0x261: {  	s13 =	simm.s32 $0x8200;
	[tilespmem:s12+$0x6260] =	vst v0  }
0x262: {  	[spmem:s2] =	stream.indirect.scatter.add.f32 [tilespmem:s29], [sflag:$0x9], $0x80, s13, s10, $0xb8;
	[tilespmem:$0x1BF00] =	vst v63  }
0x263: {  	s15 =	rddreg [dreg:$0x13];
	s3 =	simm.s32 $0x0  }
0x264: {  	[tilespmem:s3], [sflag:$0x7] =	stream.linear.gather [hbm4b:s15+s3], $0x20, $0x38;
	[tilespmem:$0x1BF00] =	vst v63  }
0x265: {  	s24 =	rddreg [dreg:$0x14]  }
0x266: {  	[tilespmem:s9], [sflag:$0x7] =	stream.linear.gather [hbm4b:s24+s3], $0x20, $0x38;
	[tilespmem:$0x1BF00] =	vst v63  }
0x267: {  	_ =	swait.ge [sflag:s30], $0x1000  }
0x268: {  	[sflag:s30] =	ssyncset.done $0x0  }
0x269: {  	[sflag:s30] =	ssyncadd.s32 $0xFFFFF000  }
0x26a: {  	_ =	swait.ge [sflag:s31], $0x1000  }
0x26b: {  	[sflag:s31] =	ssyncset.done $0x0  }
0x26c: {  	[sflag:s31] =	ssyncadd.s32 $0xFFFFF000  }
0x26d: {  	_ =	swait.ge [sflag:s0], $0x1000  }
0x26e: {  	[sflag:s0] =	ssyncset.done $0x0  }
0x26f: {  	[sflag:s0] =	ssyncadd.s32 $0xFFFFF000  }
0x270: {  	_ =	swait.ge [sflag:s11], $0x20  }
0x271: {  	[sflag:s11] =	ssyncset.done $0x0  }
0x272: {  	[sflag:s11] =	ssyncadd.s32 $0xFFFFFFE0  }
0x273: {  	_ =	swait.ge [sflag:s11], $0x20  }
0x274: {  	[sflag:s11] =	ssyncset.done $0x0  }
0x275: {  	s13 =	simm.s32 $0x200;
	[sflag:s11] =	ssyncadd.s32 $0xFFFFFFE0  }
0x276: {  	[tilespmem:s13], [sflag:$0x1] =	stream.indirect.gather [hbm4b:s5+s10], $0x80, s9, s10, $0xb8;
	[tilespmem:$0x1BF00] =	vst v63  }
0x277: {  	s15 =	simm.s32 $0x2200  }
0x278: {  	[tilespmem:s15], [sflag:$0x3] =	stream.indirect.gather [hbm4b:s6+s10], $0x80, s3, s10, $0xb8;
	[tilespmem:$0x1BF00] =	vst v63  }
0x279: {  	s24 =	rddreg [dreg:$0x15];
	s13 =	simm.s32 $0x4200  }
0x27a: {  	[tilespmem:s13], [sflag:$0x5] =	stream.linear.gather [hbm4b:s24+s3], $0x1000, $0x38;
	[tilespmem:$0x1BF00] =	vst v63  }
0x27b: {  	_ =	swait.ge [sflag:s26], $0x1000  }
0x27c: {  	[sflag:s26] =	ssyncset.done $0x0  }
0x27d: {  	[sflag:s26] =	ssyncadd.s32 $0xFFFFF000  }
0x27e: {  	v0 =	vld [tilespmem:$0x180]  }
0x27f: {  	v1 =	vld [tilespmem:$0x190];
	_ =	sdelay $0x3  }
0x280: {  	[tilespmem:$0x8280] =	vst v0  }
0x281: {  	s3 =	simm.s32 $0x0;
	[tilespmem:$0x8290] =	vst v1  }
0x282: {  	v0 =	vld [tilespmem:s3+$0x1270]  }
0x283: {  	v1 =	vld [tilespmem:s3+$0x3270]  }
0x284: {  	v2 =	vld [tilespmem:s3+$0x1200]  }
0x285: {  	v3 =	vld [tilespmem:s3+$0x5270]  }
0x286: {  	v4 =	vld [tilespmem:s3+$0x3200]  }
0x287: {  	v5 =	vld [tilespmem:s3+$0x1210]  }
0x288: {  	v7 =	vld [tilespmem:s3+$0x3210]  }
0x289: {  	v9 =	vld [tilespmem:s3+$0x3220]  }
0x28a: {  	v10 =	vld [tilespmem:s3+$0x3230]  }
0x28b: {  	v11 =	vld [tilespmem:s3+$0x1240]  }
0x28c: {  	v59 =	vld [tilespmem:s3+$0x3240]  }
0x28d: {  	v60 =	vld [tilespmem:s3+$0x1250]  }
0x28e: {  	v61 =	vld [tilespmem:s3+$0x3250]  }
0x28f: {  	v62 =	vld [tilespmem:s3+$0x1260]  }
0x290: {  	v63 =	vld [tilespmem:s3+$0x3260]  }
0x291: {  	v17 =	vld [tilespmem:s3+$0x5200];
	v0 =	vadd.f32 v1, v0  }
0x292: {  	v1 =	vld [tilespmem:s3+$0x1220]  }
0x293: {  	v0 =	vmul.f32 v3, v0;
	v3 =	vld [tilespmem:s3+$0x1230]  }
0x294: {  	v18 =	vld [tilespmem:s3+$0x5210]  }
0x295: {  	v19 =	vld [tilespmem:s3+$0x5220]  }
0x296: {  	v8 =	vld [tilespmem:s3+$0x5230];
	v2 =	vadd.f32 v4, v2  }
0x297: {  	v6 =	vld [tilespmem:s3+$0x5240];
	v20 =	vadd.f32 v7, v5  }
0x298: {  	v5 =	vld [tilespmem:s3+$0x5250];
	[tilespmem:s3+$0x7270] =	vst v0;
	v21 =	vadd.f32 v9, v1;
	v0 =	vadd.f32 v10, v3;
	v10 =	vmul.f32 v17, v2  }
0x299: {  	s12 =	simm.s32 $0x80;
	v7 =	vld [tilespmem:s3+$0x5260];
	v4 =	vadd.f32 v59, v11;
	v9 =	vmul.f32 v18, v20  }
0x29a: {  	s13 =	simm.s32 $0x400;
	s15 =	rddreg [dreg:$0x6];
	v1 =	vld [tilespmem:s12+$0x1270];
	v2 =	vadd.f32 v61, v60;
	v3 =	vadd.f32 v63, v62;
	[tilespmem:s3+$0x7200] =	vst v10;
	v10 =	vmul.f32 v19, v21  }
.LBB2_14:
0x29b: {  	p0 =	sne.s32 s13, $0x3E00;
	v11 =	vld [tilespmem:s12+$0x3270];
	[tilespmem:s3+$0x7210] =	vst v9;
	v0 =	vmul.f32 v8, v0  }
0x29c: {  	v8 =	vld [tilespmem:s12+$0x1200];
	[tilespmem:s3+$0x7220] =	vst v10;
	v4 =	vmul.f32 v6, v4  }
0x29d: {  	v6 =	vld [tilespmem:s12+$0x5270];
	[tilespmem:s3+$0x7230] =	vst v0;
	v0 =	vmul.f32 v5, v2  }
0x29e: {  	v2 =	vld [tilespmem:s12+$0x3200];
	[tilespmem:s3+$0x7240] =	vst v4;
	v3 =	vmul.f32 v7, v3  }
0x29f: {  	v4 =	vld [tilespmem:s12+$0x1210];
	[tilespmem:s3+$0x7250] =	vst v0  }
0x2a0: {  	v0 =	vld [tilespmem:s12+$0x3210];
	v1 =	vadd.f32 v11, v1;
	[tilespmem:s3+$0x7260] =	vst v3;
	s3 =	smov.u32 s12  }
0x2a1: {  	v3 =	vld [tilespmem:s3+$0x1220]  }
0x2a2: {  	v5 =	vld [tilespmem:s3+$0x3220];
	v1 =	vmul.f32 v6, v1  }
0x2a3: {  	v7 =	vadd.f32 v2, v8;
	v2 =	vld [tilespmem:s3+$0x1230]  }
0x2a4: {  	v6 =	vld [tilespmem:s3+$0x3230];
	[tilespmem:s3+$0x7270] =	vst v1  }
0x2a5: {  	v1 =	vadd.f32 v0, v4;
	v4 =	vld [tilespmem:s3+$0x1240]  }
0x2a6: {  	v8 =	vld [tilespmem:s3+$0x3240]  }
0x2a7: {  	v10 =	vadd.f32 v5, v3;
	v3 =	vld [tilespmem:s3+$0x1250]  }
0x2a8: {  	v5 =	vld [tilespmem:s3+$0x3250]  }
0x2a9: {  	v0 =	vadd.f32 v6, v2;
	v9 =	vld [tilespmem:s3+$0x1260]  }
0x2aa: {  	v11 =	vld [tilespmem:s3+$0x3260]  }
0x2ab: {  	v12 =	vld [tilespmem:s3+$0x5200];
	v4 =	vadd.f32 v8, v4  }
0x2ac: {  	v13 =	vld [tilespmem:s3+$0x5210]  }
0x2ad: {  	v14 =	vld [tilespmem:s3+$0x5220];
	v2 =	vadd.f32 v5, v3  }
.Ltmp6:
0x2ae: {  	v8 =	vld [tilespmem:s3+$0x5230];
	(pc) =	sbr.rel @p0 .LBB2_14-.Ltmp6, $4  }
0x2af: {  	v6 =	vld [tilespmem:s3+$0x5240];
	v3 =	vadd.f32 v11, v9  }
0x2b0: {  	v11 =	vmul.f32 v12, v7;
	v5 =	vld [tilespmem:s3+$0x5250]  }
0x2b1: {  	s12 =	sshra.s32 s13, $0x2;
	v9 =	vmul.f32 v13, v1;
	v7 =	vld [tilespmem:s3+$0x5260]  }
0x2b2: {  	s13 =	sadd.s32 $0x200, s13;
	v1 =	vld [tilespmem:s12+$0x1270];
	[tilespmem:s3+$0x7200] =	vst v11;
	v10 =	vmul.f32 v14, v10  }
0x2b3: {  	v11 =	vld [tilespmem:s12+$0x3270];
	[tilespmem:s3+$0x7210] =	vst v9;
	v0 =	vmul.f32 v8, v0  }
0x2b4: {  	v9 =	vld [tilespmem:s12+$0x1200];
	[tilespmem:s3+$0x7220] =	vst v10;
	v4 =	vmul.f32 v6, v4  }
0x2b5: {  	v8 =	vld [tilespmem:s12+$0x5270];
	[tilespmem:s3+$0x7230] =	vst v0;
	v2 =	vmul.f32 v5, v2  }
0x2b6: {  	v0 =	vld [tilespmem:s12+$0x3200];
	[tilespmem:s3+$0x7240] =	vst v4;
	v3 =	vmul.f32 v7, v3  }
0x2b7: {  	v4 =	vld [tilespmem:s12+$0x1210];
	[tilespmem:s3+$0x7250] =	vst v2  }
0x2b8: {  	v2 =	vld [tilespmem:s12+$0x3210];
	[tilespmem:s3+$0x7260] =	vst v3  }
0x2b9: {  	v3 =	vld [tilespmem:s12+$0x1220]  }
0x2ba: {  	v5 =	vld [tilespmem:s12+$0x3220]  }
0x2bb: {  	v6 =	vld [tilespmem:s12+$0x1230]  }
0x2bc: {  	v7 =	vld [tilespmem:s12+$0x3230]  }
0x2bd: {  	v10 =	vld [tilespmem:s12+$0x1250]  }
0x2be: {  	v1 =	vadd.f32 v11, v1;
	v11 =	vld [tilespmem:s12+$0x3250]  }
0x2bf: {  	v12 =	vld [tilespmem:s12+$0x1260]  }
0x2c0: {  	v13 =	vld [tilespmem:s12+$0x3260]  }
0x2c1: {  	v14 =	vld [tilespmem:s12+$0x5200]  }
0x2c2: {  	v15 =	vld [tilespmem:s12+$0x5210]  }
0x2c3: {  	v16 =	vld [tilespmem:s12+$0x5220];
	v1 =	vmul.f32 v8, v1  }
0x2c4: {  	v8 =	vld [tilespmem:s12+$0x3240]  }
0x2c5: {  	[tilespmem:s12+$0x7270] =	vst v1;
	v1 =	vld [tilespmem:s12+$0x1240]  }
0x2c6: {  	v0 =	vadd.f32 v0, v9;
	v9 =	vld [tilespmem:s12+$0x5230]  }
0x2c7: {  	v2 =	vadd.f32 v2, v4;
	v4 =	vld [tilespmem:s12+$0x5240]  }
0x2c8: {  	v3 =	vadd.f32 v5, v3;
	v0 =	vmul.f32 v14, v0;
	v5 =	vld [tilespmem:s12+$0x5250]  }
0x2c9: {  	v6 =	vadd.f32 v7, v6;
	v7 =	vld [tilespmem:s12+$0x5260];
	v2 =	vmul.f32 v15, v2  }
0x2ca: {  	[tilespmem:s12+$0x7200] =	vst v0;
	v0 =	vmul.f32 v16, v3;
	v1 =	vadd.f32 v8, v1  }
0x2cb: {  	v3 =	vadd.f32 v11, v10;
	[tilespmem:s12+$0x7210] =	vst v2;
	v2 =	vmul.f32 v9, v6  }
0x2cc: {  	v6 =	vadd.f32 v13, v12;
	[tilespmem:s12+$0x7220] =	vst v0;
	v0 =	vmul.f32 v4, v1  }
0x2cd: {  	[tilespmem:s12+$0x7230] =	vst v2;
	v1 =	vmul.f32 v5, v3  }
0x2ce: {  	[tilespmem:s12+$0x7240] =	vst v0;
	v0 =	vmul.f32 v7, v6  }
0x2cf: {  	[tilespmem:s12+$0x7250] =	vst v1  }
0x2d0: {  	s13 =	simm.s32 $0x8280;
	s24 =	simm.s32 $0x7200;
	[tilespmem:s12+$0x7260] =	vst v0  }
0x2d1: {  	[spmem:s2] =	stream.indirect.scatter.add.f32 [tilespmem:s24], [sflag:$0xA], $0x80, s13, s10, $0xb8;
	[tilespmem:$0x1BF00] =	vst v63  }
0x2d2: {  	_ =	swait.ge [sflag:s19], $0x1000  }
0x2d3: {  	[sflag:s19] =	ssyncset.done $0x0  }
0x2d4: {  	[sflag:s19] =	ssyncadd.s32 $0xFFFFF000  }
0x2d5: {  	_ =	swait.ge [sflag:s20], $0x1000  }
0x2d6: {  	[sflag:s20] =	ssyncset.done $0x0  }
0x2d7: {  	[sflag:s20] =	ssyncadd.s32 $0xFFFFF000  }
0x2d8: {  	_ =	swait.ge [sflag:s22], $0x1000  }
0x2d9: {  	[sflag:s22] =	ssyncset.done $0x0  }
0x2da: {  	[sflag:s22] =	ssyncadd.s32 $0xFFFFF000  }
0x2db: {  	_ =	swait.ge [sflag:s25], $0x1000  }
0x2dc: {  	[sflag:s25] =	ssyncset.done $0x0  }
0x2dd: {  	[sflag:s25] =	ssyncadd.s32 $0xFFFFF000  }
0x2de: {  	v0 =	vld [tilespmem:$0x100]  }
0x2df: {  	v1 =	vld [tilespmem:$0x110];
	_ =	sdelay $0x3  }
0x2e0: {  	[tilespmem:$0x8200] =	vst v0  }
0x2e1: {  	s3 =	simm.s32 $0x0;
	[tilespmem:$0x8210] =	vst v1  }
0x2e2: {  	v0 =	vld [tilespmem:s3+$0x270]  }
0x2e3: {  	v1 =	vld [tilespmem:s3+$0x2270]  }
0x2e4: {  	v2 =	vld [tilespmem:s3+$0x200]  }
0x2e5: {  	v3 =	vld [tilespmem:s3+$0x4270]  }
0x2e6: {  	v4 =	vld [tilespmem:s3+$0x2200]  }
0x2e7: {  	v5 =	vld [tilespmem:s3+$0x210]  }
0x2e8: {  	v7 =	vld [tilespmem:s3+$0x2210]  }
0x2e9: {  	v9 =	vld [tilespmem:s3+$0x2220]  }
0x2ea: {  	v10 =	vld [tilespmem:s3+$0x2230]  }
0x2eb: {  	v11 =	vld [tilespmem:s3+$0x240]  }
0x2ec: {  	v59 =	vld [tilespmem:s3+$0x2240]  }
0x2ed: {  	v60 =	vld [tilespmem:s3+$0x250]  }
0x2ee: {  	v61 =	vld [tilespmem:s3+$0x2250]  }
0x2ef: {  	v62 =	vld [tilespmem:s3+$0x260]  }
0x2f0: {  	v63 =	vld [tilespmem:s3+$0x2260]  }
0x2f1: {  	v17 =	vld [tilespmem:s3+$0x4200];
	v0 =	vadd.f32 v1, v0  }
0x2f2: {  	v1 =	vld [tilespmem:s3+$0x220]  }
0x2f3: {  	v0 =	vmul.f32 v3, v0;
	v3 =	vld [tilespmem:s3+$0x230]  }
0x2f4: {  	v18 =	vld [tilespmem:s3+$0x4210]  }
0x2f5: {  	v19 =	vld [tilespmem:s3+$0x4220]  }
0x2f6: {  	v8 =	vld [tilespmem:s3+$0x4230];
	v2 =	vadd.f32 v4, v2  }
0x2f7: {  	v6 =	vld [tilespmem:s3+$0x4240];
	v20 =	vadd.f32 v7, v5  }
0x2f8: {  	v5 =	vld [tilespmem:s3+$0x4250];
	[tilespmem:s3+$0x6270] =	vst v0;
	v21 =	vadd.f32 v9, v1;
	v0 =	vadd.f32 v10, v3;
	v10 =	vmul.f32 v17, v2  }
0x2f9: {  	s12 =	simm.s32 $0x80;
	v7 =	vld [tilespmem:s3+$0x4260];
	v4 =	vadd.f32 v59, v11;
	v9 =	vmul.f32 v18, v20  }
0x2fa: {  	s13 =	simm.s32 $0x400;
	v1 =	vld [tilespmem:s12+$0x270];
	v2 =	vadd.f32 v61, v60;
	v3 =	vadd.f32 v63, v62;
	[tilespmem:s3+$0x6200] =	vst v10;
	v10 =	vmul.f32 v19, v21  }
.LBB2_16:
0x2fb: {  	p0 =	sne.s32 s13, $0x3E00;
	v11 =	vld [tilespmem:s12+$0x2270];
	[tilespmem:s3+$0x6210] =	vst v9;
	v0 =	vmul.f32 v8, v0  }
0x2fc: {  	v8 =	vld [tilespmem:s12+$0x200];
	[tilespmem:s3+$0x6220] =	vst v10;
	v4 =	vmul.f32 v6, v4  }
0x2fd: {  	v6 =	vld [tilespmem:s12+$0x4270];
	[tilespmem:s3+$0x6230] =	vst v0;
	v0 =	vmul.f32 v5, v2  }
0x2fe: {  	v2 =	vld [tilespmem:s12+$0x2200];
	[tilespmem:s3+$0x6240] =	vst v4;
	v3 =	vmul.f32 v7, v3  }
0x2ff: {  	v4 =	vld [tilespmem:s12+$0x210];
	[tilespmem:s3+$0x6250] =	vst v0  }
0x300: {  	v0 =	vld [tilespmem:s12+$0x2210];
	v1 =	vadd.f32 v11, v1;
	[tilespmem:s3+$0x6260] =	vst v3;
	s3 =	smov.u32 s12  }
0x301: {  	v3 =	vld [tilespmem:s3+$0x220]  }
0x302: {  	v5 =	vld [tilespmem:s3+$0x2220];
	v1 =	vmul.f32 v6, v1  }
0x303: {  	v7 =	vadd.f32 v2, v8;
	v2 =	vld [tilespmem:s3+$0x230]  }
0x304: {  	v6 =	vld [tilespmem:s3+$0x2230];
	[tilespmem:s3+$0x6270] =	vst v1  }
0x305: {  	v1 =	vadd.f32 v0, v4;
	v4 =	vld [tilespmem:s3+$0x240]  }
0x306: {  	v8 =	vld [tilespmem:s3+$0x2240]  }
0x307: {  	v10 =	vadd.f32 v5, v3;
	v3 =	vld [tilespmem:s3+$0x250]  }
0x308: {  	v5 =	vld [tilespmem:s3+$0x2250]  }
0x309: {  	v0 =	vadd.f32 v6, v2;
	v9 =	vld [tilespmem:s3+$0x260]  }
0x30a: {  	v11 =	vld [tilespmem:s3+$0x2260]  }
0x30b: {  	v12 =	vld [tilespmem:s3+$0x4200];
	v4 =	vadd.f32 v8, v4  }
0x30c: {  	v13 =	vld [tilespmem:s3+$0x4210]  }
0x30d: {  	v14 =	vld [tilespmem:s3+$0x4220];
	v2 =	vadd.f32 v5, v3  }
.Ltmp7:
0x30e: {  	v8 =	vld [tilespmem:s3+$0x4230];
	(pc) =	sbr.rel @p0 .LBB2_16-.Ltmp7, $4  }
0x30f: {  	v6 =	vld [tilespmem:s3+$0x4240];
	v3 =	vadd.f32 v11, v9  }
0x310: {  	v11 =	vmul.f32 v12, v7;
	v5 =	vld [tilespmem:s3+$0x4250]  }
0x311: {  	s12 =	sshra.s32 s13, $0x2;
	v9 =	vmul.f32 v13, v1;
	v7 =	vld [tilespmem:s3+$0x4260]  }
0x312: {  	s13 =	sadd.s32 $0x200, s13;
	v1 =	vld [tilespmem:s12+$0x270];
	[tilespmem:s3+$0x6200] =	vst v11;
	v10 =	vmul.f32 v14, v10  }
0x313: {  	v11 =	vld [tilespmem:s12+$0x2270];
	[tilespmem:s3+$0x6210] =	vst v9;
	v0 =	vmul.f32 v8, v0  }
0x314: {  	v9 =	vld [tilespmem:s12+$0x200];
	[tilespmem:s3+$0x6220] =	vst v10;
	v4 =	vmul.f32 v6, v4  }
0x315: {  	v46 =	vld [tilespmem:s12+$0x4270];
	[tilespmem:s3+$0x6230] =	vst v0;
	v2 =	vmul.f32 v5, v2  }
0x316: {  	v0 =	vld [tilespmem:s12+$0x2200];
	[tilespmem:s3+$0x6240] =	vst v4;
	v3 =	vmul.f32 v7, v3  }
0x317: {  	v4 =	vld [tilespmem:s12+$0x210];
	[tilespmem:s3+$0x6250] =	vst v2  }
0x318: {  	v2 =	vld [tilespmem:s12+$0x2210];
	[tilespmem:s3+$0x6260] =	vst v3  }
0x319: {  	v3 =	vld [tilespmem:s12+$0x220]  }
0x31a: {  	v47 =	vld [tilespmem:s12+$0x2220]  }
0x31b: {  	v48 =	vld [tilespmem:s12+$0x230]  }
0x31c: {  	v49 =	vld [tilespmem:s12+$0x2230]  }
0x31d: {  	v50 =	vld [tilespmem:s12+$0x240]  }
0x31e: {  	v51 =	vld [tilespmem:s12+$0x2240]  }
0x31f: {  	v10 =	vld [tilespmem:s12+$0x250]  }
0x320: {  	v52 =	vld [tilespmem:s12+$0x2250]  }
0x321: {  	v12 =	vld [tilespmem:s12+$0x260]  }
0x322: {  	v13 =	vld [tilespmem:s12+$0x2260]  }
0x323: {  	v14 =	vld [tilespmem:s12+$0x4200]  }
0x324: {  	v15 =	vld [tilespmem:s12+$0x4210]  }
0x325: {  	v1 =	vadd.f32 v11, v1;
	v16 =	vld [tilespmem:s12+$0x4220]  }
0x326: {  	v53 =	vld [tilespmem:s12+$0x4230];
	v0 =	vadd.f32 v0, v9  }
0x327: {  	v54 =	vld [tilespmem:s12+$0x4240];
	v1 =	vmul.f32 v46, v1;
	v2 =	vadd.f32 v2, v4  }
0x328: {  	v55 =	vld [tilespmem:s12+$0x4250];
	v3 =	vadd.f32 v47, v3;
	v0 =	vmul.f32 v14, v0  }
0x329: {  	v56 =	vld [tilespmem:s12+$0x4260];
	[tilespmem:s12+$0x6270] =	vst v1;
	v6 =	vadd.f32 v49, v48;
	v2 =	vmul.f32 v15, v2  }
0x32a: {  	v1 =	vadd.f32 v51, v50;
	[tilespmem:s12+$0x6200] =	vst v0;
	v57 =	vmul.f32 v16, v3  }
0x32b: {  	v58 =	vadd.f32 v52, v10;
	v59 =	vmul.f32 v53, v6;
	[tilespmem:s12+$0x6210] =	vst v2  }
0x32c: {  	v60 =	vadd.f32 v13, v12;
	v61 =	vmul.f32 v54, v1;
	[tilespmem:s12+$0x6220] =	vst v57  }
0x32d: {  	v62 =	vmul.f32 v55, v58;
	[tilespmem:s12+$0x6230] =	vst v59  }
0x32e: {  	v63 =	vmul.f32 v56, v60;
	[tilespmem:s12+$0x6240] =	vst v61  }
0x32f: {  	[tilespmem:s12+$0x6250] =	vst v62  }
0x330: {  	s24 =	simm.s32 $0x8200;
	[tilespmem:s12+$0x6260] =	vst v63  }
0x331: {  	[spmem:s2] =	stream.indirect.scatter.add.f32 [tilespmem:s29], [sflag:$0x9], $0x80, s24, s10, $0xb8;
	[tilespmem:$0x1BF00] =	vst v63  }
0x332: {  	_ =	swait.ge [sflag:s26], $0x1000  }
0x333: {  	[sflag:s26] =	ssyncset.done $0x0  }
0x334: {  	[sflag:s26] =	ssyncadd.s32 $0xFFFFF000  }
0x335: {  	_ =	swait.ge [sflag:s25], $0x1000  }
0x336: {  	[sflag:s25] =	ssyncset.done $0x0  }
0x337: {  	[sflag:s25] =	ssyncadd.s32 $0xFFFFF000  }
0x338: {  	[bflag:$0x0] =	sbarrier.arrive $0xFFFF  }
0x339: {  	s12 =	rddreg [dreg:$0x16]  }
0x33a: {  	s13 =	rddreg [dreg:$0x19]  }
0x33b: {  	[hbm:s12], [sflag:s15] =	dma.local [spmem:s13], $0x2780  }
0x33c: {  	s12 =	simm.s32 $0xB  }
0x33d: {  	_ =	swait.ge [sflag:s12], $0x2780  }
0x33e: {  	s13 =	rddreg [dreg:$0x18]  }
0x33f: {  	s24 =	rddreg [dreg:$0x17];
	s13 =	sadd.s32 $0x1, s13  }
0x340: {  	p0 =	sne.s32 s13, s24  }
.Ltmp8:
0x341: {  	_ = 	snop;
	(pc) =	sbr.rel @p0 .LBB2_1-.Ltmp8, $3  }
0x342: {  	_ =	sdelay $0x1  }
0x343: {  	[sflag:s12] =	ssyncset.done $0x0  }
0x344: {  	[sflag:s12] =	ssyncadd.s32 $0xFFFFD880  }
0x345: {  	_ =	sfence.sel $0x180000  }
0x346: {  	[bflag:$0x0] =	sbarrier.arrive $0xFFFF  }
0x347: {  	_ =	strace $0x90000047  }
0x348: {  	s0 =	stileid.u32;
	[bflag:$0x2] =	sbarrier.arrive $0xFFFF  }
0x349: {  	p0 =	sne.s32 s0, $0x0;
	s0 =	rddreg [dreg:$0x3]  }
0x34a: {  	s0 =	sadd.s32 @!p0 $0x100000, s0  }
0x34b: {  	[sflag:s0] =	ssyncadd.tile.s32 @!p0 $0x1;
	_ =	shalt  }
.Lfunc_end2:
_tile_overlayer_lowered:
.L_overlay_start_2:
0x34c: {  	(tag) =	ssettag $0x2  }
0x34d: {  	s0 =	rddreg [dreg:$0x0];
	s2 =	stileid.u32  }
0x34e: {  	s1 =	rddreg [dreg:$0x1];
	p0 =	sne.s32 s2, $0x0  }
0x34f: {  	s3 =	rddreg [dreg:$0x2];
	[bflag:$0x3] =	sbarrier.arrive $0xFFFF;
	s2 =	simm.s32 @!p0 $0x1C0B  }
0x350: {  	[timem:s3], [sflag:s2] =	dma.local @!p0 [hbm:s0], s1  }
0x351: {  	s0 =	simm.s32 @!p0 $0xB  }
0x352: {  	_ =	swait.ge @!p0 [sflag:s0], s1  }
0x353: {  	s1 =	ssub.s32 @!p0 $0x0, s1;
	[sflag:s0] =	ssyncset.done @!p0 $0x0  }
0x354: {  	[sflag:s0] =	ssyncadd.s32 @!p0 s1  }
0x355: {  	[bflag:$0x3] =	sbarrier.arrive $0xFFFF  }
0x356: {  	_ =	shalt  }

</sc_bundles>
